<compile_context>
chip_gen: v7x
topology: tpu7x:2x2x1
jax: 0.10.2.dev20260603
libtpu: 0.0.44.dev20260713+nightly
codegen_flags: <defaults>
</compile_context>

<pallas_src>
import functools
import math

import numpy as np
import jax
import jax.numpy as jnp
from jax import lax
from jax.experimental import pallas as pl
from jax.experimental.pallas import tpu as pltpu
from jax.experimental.pallas import tpu_sc as plsc

_S, _D = 2048, 768
_H, _HD, _FACTOR = 12, 64, 5
_SK = min(_FACTOR * math.ceil(math.log(_S)), _S)
_NT = min(_FACTOR * math.ceil(math.log(_S)), _S)
_QB = 256
_NQB = _S // _QB


def _threefry2x32(k1, k2, x0, x1):
    rot0, rot1 = (13, 15, 26, 6), (17, 29, 16, 24)
    ks = (np.uint32(k1), np.uint32(k2),
          np.uint32(k1) ^ np.uint32(k2) ^ np.uint32(0x1BD11BDA))
    x0 = (x0 + ks[0]).astype(np.uint32)
    x1 = (x1 + ks[1]).astype(np.uint32)
    sched = ((rot0, ks[1], ks[2], 1), (rot1, ks[2], ks[0], 2),
             (rot0, ks[0], ks[1], 3), (rot1, ks[1], ks[2], 4),
             (rot0, ks[2], ks[0], 5))
    for rots, a, b, i in sched:
        for r in rots:
            x0 = (x0 + x1).astype(np.uint32)
            x1 = ((x1 << np.uint32(r)) | (x1 >> np.uint32(32 - r))).astype(np.uint32)
            x1 = x0 ^ x1
        x0 = (x0 + a).astype(np.uint32)
        x1 = (x1 + b + np.uint32(i)).astype(np.uint32)
    return x0, x1


def _build_count() -> np.ndarray:
    k1, k2 = np.uint32(0), np.uint32(42)
    b1, b2 = _threefry2x32(k1, k2, np.zeros(2, np.uint32),
                           np.arange(2, dtype=np.uint32))
    n = _S * _SK
    zeros = np.zeros(n, np.uint32)
    cnts = np.arange(n, dtype=np.uint32)
    hi1, hi2 = _threefry2x32(b1[0], b2[0], zeros, cnts)
    lo1, lo2 = _threefry2x32(b1[1], b2[1], zeros, cnts)
    higher_bits, lower_bits = hi1 ^ hi2, lo1 ^ lo2
    span = np.uint32(_S)
    mult = np.uint32((2 ** 16) % _S)
    mult = np.uint32((int(mult) * int(mult)) % _S)
    off = ((higher_bits % span) * mult + lower_bits % span) % span
    idx = off.astype(np.int32).reshape(_S, _SK)
    cnt = np.zeros((_S, _S), np.int8)
    np.add.at(cnt, (np.arange(_S)[:, None], idx), 1)
    return cnt


_COUNT = _build_count()
_DN_T = (((1,), (1,)), ((), ()))
_DN_N = (((1,), (0,)), ((), ()))


def _proj_body(x_ref, wq_ref, bq_ref, wk_ref, bk_ref, wv_ref, bv_ref,
               q_ref, k_ref, v_ref):
    x = x_ref[...]
    q = lax.dot_general(x, wq_ref[...], _DN_T,
                        preferred_element_type=jnp.float32) + bq_ref[...]
    k = lax.dot_general(x, wk_ref[...], _DN_T,
                        preferred_element_type=jnp.float32) + bk_ref[...]
    v = lax.dot_general(x, wv_ref[...], _DN_T,
                        preferred_element_type=jnp.float32) + bv_ref[...]
    for h in range(_H):
        sl = slice(h * _HD, (h + 1) * _HD)
        q_ref[h] = q[:, sl]
        k_ref[h] = k[:, sl]
        v_ref[h] = v[:, sl]


def _qkv(x, wq, bq, wk, bk, wv, bv):
    full_w = pl.BlockSpec((_D, _D), lambda i: (0, 0))
    full_b = pl.BlockSpec((_D,), lambda i: (0,))
    out_blk = pl.BlockSpec((_H, _QB, _HD), lambda i: (0, i, 0))
    out = jax.ShapeDtypeStruct((_H, _S, _HD), jnp.float32)
    return pl.pallas_call(
        _proj_body,
        grid=(_NQB,),
        in_specs=[pl.BlockSpec((_QB, _D), lambda i: (i, 0)),
                  full_w, full_b, full_w, full_b, full_w, full_b],
        out_specs=[out_blk, out_blk, out_blk],
        out_shape=[out, out, out],
    )(x, wq, bq, wk, bk, wv, bv)


def _m_body(q_ref, k_ref, cnt_ref, m_ref):
    cntf = cnt_ref[...].astype(jnp.float32)
    sel = cntf > 0.0
    for h in range(_H):
        s = lax.dot_general(q_ref[h], k_ref[h], _DN_T,
                            preferred_element_type=jnp.float32)
        msum = jnp.sum(s * cntf, axis=1) * (1.0 / _S)
        mmax = jnp.max(jnp.where(sel, s, -1e30), axis=1)
        m_ref[h, :] = mmax - msum


def _m_scores(q, k, cnt):
    return pl.pallas_call(
        _m_body,
        grid=(_NQB,),
        in_specs=[
            pl.BlockSpec((_H, _QB, _HD), lambda i: (0, i, 0)),
            pl.BlockSpec((_H, _S, _HD), lambda i: (0, 0, 0)),
            pl.BlockSpec((_QB, _S), lambda i: (i, 0)),
        ],
        out_specs=pl.BlockSpec((_H, _QB), lambda i: (0, i)),
        out_shape=jax.ShapeDtypeStruct((_H, _S), jnp.float32),
    )(q, k, cnt)


def _topk_body(m_ref, idx_ref):
    iota = lax.broadcasted_iota(jnp.int32, (_H, _S), 1)

    def step(j, vals):
        mx = jnp.max(vals, axis=1, keepdims=True)
        idx = jnp.min(jnp.where(vals >= mx, iota, 2 * _S), axis=1)
        idx_ref[pl.ds(j, 1), :] = idx[None, :]
        return jnp.where(iota == idx[:, None], -jnp.inf, vals)

    lax.fori_loop(0, _NT, step, m_ref[...])


def _topk(m):
    return pl.pallas_call(
        _topk_body,
        out_shape=jax.ShapeDtypeStruct((_NT, _H), jnp.int32),
    )(m)


def _attn_body(q_ref, k_ref, v_ref, mt_ref, wo_ref, bo_ref,
               d_ref, base_ref, qr_ref):
    h = pl.program_id(0)
    for j in range(_NT):
        idx = mt_ref[h, 0, j]
        qr_ref[pl.ds(j, 1), :] = q_ref[0, pl.ds(idx, 1), :]
    s = lax.dot_general(qr_ref[...], k_ref[0], _DN_T,
                        preferred_element_type=jnp.float32) * (1.0 / math.sqrt(_HD))
    mx = jnp.max(s, axis=1, keepdims=True)
    e = jnp.exp(s - mx)
    attn = e / jnp.sum(e, axis=1, keepdims=True)
    upd = lax.dot_general(attn, v_ref[0], _DN_N,
                          preferred_element_type=jnp.float32)
    vmean = jnp.mean(v_ref[0], axis=0)
    d_ref[0] = lax.dot_general(upd - vmean[None, :], wo_ref[0], _DN_T,
                               preferred_element_type=jnp.float32)
    bvec = lax.dot_general(vmean[None, :], wo_ref[0], _DN_T,
                           preferred_element_type=jnp.float32)

    @pl.when(h == 0)
    def _():
        base_ref[...] = bo_ref[...][None, :] + bvec

    @pl.when(h != 0)
    def _():
        base_ref[...] = base_ref[...] + bvec


def _sparse_attn(q, k, v, mt, wo3, bo):
    col = pl.BlockSpec((1, _S, _HD), lambda h: (h, 0, 0))
    return pl.pallas_call(
        _attn_body,
        grid=(_H,),
        in_specs=[
            col, col, col,
            pl.BlockSpec(memory_space=pltpu.SMEM),
            pl.BlockSpec((1, _D, _HD), lambda h: (h, 0, 0)),
            pl.BlockSpec((_D,), lambda h: (0,)),
        ],
        out_specs=[
            pl.BlockSpec((1, _NT, _D), lambda h: (h, 0, 0)),
            pl.BlockSpec((1, _D), lambda h: (0, 0)),
        ],
        out_shape=[
            jax.ShapeDtypeStruct((_H, _NT, _D), jnp.float32),
            jax.ShapeDtypeStruct((1, _D), jnp.float32),
        ],
        scratch_shapes=[pltpu.VMEM((_NT, _HD), jnp.float32)],
    )(q, k, v, mt, wo3, bo)


_SC_T = 16
_RPT = _S // _SC_T
_PAIRS = _H * _NT
_PPT = _PAIRS // _SC_T
_PPTP = 32


def _resolve_body(mtc_ref, mtr_ref, d_ref, base_ref, o_ref):
    e = (mtc_ref[...] == mtr_ref[...]).astype(jnp.float32)
    o_ref[...] = lax.dot_general(e, d_ref[...], _DN_N,
                                 preferred_element_type=jnp.float32) + base_ref[...]


def _resolve(mtf, d, base):
    return pl.pallas_call(
        _resolve_body,
        out_shape=jax.ShapeDtypeStruct((_PAIRS, _D), jnp.float32),
    )(mtf.reshape(_PAIRS, 1), mtf.reshape(1, _PAIRS), d, base)


def _sc_assemble_body(base_hbm, d_hbm, mt_hbm, out_hbm, drows_v, mt_v, sem):
    core = lax.axis_index("c")
    wid = lax.axis_index("s")

    @pl.when(core == 0)
    def _():
        pltpu.sync_copy(d_hbm.at[wid], drows_v)
        pltpu.sync_copy(mt_hbm.at[wid], mt_v)
        pltpu.sync_copy(base_hbm, out_hbm.at[pl.ds(wid * _RPT, _RPT)])
        plsc.subcore_barrier()
        q16a = mt_v[pl.ds(0, 16)]
        q16b = mt_v[pl.ds(16, 16)]
        copies = []
        for j in range(_PPTP):
            q = q16a[j] if j < 16 else q16b[j - 16]
            copies.append(pltpu.async_copy(
                drows_v.at[pl.ds(j, 1)], out_hbm.at[pl.ds(q, 1)], sem))
        for c in copies:
            c.wait()


def _assemble(base, d, mt):
    mtf = mt.reshape(_PAIRS)
    rows = _resolve(mtf, d.reshape(_PAIRS, _D), base)
    pad = ((0, 0), (0, _PPTP - _PPT))
    d2 = jnp.pad(rows.reshape(_SC_T, _PPT, _D), pad + ((0, 0),), mode="edge")
    mt2 = jnp.pad(mtf.reshape(_SC_T, _PPT), pad, mode="edge")
    base_blk = jnp.broadcast_to(base, (_RPT, _D))
    fn = pl.kernel(
        _sc_assemble_body,
        out_type=jax.ShapeDtypeStruct((_S, _D), jnp.float32),
        mesh=plsc.VectorSubcoreMesh(core_axis_name="c", subcore_axis_name="s"),
        scratch_types=[
            pltpu.VMEM((_PPTP, _D), jnp.float32),
            pltpu.VMEM((_PPTP,), jnp.int32),
            pltpu.SemaphoreType.DMA,
        ],
    )
    return fn(base_blk, d2, mt2)


def kernel(hidden_states, Wq, bq, Wk, bk, Wv, bv, Wo, bo):
    x = hidden_states[0]
    q, k, v = _qkv(x, Wq, bq, Wk, bk, Wv, bv)
    m = _m_scores(q, k, jnp.asarray(_COUNT))
    mt = _topk(m).T.reshape(_H, 1, _NT)
    wo3 = Wo.reshape(_D, _H, _HD).transpose(1, 0, 2)
    d, base = _sparse_attn(q, k, v, mt, wo3, bo)
    out = _assemble(base, d, mt)
    return out[None]

# --- scband reference (transcript-rebuilt; emitter-appended) ---
"""Pipeline reference for scband-prob-attention-51634096832752 (READ-ONLY COPY).

The authoritative reference and input builder live on the scoring server;
editing this copy changes nothing except your own understanding.
"""

import math
import jax, jax.numpy as jnp
import numpy as np

B, S, D = 1, 2048, 768
H, HD, FACTOR = 12, 64, 5

def setup_inputs(seed: int = 0) -> dict:
    key = jax.random.key(seed)
    ks = jax.random.split(key, 9)
    scale = 1.0 / math.sqrt(D)
    inp = {"hidden_states": jax.random.normal(ks[0], (B, S, D), jnp.float32)}
    inp["Wq"] = jax.random.normal(ks[1], (D, D), jnp.float32) * scale
    inp["bq"] = jnp.zeros((D,), jnp.float32)
    inp["Wk"] = jax.random.normal(ks[2], (D, D), jnp.float32) * scale
    inp["bk"] = jnp.zeros((D,), jnp.float32)
    inp["Wv"] = jax.random.normal(ks[3], (D, D), jnp.float32) * scale
    inp["bv"] = jnp.zeros((D,), jnp.float32)
    inp["Wo"] = jax.random.normal(ks[4], (D, D), jnp.float32) * scale
    inp["bo"] = jnp.zeros((D,), jnp.float32)
    return inp

def reference(hidden_states, Wq, bq, Wk, bk, Wv, bv, Wo, bo):
    batch, q_seq_len, hidden = hidden_states.shape
    kv_seq_len = q_seq_len
    def _shape(x):
        return x.reshape(batch, -1, H, HD).transpose(0, 2, 1, 3)
    query = _shape(hidden_states @ Wq.T + bq)
    key_t = _shape(hidden_states @ Wk.T + bk)
    value = _shape(hidden_states @ Wv.T + bv)
    sample_k = min(FACTOR * math.ceil(math.log(kv_seq_len)), kv_seq_len)
    n_top = min(FACTOR * math.ceil(math.log(q_seq_len)), q_seq_len)
    # random sampling indices (fixed key for determinism); int constants
    index_sample = jax.random.randint(jax.random.key(42), (q_seq_len, sample_k), 0, kv_seq_len)
    # _prob_qk: gather sampled keys per query position -> (B, H, Q, sample_k, HD)
    key_sample = key_t[:, :, index_sample, :]
    q_k_sample = jnp.einsum('bhqd,bhqsd->bhqs', query, key_sample)
    m = q_k_sample.max(axis=-1) - q_k_sample.sum(axis=-1) / kv_seq_len
    m_top = jax.lax.top_k(m, n_top)[1]  # (B, H, n_top)
    q_reduced = jnp.take_along_axis(query, m_top[..., None], axis=2)
    scores = jnp.einsum('bhnd,bhkd->bhnk', q_reduced, key_t) / math.sqrt(HD)
    # _get_context (attention_mask is None, dropout p=0)
    context = jnp.broadcast_to(value.mean(axis=-2, keepdims=True), (batch, H, kv_seq_len, HD))
    attn = jax.nn.softmax(scores, axis=-1)
    update = jnp.einsum('bhnk,bhkd->bhnd', attn, value)
    b_idx = jnp.arange(batch)[:, None, None]
    h_idx = jnp.arange(H)[None, :, None]
    context = context.at[b_idx, h_idx, m_top, :].set(update)
    context = context.transpose(0, 2, 1, 3).reshape(batch, -1, hidden)
    output = context @ Wo.T + bo
    return output

if __name__ == "__main__":
    import jax
    _d = setup_inputs()
    print(jax.jit(kernel)(*tuple(_d.values())))

</pallas_src>

<mosaic_0001>
#map = affine_map<(d0, d1) -> (0, 0)>
#map1 = affine_map<(d0, d1) -> (0, 0, 0)>
module attributes {stable_mosaic.version = 14 : i64} {
  func.func @_sc_assemble_body(%arg0: i32, %arg1: i32, %arg2: memref<128x768xf32, #tpu.memory_space<hbm>>, %arg3: memref<16x32x768xf32, #tpu.memory_space<hbm>>, %arg4: memref<16x32xi32, #tpu.memory_space<hbm>>, %arg5: memref<2048x768xf32, #tpu.memory_space<hbm>>, %arg6: memref<32x768xf32, #tpu.memory_space<vmem>>, %arg7: memref<32xi32, #tpu.memory_space<vmem>>, %arg8: memref<!tpu.dma_semaphore, #tpu.memory_space<semaphore_mem>>) attributes {dimension_semantics = [#tpu.dimension_semantics<core_parallel>, #tpu.dimension_semantics<subcore_parallel>], iteration_bounds = array<i64: 2, 16>, scalar_prefetch = 0 : i64, scratch_operands = 3 : i64, tpu.core_type = #tpu.core_type<sc_vector_subcore>, window_params = [{transform_indices = #map}, {transform_indices = #map1}, {transform_indices = #map}, {transform_indices = #map}]} {
    %eq3A = arith.constant 0 : i32
    %eq3A_0 = arith.cmpi eq, %arg0, %eq3A : i32
    %convert_element_type3A = arith.extui %eq3A_0 : i1 to i32
    %cond3A = arith.constant 0 : i32
    %cond3A_1 = arith.cmpi ne, %convert_element_type3A, %cond3A : i32
    scf.if %cond3A_1 {
      "tpu.region"() ({
        %run_scoped3A = tpu.sem_alloc : memref<!tpu.dma_semaphore, #tpu.memory_space<semaphore_mem>>
        %dma_start3A_708 = arith.constant 0 : i32
        %dma_start3A_709 = arith.constant 0 : i32
        %dma_start3A_710 = tpu.memref_slice %arg3[%arg1, %dma_start3A_708, %dma_start3A_709] : memref<16x32x768xf32, #tpu.memory_space<hbm>> -> memref<1x32x768xf32, #tpu.memory_space<hbm>>
        %dma_start3A_711 = tpu.memref_squeeze %dma_start3A_710 : memref<1x32x768xf32, #tpu.memory_space<hbm>> -> memref<32x768xf32, #tpu.memory_space<hbm>>
        %dma_start3A_712 = arith.constant 0 : i32
        %dma_start3A_713 = arith.constant 0 : i32
        %dma_start3A_714 = tpu.memref_slice %arg3[%arg1, %dma_start3A_712, %dma_start3A_713] : memref<16x32x768xf32, #tpu.memory_space<hbm>> -> memref<1x32x768xf32, #tpu.memory_space<hbm>>
        %dma_start3A_715 = tpu.memref_squeeze %dma_start3A_714 : memref<1x32x768xf32, #tpu.memory_space<hbm>> -> memref<32x768xf32, #tpu.memory_space<hbm>>
        tpu.enqueue_dma source(%dma_start3A_715 : memref<32x768xf32, #tpu.memory_space<hbm>>) target(%arg6 : memref<32x768xf32, #tpu.memory_space<vmem>>) target_semaphore(%run_scoped3A : memref<!tpu.dma_semaphore, #tpu.memory_space<semaphore_mem>>)
        %dma_wait3A_716 = arith.constant 0 : i32
        %dma_wait3A_717 = arith.constant 0 : i32
        %dma_wait3A_718 = tpu.memref_slice %arg3[%arg1, %dma_wait3A_716, %dma_wait3A_717] : memref<16x32x768xf32, #tpu.memory_space<hbm>> -> memref<1x32x768xf32, #tpu.memory_space<hbm>>
        %dma_wait3A_719 = tpu.memref_squeeze %dma_wait3A_718 : memref<1x32x768xf32, #tpu.memory_space<hbm>> -> memref<32x768xf32, #tpu.memory_space<hbm>>
        %dma_wait3A_720 = arith.constant 0 : i32
        %dma_wait3A_721 = arith.constant 0 : i32
        %dma_wait3A_722 = tpu.memref_slice %arg3[%arg1, %dma_wait3A_720, %dma_wait3A_721] : memref<16x32x768xf32, #tpu.memory_space<hbm>> -> memref<1x32x768xf32, #tpu.memory_space<hbm>>
        %dma_wait3A_723 = tpu.memref_squeeze %dma_wait3A_722 : memref<1x32x768xf32, #tpu.memory_space<hbm>> -> memref<32x768xf32, #tpu.memory_space<hbm>>
        tpu.wait_dma2 semaphore(%run_scoped3A : memref<!tpu.dma_semaphore, #tpu.memory_space<semaphore_mem>>) src(%dma_wait3A_723 : memref<32x768xf32, #tpu.memory_space<hbm>>) dst(%arg6 : memref<32x768xf32, #tpu.memory_space<vmem>>)
        tpu.yield
      }) : () -> ()
      "tpu.region"() ({
        %run_scoped3A = tpu.sem_alloc : memref<!tpu.dma_semaphore, #tpu.memory_space<semaphore_mem>>
        %dma_start3A_708 = arith.constant 0 : i32
        %dma_start3A_709 = tpu.memref_slice %arg4[%arg1, %dma_start3A_708] : memref<16x32xi32, #tpu.memory_space<hbm>> -> memref<1x32xi32, #tpu.memory_space<hbm>>
        %dma_start3A_710 = tpu.memref_squeeze %dma_start3A_709 : memref<1x32xi32, #tpu.memory_space<hbm>> -> memref<32xi32, #tpu.memory_space<hbm>>
        %dma_start3A_711 = arith.constant 0 : i32
        %dma_start3A_712 = tpu.memref_slice %arg4[%arg1, %dma_start3A_711] : memref<16x32xi32, #tpu.memory_space<hbm>> -> memref<1x32xi32, #tpu.memory_space<hbm>>
        %dma_start3A_713 = tpu.memref_squeeze %dma_start3A_712 : memref<1x32xi32, #tpu.memory_space<hbm>> -> memref<32xi32, #tpu.memory_space<hbm>>
        tpu.enqueue_dma source(%dma_start3A_713 : memref<32xi32, #tpu.memory_space<hbm>>) target(%arg7 : memref<32xi32, #tpu.memory_space<vmem>>) target_semaphore(%run_scoped3A : memref<!tpu.dma_semaphore, #tpu.memory_space<semaphore_mem>>)
        %dma_wait3A_714 = arith.constant 0 : i32
        %dma_wait3A_715 = tpu.memref_slice %arg4[%arg1, %dma_wait3A_714] : memref<16x32xi32, #tpu.memory_space<hbm>> -> memref<1x32xi32, #tpu.memory_space<hbm>>
        %dma_wait3A_716 = tpu.memref_squeeze %dma_wait3A_715 : memref<1x32xi32, #tpu.memory_space<hbm>> -> memref<32xi32, #tpu.memory_space<hbm>>
        %dma_wait3A_717 = arith.constant 0 : i32
        %dma_wait3A_718 = tpu.memref_slice %arg4[%arg1, %dma_wait3A_717] : memref<16x32xi32, #tpu.memory_space<hbm>> -> memref<1x32xi32, #tpu.memory_space<hbm>>
        %dma_wait3A_719 = tpu.memref_squeeze %dma_wait3A_718 : memref<1x32xi32, #tpu.memory_space<hbm>> -> memref<32xi32, #tpu.memory_space<hbm>>
        tpu.wait_dma2 semaphore(%run_scoped3A : memref<!tpu.dma_semaphore, #tpu.memory_space<semaphore_mem>>) src(%dma_wait3A_719 : memref<32xi32, #tpu.memory_space<hbm>>) dst(%arg7 : memref<32xi32, #tpu.memory_space<vmem>>)
        tpu.yield
      }) : () -> ()
      %mul3A = arith.constant 128 : i32
      %mul3A_2 = arith.muli %arg1, %mul3A : i32
      "tpu.region"() ({
        %run_scoped3A = tpu.sem_alloc : memref<!tpu.dma_semaphore, #tpu.memory_space<semaphore_mem>>
        %dma_start3A_708 = arith.constant 0 : i32
        %dma_start3A_709 = tpu.memref_slice %arg5[%mul3A_2, %dma_start3A_708] : memref<2048x768xf32, #tpu.memory_space<hbm>> -> memref<128x768xf32, #tpu.memory_space<hbm>>
        tpu.enqueue_dma source(%arg2 : memref<128x768xf32, #tpu.memory_space<hbm>>) target(%dma_start3A_709 : memref<128x768xf32, #tpu.memory_space<hbm>>) target_semaphore(%run_scoped3A : memref<!tpu.dma_semaphore, #tpu.memory_space<semaphore_mem>>)
        %dma_wait3A_710 = arith.constant 0 : i32
        %dma_wait3A_711 = tpu.memref_slice %arg5[%mul3A_2, %dma_wait3A_710] : memref<2048x768xf32, #tpu.memory_space<hbm>> -> memref<128x768xf32, #tpu.memory_space<hbm>>
        tpu.wait_dma2 semaphore(%run_scoped3A : memref<!tpu.dma_semaphore, #tpu.memory_space<semaphore_mem>>) src(%arg2 : memref<128x768xf32, #tpu.memory_space<hbm>>) dst(%dma_wait3A_711 : memref<128x768xf32, #tpu.memory_space<hbm>>)
        tpu.yield
      }) : () -> ()
      %barrier3A = arith.constant 0 : index
      tpu.barrier barrier_id(%barrier3A)
      %get3A = arith.constant 0 : index
      %get3A_3 = tpu.vector_load %arg7[%get3A] {strides = array<i32>} : memref<32xi32, #tpu.memory_space<vmem>>, vector<16xi32>,
      %get3A_4 = vector.shape_cast %get3A_3 : vector<16xi32> to vector<16xi32>
      %get3A_5 = arith.constant 16 : index
      %get3A_6 = tpu.vector_load %arg7[%get3A_5] {strides = array<i32>} : memref<32xi32, #tpu.memory_space<vmem>>, vector<16xi32>,
      %get3A_7 = vector.shape_cast %get3A_6 : vector<16xi32> to vector<16xi32>
      %slice3A = vector.extract_strided_slice %get3A_4 {offsets = [0], sizes = [1], strides = [1]} : vector<16xi32> to vector<1xi32>
      %squeeze3A = vector.extract %slice3A[0] : i32 from vector<1xi32>
      %dma_start3A = arith.constant 0 : i32
      %dma_start3A_8 = arith.constant 0 : i32
      %dma_start3A_9 = tpu.memref_slice %arg6[%dma_start3A, %dma_start3A_8] : memref<32x768xf32, #tpu.memory_space<vmem>> -> memref<1x768xf32, #tpu.memory_space<vmem>>
      %dma_start3A_10 = arith.constant 0 : i32
      %dma_start3A_11 = tpu.memref_slice %arg5[%squeeze3A, %dma_start3A_10] : memref<2048x768xf32, #tpu.memory_space<hbm>> -> memref<1x768xf32, #tpu.memory_space<hbm>>
      %dma_start3A_12 = arith.constant 0 : i32
      %dma_start3A_13 = tpu.memref_slice %arg5[%squeeze3A, %dma_start3A_12] : memref<2048x768xf32, #tpu.memory_space<hbm>> -> memref<1x768xf32, #tpu.memory_space<hbm>>
      %dma_start3A_14 = arith.constant 0 : i32
      %dma_start3A_15 = arith.constant 0 : i32
      %dma_start3A_16 = tpu.memref_slice %arg6[%dma_start3A_14, %dma_start3A_15] : memref<32x768xf32, #tpu.memory_space<vmem>> -> memref<1x768xf32, #tpu.memory_space<vmem>>
      tpu.enqueue_dma source(%dma_start3A_16 : memref<1x768xf32, #tpu.memory_space<vmem>>) target(%dma_start3A_13 : memref<1x768xf32, #tpu.memory_space<hbm>>) target_semaphore(%arg8 : memref<!tpu.dma_semaphore, #tpu.memory_space<semaphore_mem>>)
      %slice3A_17 = vector.extract_strided_slice %get3A_4 {offsets = [1], sizes = [1], strides = [1]} : vector<16xi32> to vector<1xi32>
      %squeeze3A_18 = vector.extract %slice3A_17[0] : i32 from vector<1xi32>
      %dma_start3A_19 = arith.constant 1 : i32
      %dma_start3A_20 = arith.constant 0 : i32
      %dma_start3A_21 = tpu.memref_slice %arg6[%dma_start3A_19, %dma_start3A_20] : memref<32x768xf32, #tpu.memory_space<vmem>> -> memref<1x768xf32, #tpu.memory_space<vmem>>
      %dma_start3A_22 = arith.constant 0 : i32
      %dma_start3A_23 = tpu.memref_slice %arg5[%squeeze3A_18, %dma_start3A_22] : memref<2048x768xf32, #tpu.memory_space<hbm>> -> memref<1x768xf32, #tpu.memory_space<hbm>>
      %dma_start3A_24 = arith.constant 0 : i32
      %dma_start3A_25 = tpu.memref_slice %arg5[%squeeze3A_18, %dma_start3A_24] : memref<2048x768xf32, #tpu.memory_space<hbm>> -> memref<1x768xf32, #tpu.memory_space<hbm>>
      %dma_start3A_26 = arith.constant 1 : i32
      %dma_start3A_27 = arith.constant 0 : i32
      %dma_start3A_28 = tpu.memref_slice %arg6[%dma_start3A_26, %dma_start3A_27] : memref<32x768xf32, #tpu.memory_space<vmem>> -> memref<1x768xf32, #tpu.memory_space<vmem>>
      tpu.enqueue_dma source(%dma_start3A_28 : memref<1x768xf32, #tpu.memory_space<vmem>>) target(%dma_start3A_25 : memref<1x768xf32, #tpu.memory_space<hbm>>) target_semaphore(%arg8 : memref<!tpu.dma_semaphore, #tpu.memory_space<semaphore_mem>>)
      %slice3A_29 = vector.extract_strided_slice %get3A_4 {offsets = [2], sizes = [1], strides = [1]} : vector<16xi32> to vector<1xi32>
      %squeeze3A_30 = vector.extract %slice3A_29[0] : i32 from vector<1xi32>
      %dma_start3A_31 = arith.constant 2 : i32
      %dma_start3A_32 = arith.constant 0 : i32
      %dma_start3A_33 = tpu.memref_slice %arg6[%dma_start3A_31, %dma_start3A_32] : memref<32x768xf32, #tpu.memory_space<vmem>> -> memref<1x768xf32, #tpu.memory_space<vmem>>
      %dma_start3A_34 = arith.constant 0 : i32
      %dma_start3A_35 = tpu.memref_slice %arg5[%squeeze3A_30, %dma_start3A_34] : memref<2048x768xf32, #tpu.memory_space<hbm>> -> memref<1x768xf32, #tpu.memory_space<hbm>>
      %dma_start3A_36 = arith.constant 0 : i32
      %dma_start3A_37 = tpu.memref_slice %arg5[%squeeze3A_30, %dma_start3A_36] : memref<2048x768xf32, #tpu.memory_space<hbm>> -> memref<1x768xf32, #tpu.memory_space<hbm>>
      %dma_start3A_38 = arith.constant 2 : i32
      %dma_start3A_39 = arith.constant 0 : i32
      %dma_start3A_40 = tpu.memref_slice %arg6[%dma_start3A_38, %dma_start3A_39] : memref<32x768xf32, #tpu.memory_space<vmem>> -> memref<1x768xf32, #tpu.memory_space<vmem>>
      tpu.enqueue_dma source(%dma_start3A_40 : memref<1x768xf32, #tpu.memory_space<vmem>>) target(%dma_start3A_37 : memref<1x768xf32, #tpu.memory_space<hbm>>) target_semaphore(%arg8 : memref<!tpu.dma_semaphore, #tpu.memory_space<semaphore_mem>>)
      %slice3A_41 = vector.extract_strided_slice %get3A_4 {offsets = [3], sizes = [1], strides = [1]} : vector<16xi32> to vector<1xi32>
      %squeeze3A_42 = vector.extract %slice3A_41[0] : i32 from vector<1xi32>
      %dma_start3A_43 = arith.constant 3 : i32
      %dma_start3A_44 = arith.constant 0 : i32
      %dma_start3A_45 = tpu.memref_slice %arg6[%dma_start3A_43, %dma_start3A_44] : memref<32x768xf32, #tpu.memory_space<vmem>> -> memref<1x768xf32, #tpu.memory_space<vmem>>
      %dma_start3A_46 = arith.constant 0 : i32
      %dma_start3A_47 = tpu.memref_slice %arg5[%squeeze3A_42, %dma_start3A_46] : memref<2048x768xf32, #tpu.memory_space<hbm>> -> memref<1x768xf32, #tpu.memory_space<hbm>>
      %dma_start3A_48 = arith.constant 0 : i32
      %dma_start3A_49 = tpu.memref_slice %arg5[%squeeze3A_42, %dma_start3A_48] : memref<2048x768xf32, #tpu.memory_space<hbm>> -> memref<1x768xf32, #tpu.memory_space<hbm>>
      %dma_start3A_50 = arith.constant 3 : i32
      %dma_start3A_51 = arith.constant 0 : i32
      %dma_start3A_52 = tpu.memref_slice %arg6[%dma_start3A_50, %dma_start3A_51] : memref<32x768xf32, #tpu.memory_space<vmem>> -> memref<1x768xf32, #tpu.memory_space<vmem>>
      tpu.enqueue_dma source(%dma_start3A_52 : memref<1x768xf32, #tpu.memory_space<vmem>>) target(%dma_start3A_49 : memref<1x768xf32, #tpu.memory_space<hbm>>) target_semaphore(%arg8 : memref<!tpu.dma_semaphore, #tpu.memory_space<semaphore_mem>>)
      %slice3A_53 = vector.extract_strided_slice %get3A_4 {offsets = [4], sizes = [1], strides = [1]} : vector<16xi32> to vector<1xi32>
      %squeeze3A_54 = vector.extract %slice3A_53[0] : i32 from vector<1xi32>
      %dma_start3A_55 = arith.constant 4 : i32
      %dma_start3A_56 = arith.constant 0 : i32
      %dma_start3A_57 = tpu.memref_slice %arg6[%dma_start3A_55, %dma_start3A_56] : memref<32x768xf32, #tpu.memory_space<vmem>> -> memref<1x768xf32, #tpu.memory_space<vmem>>
      %dma_start3A_58 = arith.constant 0 : i32
      %dma_start3A_59 = tpu.memref_slice %arg5[%squeeze3A_54, %dma_start3A_58] : memref<2048x768xf32, #tpu.memory_space<hbm>> -> memref<1x768xf32, #tpu.memory_space<hbm>>
      %dma_start3A_60 = arith.constant 0 : i32
      %dma_start3A_61 = tpu.memref_slice %arg5[%squeeze3A_54, %dma_start3A_60] : memref<2048x768xf32, #tpu.memory_space<hbm>> -> memref<1x768xf32, #tpu.memory_space<hbm>>
      %dma_start3A_62 = arith.constant 4 : i32
      %dma_start3A_63 = arith.constant 0 : i32
      %dma_start3A_64 = tpu.memref_slice %arg6[%dma_start3A_62, %dma_start3A_63] : memref<32x768xf32, #tpu.memory_space<vmem>> -> memref<1x768xf32, #tpu.memory_space<vmem>>
      tpu.enqueue_dma source(%dma_start3A_64 : memref<1x768xf32, #tpu.memory_space<vmem>>) target(%dma_start3A_61 : memref<1x768xf32, #tpu.memory_space<hbm>>) target_semaphore(%arg8 : memref<!tpu.dma_semaphore, #tpu.memory_space<semaphore_mem>>)
      %slice3A_65 = vector.extract_strided_slice %get3A_4 {offsets = [5], sizes = [1], strides = [1]} : vector<16xi32> to vector<1xi32>
      %squeeze3A_66 = vector.extract %slice3A_65[0] : i32 from vector<1xi32>
      %dma_start3A_67 = arith.constant 5 : i32
      %dma_start3A_68 = arith.constant 0 : i32
      %dma_start3A_69 = tpu.memref_slice %arg6[%dma_start3A_67, %dma_start3A_68] : memref<32x768xf32, #tpu.memory_space<vmem>> -> memref<1x768xf32, #tpu.memory_space<vmem>>
      %dma_start3A_70 = arith.constant 0 : i32
      %dma_start3A_71 = tpu.memref_slice %arg5[%squeeze3A_66, %dma_start3A_70] : memref<2048x768xf32, #tpu.memory_space<hbm>> -> memref<1x768xf32, #tpu.memory_space<hbm>>
      %dma_start3A_72 = arith.constant 0 : i32
      %dma_start3A_73 = tpu.memref_slice %arg5[%squeeze3A_66, %dma_start3A_72] : memref<2048x768xf32, #tpu.memory_space<hbm>> -> memref<1x768xf32, #tpu.memory_space<hbm>>
      %dma_start3A_74 = arith.constant 5 : i32
      %dma_start3A_75 = arith.constant 0 : i32
      %dma_start3A_76 = tpu.memref_slice %arg6[%dma_start3A_74, %dma_start3A_75] : memref<32x768xf32, #tpu.memory_space<vmem>> -> memref<1x768xf32, #tpu.memory_space<vmem>>
      tpu.enqueue_dma source(%dma_start3A_76 : memref<1x768xf32, #tpu.memory_space<vmem>>) target(%dma_start3A_73 : memref<1x768xf32, #tpu.memory_space<hbm>>) target_semaphore(%arg8 : memref<!tpu.dma_semaphore, #tpu.memory_space<semaphore_mem>>)
      %slice3A_77 = vector.extract_strided_slice %get3A_4 {offsets = [6], sizes = [1], strides = [1]} : vector<16xi32> to vector<1xi32>
      %squeeze3A_78 = vector.extract %slice3A_77[0] : i32 from vector<1xi32>
      %dma_start3A_79 = arith.constant 6 : i32
      %dma_start3A_80 = arith.constant 0 : i32
      %dma_start3A_81 = tpu.memref_slice %arg6[%dma_start3A_79, %dma_start3A_80] : memref<32x768xf32, #tpu.memory_space<vmem>> -> memref<1x768xf32, #tpu.memory_space<vmem>>
      %dma_start3A_82 = arith.constant 0 : i32
      %dma_start3A_83 = tpu.memref_slice %arg5[%squeeze3A_78, %dma_start3A_82] : memref<2048x768xf32, #tpu.memory_space<hbm>> -> memref<1x768xf32, #tpu.memory_space<hbm>>
      %dma_start3A_84 = arith.constant 0 : i32
      %dma_start3A_85 = tpu.memref_slice %arg5[%squeeze3A_78, %dma_start3A_84] : memref<2048x768xf32, #tpu.memory_space<hbm>> -> memref<1x768xf32, #tpu.memory_space<hbm>>
      %dma_start3A_86 = arith.constant 6 : i32
      %dma_start3A_87 = arith.constant 0 : i32
      %dma_start3A_88 = tpu.memref_slice %arg6[%dma_start3A_86, %dma_start3A_87] : memref<32x768xf32, #tpu.memory_space<vmem>> -> memref<1x768xf32, #tpu.memory_space<vmem>>
      tpu.enqueue_dma source(%dma_start3A_88 : memref<1x768xf32, #tpu.memory_space<vmem>>) target(%dma_start3A_85 : memref<1x768xf32, #tpu.memory_space<hbm>>) target_semaphore(%arg8 : memref<!tpu.dma_semaphore, #tpu.memory_space<semaphore_mem>>)
      %slice3A_89 = vector.extract_strided_slice %get3A_4 {offsets = [7], sizes = [1], strides = [1]} : vector<16xi32> to vector<1xi32>
      %squeeze3A_90 = vector.extract %slice3A_89[0] : i32 from vector<1xi32>
      %dma_start3A_91 = arith.constant 7 : i32
      %dma_start3A_92 = arith.constant 0 : i32
      %dma_start3A_93 = tpu.memref_slice %arg6[%dma_start3A_91, %dma_start3A_92] : memref<32x768xf32, #tpu.memory_space<vmem>> -> memref<1x768xf32, #tpu.memory_space<vmem>>
      %dma_start3A_94 = arith.constant 0 : i32
      %dma_start3A_95 = tpu.memref_slice %arg5[%squeeze3A_90, %dma_start3A_94] : memref<2048x768xf32, #tpu.memory_space<hbm>> -> memref<1x768xf32, #tpu.memory_space<hbm>>
      %dma_start3A_96 = arith.constant 0 : i32
      %dma_start3A_97 = tpu.memref_slice %arg5[%squeeze3A_90, %dma_start3A_96] : memref<2048x768xf32, #tpu.memory_space<hbm>> -> memref<1x768xf32, #tpu.memory_space<hbm>>
      %dma_start3A_98 = arith.constant 7 : i32
      %dma_start3A_99 = arith.constant 0 : i32
      %dma_start3A_100 = tpu.memref_slice %arg6[%dma_start3A_98, %dma_start3A_99] : memref<32x768xf32, #tpu.memory_space<vmem>> -> memref<1x768xf32, #tpu.memory_space<vmem>>
      tpu.enqueue_dma source(%dma_start3A_100 : memref<1x768xf32, #tpu.memory_space<vmem>>) target(%dma_start3A_97 : memref<1x768xf32, #tpu.memory_space<hbm>>) target_semaphore(%arg8 : memref<!tpu.dma_semaphore, #tpu.memory_space<semaphore_mem>>)
      %slice3A_101 = vector.extract_strided_slice %get3A_4 {offsets = [8], sizes = [1], strides = [1]} : vector<16xi32> to vector<1xi32>
      %squeeze3A_102 = vector.extract %slice3A_101[0] : i32 from vector<1xi32>
      %dma_start3A_103 = arith.constant 8 : i32
      %dma_start3A_104 = arith.constant 0 : i32
      %dma_start3A_105 = tpu.memref_slice %arg6[%dma_start3A_103, %dma_start3A_104] : memref<32x768xf32, #tpu.memory_space<vmem>> -> memref<1x768xf32, #tpu.memory_space<vmem>>
      %dma_start3A_106 = arith.constant 0 : i32
      %dma_start3A_107 = tpu.memref_slice %arg5[%squeeze3A_102, %dma_start3A_106] : memref<2048x768xf32, #tpu.memory_space<hbm>> -> memref<1x768xf32, #tpu.memory_space<hbm>>
      %dma_start3A_108 = arith.constant 0 : i32
      %dma_start3A_109 = tpu.memref_slice %arg5[%squeeze3A_102, %dma_start3A_108] : memref<2048x768xf32, #tpu.memory_space<hbm>> -> memref<1x768xf32, #tpu.memory_space<hbm>>
      %dma_start3A_110 = arith.constant 8 : i32
      %dma_start3A_111 = arith.constant 0 : i32
      %dma_start3A_112 = tpu.memref_slice %arg6[%dma_start3A_110, %dma_start3A_111] : memref<32x768xf32, #tpu.memory_space<vmem>> -> memref<1x768xf32, #tpu.memory_space<vmem>>
      tpu.enqueue_dma source(%dma_start3A_112 : memref<1x768xf32, #tpu.memory_space<vmem>>) target(%dma_start3A_109 : memref<1x768xf32, #tpu.memory_space<hbm>>) target_semaphore(%arg8 : memref<!tpu.dma_semaphore, #tpu.memory_space<semaphore_mem>>)
      %slice3A_113 = vector.extract_strided_slice %get3A_4 {offsets = [9], sizes = [1], strides = [1]} : vector<16xi32> to vector<1xi32>
      %squeeze3A_114 = vector.extract %slice3A_113[0] : i32 from vector<1xi32>
      %dma_start3A_115 = arith.constant 9 : i32
      %dma_start3A_116 = arith.constant 0 : i32
      %dma_start3A_117 = tpu.memref_slice %arg6[%dma_start3A_115, %dma_start3A_116] : memref<32x768xf32, #tpu.memory_space<vmem>> -> memref<1x768xf32, #tpu.memory_space<vmem>>
      %dma_start3A_118 = arith.constant 0 : i32
      %dma_start3A_119 = tpu.memref_slice %arg5[%squeeze3A_114, %dma_start3A_118] : memref<2048x768xf32, #tpu.memory_space<hbm>> -> memref<1x768xf32, #tpu.memory_space<hbm>>
      %dma_start3A_120 = arith.constant 0 : i32
      %dma_start3A_121 = tpu.memref_slice %arg5[%squeeze3A_114, %dma_start3A_120] : memref<2048x768xf32, #tpu.memory_space<hbm>> -> memref<1x768xf32, #tpu.memory_space<hbm>>
      %dma_start3A_122 = arith.constant 9 : i32
      %dma_start3A_123 = arith.constant 0 : i32
      %dma_start3A_124 = tpu.memref_slice %arg6[%dma_start3A_122, %dma_start3A_123] : memref<32x768xf32, #tpu.memory_space<vmem>> -> memref<1x768xf32, #tpu.memory_space<vmem>>
      tpu.enqueue_dma source(%dma_start3A_124 : memref<1x768xf32, #tpu.memory_space<vmem>>) target(%dma_start3A_121 : memref<1x768xf32, #tpu.memory_space<hbm>>) target_semaphore(%arg8 : memref<!tpu.dma_semaphore, #tpu.memory_space<semaphore_mem>>)
      %slice3A_125 = vector.extract_strided_slice %get3A_4 {offsets = [10], sizes = [1], strides = [1]} : vector<16xi32> to vector<1xi32>
      %squeeze3A_126 = vector.extract %slice3A_125[0] : i32 from vector<1xi32>
      %dma_start3A_127 = arith.constant 10 : i32
      %dma_start3A_128 = arith.constant 0 : i32
      %dma_start3A_129 = tpu.memref_slice %arg6[%dma_start3A_127, %dma_start3A_128] : memref<32x768xf32, #tpu.memory_space<vmem>> -> memref<1x768xf32, #tpu.memory_space<vmem>>
      %dma_start3A_130 = arith.constant 0 : i32
      %dma_start3A_131 = tpu.memref_slice %arg5[%squeeze3A_126, %dma_start3A_130] : memref<2048x768xf32, #tpu.memory_space<hbm>> -> memref<1x768xf32, #tpu.memory_space<hbm>>
      %dma_start3A_132 = arith.constant 0 : i32
      %dma_start3A_133 = tpu.memref_slice %arg5[%squeeze3A_126, %dma_start3A_132] : memref<2048x768xf32, #tpu.memory_space<hbm>> -> memref<1x768xf32, #tpu.memory_space<hbm>>
      %dma_start3A_134 = arith.constant 10 : i32
      %dma_start3A_135 = arith.constant 0 : i32
      %dma_start3A_136 = tpu.memref_slice %arg6[%dma_start3A_134, %dma_start3A_135] : memref<32x768xf32, #tpu.memory_space<vmem>> -> memref<1x768xf32, #tpu.memory_space<vmem>>
      tpu.enqueue_dma source(%dma_start3A_136 : memref<1x768xf32, #tpu.memory_space<vmem>>) target(%dma_start3A_133 : memref<1x768xf32, #tpu.memory_space<hbm>>) target_semaphore(%arg8 : memref<!tpu.dma_semaphore, #tpu.memory_space<semaphore_mem>>)
      %slice3A_137 = vector.extract_strided_slice %get3A_4 {offsets = [11], sizes = [1], strides = [1]} : vector<16xi32> to vector<1xi32>
      %squeeze3A_138 = vector.extract %slice3A_137[0] : i32 from vector<1xi32>
      %dma_start3A_139 = arith.constant 11 : i32
      %dma_start3A_140 = arith.constant 0 : i32
      %dma_start3A_141 = tpu.memref_slice %arg6[%dma_start3A_139, %dma_start3A_140] : memref<32x768xf32, #tpu.memory_space<vmem>> -> memref<1x768xf32, #tpu.memory_space<vmem>>
      %dma_start3A_142 = arith.constant 0 : i32
      %dma_start3A_143 = tpu.memref_slice %arg5[%squeeze3A_138, %dma_start3A_142] : memref<2048x768xf32, #tpu.memory_space<hbm>> -> memref<1x768xf32, #tpu.memory_space<hbm>>
      %dma_start3A_144 = arith.constant 0 : i32
      %dma_start3A_145 = tpu.memref_slice %arg5[%squeeze3A_138, %dma_start3A_144] : memref<2048x768xf32, #tpu.memory_space<hbm>> -> memref<1x768xf32, #tpu.memory_space<hbm>>
      %dma_start3A_146 = arith.constant 11 : i32
      %dma_start3A_147 = arith.constant 0 : i32
      %dma_start3A_148 = tpu.memref_slice %arg6[%dma_start3A_146, %dma_start3A_147] : memref<32x768xf32, #tpu.memory_space<vmem>> -> memref<1x768xf32, #tpu.memory_space<vmem>>
      tpu.enqueue_dma source(%dma_start3A_148 : memref<1x768xf32, #tpu.memory_space<vmem>>) target(%dma_start3A_145 : memref<1x768xf32, #tpu.memory_space<hbm>>) target_semaphore(%arg8 : memref<!tpu.dma_semaphore, #tpu.memory_space<semaphore_mem>>)
      %slice3A_149 = vector.extract_strided_slice %get3A_4 {offsets = [12], sizes = [1], strides = [1]} : vector<16xi32> to vector<1xi32>
      %squeeze3A_150 = vector.extract %slice3A_149[0] : i32 from vector<1xi32>
      %dma_start3A_151 = arith.constant 12 : i32
      %dma_start3A_152 = arith.constant 0 : i32
      %dma_start3A_153 = tpu.memref_slice %arg6[%dma_start3A_151, %dma_start3A_152] : memref<32x768xf32, #tpu.memory_space<vmem>> -> memref<1x768xf32, #tpu.memory_space<vmem>>
      %dma_start3A_154 = arith.constant 0 : i32
      %dma_start3A_155 = tpu.memref_slice %arg5[%squeeze3A_150, %dma_start3A_154] : memref<2048x768xf32, #tpu.memory_space<hbm>> -> memref<1x768xf32, #tpu.memory_space<hbm>>
      %dma_start3A_156 = arith.constant 0 : i32
      %dma_start3A_157 = tpu.memref_slice %arg5[%squeeze3A_150, %dma_start3A_156] : memref<2048x768xf32, #tpu.memory_space<hbm>> -> memref<1x768xf32, #tpu.memory_space<hbm>>
      %dma_start3A_158 = arith.constant 12 : i32
      %dma_start3A_159 = arith.constant 0 : i32
      %dma_start3A_160 = tpu.memref_slice %arg6[%dma_start3A_158, %dma_start3A_159] : memref<32x768xf32, #tpu.memory_space<vmem>> -> memref<1x768xf32, #tpu.memory_space<vmem>>
      tpu.enqueue_dma source(%dma_start3A_160 : memref<1x768xf32, #tpu.memory_space<vmem>>) target(%dma_start3A_157 : memref<1x768xf32, #tpu.memory_space<hbm>>) target_semaphore(%arg8 : memref<!tpu.dma_semaphore, #tpu.memory_space<semaphore_mem>>)
      %slice3A_161 = vector.extract_strided_slice %get3A_4 {offsets = [13], sizes = [1], strides = [1]} : vector<16xi32> to vector<1xi32>
      %squeeze3A_162 = vector.extract %slice3A_161[0] : i32 from vector<1xi32>
      %dma_start3A_163 = arith.constant 13 : i32
      %dma_start3A_164 = arith.constant 0 : i32
      %dma_start3A_165 = tpu.memref_slice %arg6[%dma_start3A_163, %dma_start3A_164] : memref<32x768xf32, #tpu.memory_space<vmem>> -> memref<1x768xf32, #tpu.memory_space<vmem>>
      %dma_start3A_166 = arith.constant 0 : i32
      %dma_start3A_167 = tpu.memref_slice %arg5[%squeeze3A_162, %dma_start3A_166] : memref<2048x768xf32, #tpu.memory_space<hbm>> -> memref<1x768xf32, #tpu.memory_space<hbm>>
      %dma_start3A_168 = arith.constant 0 : i32
      %dma_start3A_169 = tpu.memref_slice %arg5[%squeeze3A_162, %dma_start3A_168] : memref<2048x768xf32, #tpu.memory_space<hbm>> -> memref<1x768xf32, #tpu.memory_space<hbm>>
      %dma_start3A_170 = arith.constant 13 : i32
      %dma_start3A_171 = arith.constant 0 : i32
      %dma_start3A_172 = tpu.memref_slice %arg6[%dma_start3A_170, %dma_start3A_171] : memref<32x768xf32, #tpu.memory_space<vmem>> -> memref<1x768xf32, #tpu.memory_space<vmem>>
      tpu.enqueue_dma source(%dma_start3A_172 : memref<1x768xf32, #tpu.memory_space<vmem>>) target(%dma_start3A_169 : memref<1x768xf32, #tpu.memory_space<hbm>>) target_semaphore(%arg8 : memref<!tpu.dma_semaphore, #tpu.memory_space<semaphore_mem>>)
      %slice3A_173 = vector.extract_strided_slice %get3A_4 {offsets = [14], sizes = [1], strides = [1]} : vector<16xi32> to vector<1xi32>
      %squeeze3A_174 = vector.extract %slice3A_173[0] : i32 from vector<1xi32>
      %dma_start3A_175 = arith.constant 14 : i32
      %dma_start3A_176 = arith.constant 0 : i32
      %dma_start3A_177 = tpu.memref_slice %arg6[%dma_start3A_175, %dma_start3A_176] : memref<32x768xf32, #tpu.memory_space<vmem>> -> memref<1x768xf32, #tpu.memory_space<vmem>>
      %dma_start3A_178 = arith.constant 0 : i32
      %dma_start3A_179 = tpu.memref_slice %arg5[%squeeze3A_174, %dma_start3A_178] : memref<2048x768xf32, #tpu.memory_space<hbm>> -> memref<1x768xf32, #tpu.memory_space<hbm>>
      %dma_start3A_180 = arith.constant 0 : i32
      %dma_start3A_181 = tpu.memref_slice %arg5[%squeeze3A_174, %dma_start3A_180] : memref<2048x768xf32, #tpu.memory_space<hbm>> -> memref<1x768xf32, #tpu.memory_space<hbm>>
      %dma_start3A_182 = arith.constant 14 : i32
      %dma_start3A_183 = arith.constant 0 : i32
      %dma_start3A_184 = tpu.memref_slice %arg6[%dma_start3A_182, %dma_start3A_183] : memref<32x768xf32, #tpu.memory_space<vmem>> -> memref<1x768xf32, #tpu.memory_space<vmem>>
      tpu.enqueue_dma source(%dma_start3A_184 : memref<1x768xf32, #tpu.memory_space<vmem>>) target(%dma_start3A_181 : memref<1x768xf32, #tpu.memory_space<hbm>>) target_semaphore(%arg8 : memref<!tpu.dma_semaphore, #tpu.memory_space<semaphore_mem>>)
      %slice3A_185 = vector.extract_strided_slice %get3A_4 {offsets = [15], sizes = [1], strides = [1]} : vector<16xi32> to vector<1xi32>
      %squeeze3A_186 = vector.extract %slice3A_185[0] : i32 from vector<1xi32>
      %dma_start3A_187 = arith.constant 15 : i32
      %dma_start3A_188 = arith.constant 0 : i32
      %dma_start3A_189 = tpu.memref_slice %arg6[%dma_start3A_187, %dma_start3A_188] : memref<32x768xf32, #tpu.memory_space<vmem>> -> memref<1x768xf32, #tpu.memory_space<vmem>>
      %dma_start3A_190 = arith.constant 0 : i32
      %dma_start3A_191 = tpu.memref_slice %arg5[%squeeze3A_186, %dma_start3A_190] : memref<2048x768xf32, #tpu.memory_space<hbm>> -> memref<1x768xf32, #tpu.memory_space<hbm>>
      %dma_start3A_192 = arith.constant 0 : i32
      %dma_start3A_193 = tpu.memref_slice %arg5[%squeeze3A_186, %dma_start3A_192] : memref<2048x768xf32, #tpu.memory_space<hbm>> -> memref<1x768xf32, #tpu.memory_space<hbm>>
      %dma_start3A_194 = arith.constant 15 : i32
      %dma_start3A_195 = arith.constant 0 : i32
      %dma_start3A_196 = tpu.memref_slice %arg6[%dma_start3A_194, %dma_start3A_195] : memref<32x768xf32, #tpu.memory_space<vmem>> -> memref<1x768xf32, #tpu.memory_space<vmem>>
      tpu.enqueue_dma source(%dma_start3A_196 : memref<1x768xf32, #tpu.memory_space<vmem>>) target(%dma_start3A_193 : memref<1x768xf32, #tpu.memory_space<hbm>>) target_semaphore(%arg8 : memref<!tpu.dma_semaphore, #tpu.memory_space<semaphore_mem>>)
      %slice3A_197 = vector.extract_strided_slice %get3A_7 {offsets = [0], sizes = [1], strides = [1]} : vector<16xi32> to vector<1xi32>
      %squeeze3A_198 = vector.extract %slice3A_197[0] : i32 from vector<1xi32>
      %dma_start3A_199 = arith.constant 16 : i32
      %dma_start3A_200 = arith.constant 0 : i32
      %dma_start3A_201 = tpu.memref_slice %arg6[%dma_start3A_199, %dma_start3A_200] : memref<32x768xf32, #tpu.memory_space<vmem>> -> memref<1x768xf32, #tpu.memory_space<vmem>>
      %dma_start3A_202 = arith.constant 0 : i32
      %dma_start3A_203 = tpu.memref_slice %arg5[%squeeze3A_198, %dma_start3A_202] : memref<2048x768xf32, #tpu.memory_space<hbm>> -> memref<1x768xf32, #tpu.memory_space<hbm>>
      %dma_start3A_204 = arith.constant 0 : i32
      %dma_start3A_205 = tpu.memref_slice %arg5[%squeeze3A_198, %dma_start3A_204] : memref<2048x768xf32, #tpu.memory_space<hbm>> -> memref<1x768xf32, #tpu.memory_space<hbm>>
      %dma_start3A_206 = arith.constant 16 : i32
      %dma_start3A_207 = arith.constant 0 : i32
      %dma_start3A_208 = tpu.memref_slice %arg6[%dma_start3A_206, %dma_start3A_207] : memref<32x768xf32, #tpu.memory_space<vmem>> -> memref<1x768xf32, #tpu.memory_space<vmem>>
      tpu.enqueue_dma source(%dma_start3A_208 : memref<1x768xf32, #tpu.memory_space<vmem>>) target(%dma_start3A_205 : memref<1x768xf32, #tpu.memory_space<hbm>>) target_semaphore(%arg8 : memref<!tpu.dma_semaphore, #tpu.memory_space<semaphore_mem>>)
      %slice3A_209 = vector.extract_strided_slice %get3A_7 {offsets = [1], sizes = [1], strides = [1]} : vector<16xi32> to vector<1xi32>
      %squeeze3A_210 = vector.extract %slice3A_209[0] : i32 from vector<1xi32>
      %dma_start3A_211 = arith.constant 17 : i32
      %dma_start3A_212 = arith.constant 0 : i32
      %dma_start3A_213 = tpu.memref_slice %arg6[%dma_start3A_211, %dma_start3A_212] : memref<32x768xf32, #tpu.memory_space<vmem>> -> memref<1x768xf32, #tpu.memory_space<vmem>>
      %dma_start3A_214 = arith.constant 0 : i32
      %dma_start3A_215 = tpu.memref_slice %arg5[%squeeze3A_210, %dma_start3A_214] : memref<2048x768xf32, #tpu.memory_space<hbm>> -> memref<1x768xf32, #tpu.memory_space<hbm>>
      %dma_start3A_216 = arith.constant 0 : i32
      %dma_start3A_217 = tpu.memref_slice %arg5[%squeeze3A_210, %dma_start3A_216] : memref<2048x768xf32, #tpu.memory_space<hbm>> -> memref<1x768xf32, #tpu.memory_space<hbm>>
      %dma_start3A_218 = arith.constant 17 : i32
      %dma_start3A_219 = arith.constant 0 : i32
      %dma_start3A_220 = tpu.memref_slice %arg6[%dma_start3A_218, %dma_start3A_219] : memref<32x768xf32, #tpu.memory_space<vmem>> -> memref<1x768xf32, #tpu.memory_space<vmem>>
      tpu.enqueue_dma source(%dma_start3A_220 : memref<1x768xf32, #tpu.memory_space<vmem>>) target(%dma_start3A_217 : memref<1x768xf32, #tpu.memory_space<hbm>>) target_semaphore(%arg8 : memref<!tpu.dma_semaphore, #tpu.memory_space<semaphore_mem>>)
      %slice3A_221 = vector.extract_strided_slice %get3A_7 {offsets = [2], sizes = [1], strides = [1]} : vector<16xi32> to vector<1xi32>
      %squeeze3A_222 = vector.extract %slice3A_221[0] : i32 from vector<1xi32>
      %dma_start3A_223 = arith.constant 18 : i32
      %dma_start3A_224 = arith.constant 0 : i32
      %dma_start3A_225 = tpu.memref_slice %arg6[%dma_start3A_223, %dma_start3A_224] : memref<32x768xf32, #tpu.memory_space<vmem>> -> memref<1x768xf32, #tpu.memory_space<vmem>>
      %dma_start3A_226 = arith.constant 0 : i32
      %dma_start3A_227 = tpu.memref_slice %arg5[%squeeze3A_222, %dma_start3A_226] : memref<2048x768xf32, #tpu.memory_space<hbm>> -> memref<1x768xf32, #tpu.memory_space<hbm>>
      %dma_start3A_228 = arith.constant 0 : i32
      %dma_start3A_229 = tpu.memref_slice %arg5[%squeeze3A_222, %dma_start3A_228] : memref<2048x768xf32, #tpu.memory_space<hbm>> -> memref<1x768xf32, #tpu.memory_space<hbm>>
      %dma_start3A_230 = arith.constant 18 : i32
      %dma_start3A_231 = arith.constant 0 : i32
      %dma_start3A_232 = tpu.memref_slice %arg6[%dma_start3A_230, %dma_start3A_231] : memref<32x768xf32, #tpu.memory_space<vmem>> -> memref<1x768xf32, #tpu.memory_space<vmem>>
      tpu.enqueue_dma source(%dma_start3A_232 : memref<1x768xf32, #tpu.memory_space<vmem>>) target(%dma_start3A_229 : memref<1x768xf32, #tpu.memory_space<hbm>>) target_semaphore(%arg8 : memref<!tpu.dma_semaphore, #tpu.memory_space<semaphore_mem>>)
      %slice3A_233 = vector.extract_strided_slice %get3A_7 {offsets = [3], sizes = [1], strides = [1]} : vector<16xi32> to vector<1xi32>
      %squeeze3A_234 = vector.extract %slice3A_233[0] : i32 from vector<1xi32>
      %dma_start3A_235 = arith.constant 19 : i32
      %dma_start3A_236 = arith.constant 0 : i32
      %dma_start3A_237 = tpu.memref_slice %arg6[%dma_start3A_235, %dma_start3A_236] : memref<32x768xf32, #tpu.memory_space<vmem>> -> memref<1x768xf32, #tpu.memory_space<vmem>>
      %dma_start3A_238 = arith.constant 0 : i32
      %dma_start3A_239 = tpu.memref_slice %arg5[%squeeze3A_234, %dma_start3A_238] : memref<2048x768xf32, #tpu.memory_space<hbm>> -> memref<1x768xf32, #tpu.memory_space<hbm>>
      %dma_start3A_240 = arith.constant 0 : i32
      %dma_start3A_241 = tpu.memref_slice %arg5[%squeeze3A_234, %dma_start3A_240] : memref<2048x768xf32, #tpu.memory_space<hbm>> -> memref<1x768xf32, #tpu.memory_space<hbm>>
      %dma_start3A_242 = arith.constant 19 : i32
      %dma_start3A_243 = arith.constant 0 : i32
      %dma_start3A_244 = tpu.memref_slice %arg6[%dma_start3A_242, %dma_start3A_243] : memref<32x768xf32, #tpu.memory_space<vmem>> -> memref<1x768xf32, #tpu.memory_space<vmem>>
      tpu.enqueue_dma source(%dma_start3A_244 : memref<1x768xf32, #tpu.memory_space<vmem>>) target(%dma_start3A_241 : memref<1x768xf32, #tpu.memory_space<hbm>>) target_semaphore(%arg8 : memref<!tpu.dma_semaphore, #tpu.memory_space<semaphore_mem>>)
      %slice3A_245 = vector.extract_strided_slice %get3A_7 {offsets = [4], sizes = [1], strides = [1]} : vector<16xi32> to vector<1xi32>
      %squeeze3A_246 = vector.extract %slice3A_245[0] : i32 from vector<1xi32>
      %dma_start3A_247 = arith.constant 20 : i32
      %dma_start3A_248 = arith.constant 0 : i32
      %dma_start3A_249 = tpu.memref_slice %arg6[%dma_start3A_247, %dma_start3A_248] : memref<32x768xf32, #tpu.memory_space<vmem>> -> memref<1x768xf32, #tpu.memory_space<vmem>>
      %dma_start3A_250 = arith.constant 0 : i32
      %dma_start3A_251 = tpu.memref_slice %arg5[%squeeze3A_246, %dma_start3A_250] : memref<2048x768xf32, #tpu.memory_space<hbm>> -> memref<1x768xf32, #tpu.memory_space<hbm>>
      %dma_start3A_252 = arith.constant 0 : i32
      %dma_start3A_253 = tpu.memref_slice %arg5[%squeeze3A_246, %dma_start3A_252] : memref<2048x768xf32, #tpu.memory_space<hbm>> -> memref<1x768xf32, #tpu.memory_space<hbm>>
      %dma_start3A_254 = arith.constant 20 : i32
      %dma_start3A_255 = arith.constant 0 : i32
      %dma_start3A_256 = tpu.memref_slice %arg6[%dma_start3A_254, %dma_start3A_255] : memref<32x768xf32, #tpu.memory_space<vmem>> -> memref<1x768xf32, #tpu.memory_space<vmem>>
      tpu.enqueue_dma source(%dma_start3A_256 : memref<1x768xf32, #tpu.memory_space<vmem>>) target(%dma_start3A_253 : memref<1x768xf32, #tpu.memory_space<hbm>>) target_semaphore(%arg8 : memref<!tpu.dma_semaphore, #tpu.memory_space<semaphore_mem>>)
      %slice3A_257 = vector.extract_strided_slice %get3A_7 {offsets = [5], sizes = [1], strides = [1]} : vector<16xi32> to vector<1xi32>
      %squeeze3A_258 = vector.extract %slice3A_257[0] : i32 from vector<1xi32>
      %dma_start3A_259 = arith.constant 21 : i32
      %dma_start3A_260 = arith.constant 0 : i32
      %dma_start3A_261 = tpu.memref_slice %arg6[%dma_start3A_259, %dma_start3A_260] : memref<32x768xf32, #tpu.memory_space<vmem>> -> memref<1x768xf32, #tpu.memory_space<vmem>>
      %dma_start3A_262 = arith.constant 0 : i32
      %dma_start3A_263 = tpu.memref_slice %arg5[%squeeze3A_258, %dma_start3A_262] : memref<2048x768xf32, #tpu.memory_space<hbm>> -> memref<1x768xf32, #tpu.memory_space<hbm>>
      %dma_start3A_264 = arith.constant 0 : i32
      %dma_start3A_265 = tpu.memref_slice %arg5[%squeeze3A_258, %dma_start3A_264] : memref<2048x768xf32, #tpu.memory_space<hbm>> -> memref<1x768xf32, #tpu.memory_space<hbm>>
      %dma_start3A_266 = arith.constant 21 : i32
      %dma_start3A_267 = arith.constant 0 : i32
      %dma_start3A_268 = tpu.memref_slice %arg6[%dma_start3A_266, %dma_start3A_267] : memref<32x768xf32, #tpu.memory_space<vmem>> -> memref<1x768xf32, #tpu.memory_space<vmem>>
      tpu.enqueue_dma source(%dma_start3A_268 : memref<1x768xf32, #tpu.memory_space<vmem>>) target(%dma_start3A_265 : memref<1x768xf32, #tpu.memory_space<hbm>>) target_semaphore(%arg8 : memref<!tpu.dma_semaphore, #tpu.memory_space<semaphore_mem>>)
      %slice3A_269 = vector.extract_strided_slice %get3A_7 {offsets = [6], sizes = [1], strides = [1]} : vector<16xi32> to vector<1xi32>
      %squeeze3A_270 = vector.extract %slice3A_269[0] : i32 from vector<1xi32>
      %dma_start3A_271 = arith.constant 22 : i32
      %dma_start3A_272 = arith.constant 0 : i32
      %dma_start3A_273 = tpu.memref_slice %arg6[%dma_start3A_271, %dma_start3A_272] : memref<32x768xf32, #tpu.memory_space<vmem>> -> memref<1x768xf32, #tpu.memory_space<vmem>>
      %dma_start3A_274 = arith.constant 0 : i32
      %dma_start3A_275 = tpu.memref_slice %arg5[%squeeze3A_270, %dma_start3A_274] : memref<2048x768xf32, #tpu.memory_space<hbm>> -> memref<1x768xf32, #tpu.memory_space<hbm>>
      %dma_start3A_276 = arith.constant 0 : i32
      %dma_start3A_277 = tpu.memref_slice %arg5[%squeeze3A_270, %dma_start3A_276] : memref<2048x768xf32, #tpu.memory_space<hbm>> -> memref<1x768xf32, #tpu.memory_space<hbm>>
      %dma_start3A_278 = arith.constant 22 : i32
      %dma_start3A_279 = arith.constant 0 : i32
      %dma_start3A_280 = tpu.memref_slice %arg6[%dma_start3A_278, %dma_start3A_279] : memref<32x768xf32, #tpu.memory_space<vmem>> -> memref<1x768xf32, #tpu.memory_space<vmem>>
      tpu.enqueue_dma source(%dma_start3A_280 : memref<1x768xf32, #tpu.memory_space<vmem>>) target(%dma_start3A_277 : memref<1x768xf32, #tpu.memory_space<hbm>>) target_semaphore(%arg8 : memref<!tpu.dma_semaphore, #tpu.memory_space<semaphore_mem>>)
      %slice3A_281 = vector.extract_strided_slice %get3A_7 {offsets = [7], sizes = [1], strides = [1]} : vector<16xi32> to vector<1xi32>
      %squeeze3A_282 = vector.extract %slice3A_281[0] : i32 from vector<1xi32>
      %dma_start3A_283 = arith.constant 23 : i32
      %dma_start3A_284 = arith.constant 0 : i32
      %dma_start3A_285 = tpu.memref_slice %arg6[%dma_start3A_283, %dma_start3A_284] : memref<32x768xf32, #tpu.memory_space<vmem>> -> memref<1x768xf32, #tpu.memory_space<vmem>>
      %dma_start3A_286 = arith.constant 0 : i32
      %dma_start3A_287 = tpu.memref_slice %arg5[%squeeze3A_282, %dma_start3A_286] : memref<2048x768xf32, #tpu.memory_space<hbm>> -> memref<1x768xf32, #tpu.memory_space<hbm>>
      %dma_start3A_288 = arith.constant 0 : i32
      %dma_start3A_289 = tpu.memref_slice %arg5[%squeeze3A_282, %dma_start3A_288] : memref<2048x768xf32, #tpu.memory_space<hbm>> -> memref<1x768xf32, #tpu.memory_space<hbm>>
      %dma_start3A_290 = arith.constant 23 : i32
      %dma_start3A_291 = arith.constant 0 : i32
      %dma_start3A_292 = tpu.memref_slice %arg6[%dma_start3A_290, %dma_start3A_291] : memref<32x768xf32, #tpu.memory_space<vmem>> -> memref<1x768xf32, #tpu.memory_space<vmem>>
      tpu.enqueue_dma source(%dma_start3A_292 : memref<1x768xf32, #tpu.memory_space<vmem>>) target(%dma_start3A_289 : memref<1x768xf32, #tpu.memory_space<hbm>>) target_semaphore(%arg8 : memref<!tpu.dma_semaphore, #tpu.memory_space<semaphore_mem>>)
      %slice3A_293 = vector.extract_strided_slice %get3A_7 {offsets = [8], sizes = [1], strides = [1]} : vector<16xi32> to vector<1xi32>
      %squeeze3A_294 = vector.extract %slice3A_293[0] : i32 from vector<1xi32>
      %dma_start3A_295 = arith.constant 24 : i32
      %dma_start3A_296 = arith.constant 0 : i32
      %dma_start3A_297 = tpu.memref_slice %arg6[%dma_start3A_295, %dma_start3A_296] : memref<32x768xf32, #tpu.memory_space<vmem>> -> memref<1x768xf32, #tpu.memory_space<vmem>>
      %dma_start3A_298 = arith.constant 0 : i32
      %dma_start3A_299 = tpu.memref_slice %arg5[%squeeze3A_294, %dma_start3A_298] : memref<2048x768xf32, #tpu.memory_space<hbm>> -> memref<1x768xf32, #tpu.memory_space<hbm>>
      %dma_start3A_300 = arith.constant 0 : i32
      %dma_start3A_301 = tpu.memref_slice %arg5[%squeeze3A_294, %dma_start3A_300] : memref<2048x768xf32, #tpu.memory_space<hbm>> -> memref<1x768xf32, #tpu.memory_space<hbm>>
      %dma_start3A_302 = arith.constant 24 : i32
      %dma_start3A_303 = arith.constant 0 : i32
      %dma_start3A_304 = tpu.memref_slice %arg6[%dma_start3A_302, %dma_start3A_303] : memref<32x768xf32, #tpu.memory_space<vmem>> -> memref<1x768xf32, #tpu.memory_space<vmem>>
      tpu.enqueue_dma source(%dma_start3A_304 : memref<1x768xf32, #tpu.memory_space<vmem>>) target(%dma_start3A_301 : memref<1x768xf32, #tpu.memory_space<hbm>>) target_semaphore(%arg8 : memref<!tpu.dma_semaphore, #tpu.memory_space<semaphore_mem>>)
      %slice3A_305 = vector.extract_strided_slice %get3A_7 {offsets = [9], sizes = [1], strides = [1]} : vector<16xi32> to vector<1xi32>
      %squeeze3A_306 = vector.extract %slice3A_305[0] : i32 from vector<1xi32>
      %dma_start3A_307 = arith.constant 25 : i32
      %dma_start3A_308 = arith.constant 0 : i32
      %dma_start3A_309 = tpu.memref_slice %arg6[%dma_start3A_307, %dma_start3A_308] : memref<32x768xf32, #tpu.memory_space<vmem>> -> memref<1x768xf32, #tpu.memory_space<vmem>>
      %dma_start3A_310 = arith.constant 0 : i32
      %dma_start3A_311 = tpu.memref_slice %arg5[%squeeze3A_306, %dma_start3A_310] : memref<2048x768xf32, #tpu.memory_space<hbm>> -> memref<1x768xf32, #tpu.memory_space<hbm>>
      %dma_start3A_312 = arith.constant 0 : i32
      %dma_start3A_313 = tpu.memref_slice %arg5[%squeeze3A_306, %dma_start3A_312] : memref<2048x768xf32, #tpu.memory_space<hbm>> -> memref<1x768xf32, #tpu.memory_space<hbm>>
      %dma_start3A_314 = arith.constant 25 : i32
      %dma_start3A_315 = arith.constant 0 : i32
      %dma_start3A_316 = tpu.memref_slice %arg6[%dma_start3A_314, %dma_start3A_315] : memref<32x768xf32, #tpu.memory_space<vmem>> -> memref<1x768xf32, #tpu.memory_space<vmem>>
      tpu.enqueue_dma source(%dma_start3A_316 : memref<1x768xf32, #tpu.memory_space<vmem>>) target(%dma_start3A_313 : memref<1x768xf32, #tpu.memory_space<hbm>>) target_semaphore(%arg8 : memref<!tpu.dma_semaphore, #tpu.memory_space<semaphore_mem>>)
      %slice3A_317 = vector.extract_strided_slice %get3A_7 {offsets = [10], sizes = [1], strides = [1]} : vector<16xi32> to vector<1xi32>
      %squeeze3A_318 = vector.extract %slice3A_317[0] : i32 from vector<1xi32>
      %dma_start3A_319 = arith.constant 26 : i32
      %dma_start3A_320 = arith.constant 0 : i32
      %dma_start3A_321 = tpu.memref_slice %arg6[%dma_start3A_319, %dma_start3A_320] : memref<32x768xf32, #tpu.memory_space<vmem>> -> memref<1x768xf32, #tpu.memory_space<vmem>>
      %dma_start3A_322 = arith.constant 0 : i32
      %dma_start3A_323 = tpu.memref_slice %arg5[%squeeze3A_318, %dma_start3A_322] : memref<2048x768xf32, #tpu.memory_space<hbm>> -> memref<1x768xf32, #tpu.memory_space<hbm>>
      %dma_start3A_324 = arith.constant 0 : i32
      %dma_start3A_325 = tpu.memref_slice %arg5[%squeeze3A_318, %dma_start3A_324] : memref<2048x768xf32, #tpu.memory_space<hbm>> -> memref<1x768xf32, #tpu.memory_space<hbm>>
      %dma_start3A_326 = arith.constant 26 : i32
      %dma_start3A_327 = arith.constant 0 : i32
      %dma_start3A_328 = tpu.memref_slice %arg6[%dma_start3A_326, %dma_start3A_327] : memref<32x768xf32, #tpu.memory_space<vmem>> -> memref<1x768xf32, #tpu.memory_space<vmem>>
      tpu.enqueue_dma source(%dma_start3A_328 : memref<1x768xf32, #tpu.memory_space<vmem>>) target(%dma_start3A_325 : memref<1x768xf32, #tpu.memory_space<hbm>>) target_semaphore(%arg8 : memref<!tpu.dma_semaphore, #tpu.memory_space<semaphore_mem>>)
      %slice3A_329 = vector.extract_strided_slice %get3A_7 {offsets = [11], sizes = [1], strides = [1]} : vector<16xi32> to vector<1xi32>
      %squeeze3A_330 = vector.extract %slice3A_329[0] : i32 from vector<1xi32>
      %dma_start3A_331 = arith.constant 27 : i32
      %dma_start3A_332 = arith.constant 0 : i32
      %dma_start3A_333 = tpu.memref_slice %arg6[%dma_start3A_331, %dma_start3A_332] : memref<32x768xf32, #tpu.memory_space<vmem>> -> memref<1x768xf32, #tpu.memory_space<vmem>>
      %dma_start3A_334 = arith.constant 0 : i32
      %dma_start3A_335 = tpu.memref_slice %arg5[%squeeze3A_330, %dma_start3A_334] : memref<2048x768xf32, #tpu.memory_space<hbm>> -> memref<1x768xf32, #tpu.memory_space<hbm>>
      %dma_start3A_336 = arith.constant 0 : i32
      %dma_start3A_337 = tpu.memref_slice %arg5[%squeeze3A_330, %dma_start3A_336] : memref<2048x768xf32, #tpu.memory_space<hbm>> -> memref<1x768xf32, #tpu.memory_space<hbm>>
      %dma_start3A_338 = arith.constant 27 : i32
      %dma_start3A_339 = arith.constant 0 : i32
      %dma_start3A_340 = tpu.memref_slice %arg6[%dma_start3A_338, %dma_start3A_339] : memref<32x768xf32, #tpu.memory_space<vmem>> -> memref<1x768xf32, #tpu.memory_space<vmem>>
      tpu.enqueue_dma source(%dma_start3A_340 : memref<1x768xf32, #tpu.memory_space<vmem>>) target(%dma_start3A_337 : memref<1x768xf32, #tpu.memory_space<hbm>>) target_semaphore(%arg8 : memref<!tpu.dma_semaphore, #tpu.memory_space<semaphore_mem>>)
      %slice3A_341 = vector.extract_strided_slice %get3A_7 {offsets = [12], sizes = [1], strides = [1]} : vector<16xi32> to vector<1xi32>
      %squeeze3A_342 = vector.extract %slice3A_341[0] : i32 from vector<1xi32>
      %dma_start3A_343 = arith.constant 28 : i32
      %dma_start3A_344 = arith.constant 0 : i32
      %dma_start3A_345 = tpu.memref_slice %arg6[%dma_start3A_343, %dma_start3A_344] : memref<32x768xf32, #tpu.memory_space<vmem>> -> memref<1x768xf32, #tpu.memory_space<vmem>>
      %dma_start3A_346 = arith.constant 0 : i32
      %dma_start3A_347 = tpu.memref_slice %arg5[%squeeze3A_342, %dma_start3A_346] : memref<2048x768xf32, #tpu.memory_space<hbm>> -> memref<1x768xf32, #tpu.memory_space<hbm>>
      %dma_start3A_348 = arith.constant 0 : i32
      %dma_start3A_349 = tpu.memref_slice %arg5[%squeeze3A_342, %dma_start3A_348] : memref<2048x768xf32, #tpu.memory_space<hbm>> -> memref<1x768xf32, #tpu.memory_space<hbm>>
      %dma_start3A_350 = arith.constant 28 : i32
      %dma_start3A_351 = arith.constant 0 : i32
      %dma_start3A_352 = tpu.memref_slice %arg6[%dma_start3A_350, %dma_start3A_351] : memref<32x768xf32, #tpu.memory_space<vmem>> -> memref<1x768xf32, #tpu.memory_space<vmem>>
      tpu.enqueue_dma source(%dma_start3A_352 : memref<1x768xf32, #tpu.memory_space<vmem>>) target(%dma_start3A_349 : memref<1x768xf32, #tpu.memory_space<hbm>>) target_semaphore(%arg8 : memref<!tpu.dma_semaphore, #tpu.memory_space<semaphore_mem>>)
      %slice3A_353 = vector.extract_strided_slice %get3A_7 {offsets = [13], sizes = [1], strides = [1]} : vector<16xi32> to vector<1xi32>
      %squeeze3A_354 = vector.extract %slice3A_353[0] : i32 from vector<1xi32>
      %dma_start3A_355 = arith.constant 29 : i32
      %dma_start3A_356 = arith.constant 0 : i32
      %dma_start3A_357 = tpu.memref_slice %arg6[%dma_start3A_355, %dma_start3A_356] : memref<32x768xf32, #tpu.memory_space<vmem>> -> memref<1x768xf32, #tpu.memory_space<vmem>>
      %dma_start3A_358 = arith.constant 0 : i32
      %dma_start3A_359 = tpu.memref_slice %arg5[%squeeze3A_354, %dma_start3A_358] : memref<2048x768xf32, #tpu.memory_space<hbm>> -> memref<1x768xf32, #tpu.memory_space<hbm>>
      %dma_start3A_360 = arith.constant 0 : i32
      %dma_start3A_361 = tpu.memref_slice %arg5[%squeeze3A_354, %dma_start3A_360] : memref<2048x768xf32, #tpu.memory_space<hbm>> -> memref<1x768xf32, #tpu.memory_space<hbm>>
      %dma_start3A_362 = arith.constant 29 : i32
      %dma_start3A_363 = arith.constant 0 : i32
      %dma_start3A_364 = tpu.memref_slice %arg6[%dma_start3A_362, %dma_start3A_363] : memref<32x768xf32, #tpu.memory_space<vmem>> -> memref<1x768xf32, #tpu.memory_space<vmem>>
      tpu.enqueue_dma source(%dma_start3A_364 : memref<1x768xf32, #tpu.memory_space<vmem>>) target(%dma_start3A_361 : memref<1x768xf32, #tpu.memory_space<hbm>>) target_semaphore(%arg8 : memref<!tpu.dma_semaphore, #tpu.memory_space<semaphore_mem>>)
      %slice3A_365 = vector.extract_strided_slice %get3A_7 {offsets = [14], sizes = [1], strides = [1]} : vector<16xi32> to vector<1xi32>
      %squeeze3A_366 = vector.extract %slice3A_365[0] : i32 from vector<1xi32>
      %dma_start3A_367 = arith.constant 30 : i32
      %dma_start3A_368 = arith.constant 0 : i32
      %dma_start3A_369 = tpu.memref_slice %arg6[%dma_start3A_367, %dma_start3A_368] : memref<32x768xf32, #tpu.memory_space<vmem>> -> memref<1x768xf32, #tpu.memory_space<vmem>>
      %dma_start3A_370 = arith.constant 0 : i32
      %dma_start3A_371 = tpu.memref_slice %arg5[%squeeze3A_366, %dma_start3A_370] : memref<2048x768xf32, #tpu.memory_space<hbm>> -> memref<1x768xf32, #tpu.memory_space<hbm>>
      %dma_start3A_372 = arith.constant 0 : i32
      %dma_start3A_373 = tpu.memref_slice %arg5[%squeeze3A_366, %dma_start3A_372] : memref<2048x768xf32, #tpu.memory_space<hbm>> -> memref<1x768xf32, #tpu.memory_space<hbm>>
      %dma_start3A_374 = arith.constant 30 : i32
      %dma_start3A_375 = arith.constant 0 : i32
      %dma_start3A_376 = tpu.memref_slice %arg6[%dma_start3A_374, %dma_start3A_375] : memref<32x768xf32, #tpu.memory_space<vmem>> -> memref<1x768xf32, #tpu.memory_space<vmem>>
      tpu.enqueue_dma source(%dma_start3A_376 : memref<1x768xf32, #tpu.memory_space<vmem>>) target(%dma_start3A_373 : memref<1x768xf32, #tpu.memory_space<hbm>>) target_semaphore(%arg8 : memref<!tpu.dma_semaphore, #tpu.memory_space<semaphore_mem>>)
      %slice3A_377 = vector.extract_strided_slice %get3A_7 {offsets = [15], sizes = [1], strides = [1]} : vector<16xi32> to vector<1xi32>
      %squeeze3A_378 = vector.extract %slice3A_377[0] : i32 from vector<1xi32>
      %dma_start3A_379 = arith.constant 31 : i32
      %dma_start3A_380 = arith.constant 0 : i32
      %dma_start3A_381 = tpu.memref_slice %arg6[%dma_start3A_379, %dma_start3A_380] : memref<32x768xf32, #tpu.memory_space<vmem>> -> memref<1x768xf32, #tpu.memory_space<vmem>>
      %dma_start3A_382 = arith.constant 0 : i32
      %dma_start3A_383 = tpu.memref_slice %arg5[%squeeze3A_378, %dma_start3A_382] : memref<2048x768xf32, #tpu.memory_space<hbm>> -> memref<1x768xf32, #tpu.memory_space<hbm>>
      %dma_start3A_384 = arith.constant 0 : i32
      %dma_start3A_385 = tpu.memref_slice %arg5[%squeeze3A_378, %dma_start3A_384] : memref<2048x768xf32, #tpu.memory_space<hbm>> -> memref<1x768xf32, #tpu.memory_space<hbm>>
      %dma_start3A_386 = arith.constant 31 : i32
      %dma_start3A_387 = arith.constant 0 : i32
      %dma_start3A_388 = tpu.memref_slice %arg6[%dma_start3A_386, %dma_start3A_387] : memref<32x768xf32, #tpu.memory_space<vmem>> -> memref<1x768xf32, #tpu.memory_space<vmem>>
      tpu.enqueue_dma source(%dma_start3A_388 : memref<1x768xf32, #tpu.memory_space<vmem>>) target(%dma_start3A_385 : memref<1x768xf32, #tpu.memory_space<hbm>>) target_semaphore(%arg8 : memref<!tpu.dma_semaphore, #tpu.memory_space<semaphore_mem>>)
      %dma_wait3A = arith.constant 0 : i32
      %dma_wait3A_389 = arith.constant 0 : i32
      %dma_wait3A_390 = tpu.memref_slice %arg6[%dma_wait3A, %dma_wait3A_389] : memref<32x768xf32, #tpu.memory_space<vmem>> -> memref<1x768xf32, #tpu.memory_space<vmem>>
      %dma_wait3A_391 = arith.constant 0 : i32
      %dma_wait3A_392 = tpu.memref_slice %arg5[%squeeze3A, %dma_wait3A_391] : memref<2048x768xf32, #tpu.memory_space<hbm>> -> memref<1x768xf32, #tpu.memory_space<hbm>>
      %dma_wait3A_393 = arith.constant 0 : i32
      %dma_wait3A_394 = tpu.memref_slice %arg5[%squeeze3A, %dma_wait3A_393] : memref<2048x768xf32, #tpu.memory_space<hbm>> -> memref<1x768xf32, #tpu.memory_space<hbm>>
      %dma_wait3A_395 = arith.constant 0 : i32
      %dma_wait3A_396 = arith.constant 0 : i32
      %dma_wait3A_397 = tpu.memref_slice %arg6[%dma_wait3A_395, %dma_wait3A_396] : memref<32x768xf32, #tpu.memory_space<vmem>> -> memref<1x768xf32, #tpu.memory_space<vmem>>
      tpu.wait_dma2 semaphore(%arg8 : memref<!tpu.dma_semaphore, #tpu.memory_space<semaphore_mem>>) src(%dma_wait3A_397 : memref<1x768xf32, #tpu.memory_space<vmem>>) dst(%dma_wait3A_394 : memref<1x768xf32, #tpu.memory_space<hbm>>)
      %dma_wait3A_398 = arith.constant 1 : i32
      %dma_wait3A_399 = arith.constant 0 : i32
      %dma_wait3A_400 = tpu.memref_slice %arg6[%dma_wait3A_398, %dma_wait3A_399] : memref<32x768xf32, #tpu.memory_space<vmem>> -> memref<1x768xf32, #tpu.memory_space<vmem>>
      %dma_wait3A_401 = arith.constant 0 : i32
      %dma_wait3A_402 = tpu.memref_slice %arg5[%squeeze3A_18, %dma_wait3A_401] : memref<2048x768xf32, #tpu.memory_space<hbm>> -> memref<1x768xf32, #tpu.memory_space<hbm>>
      %dma_wait3A_403 = arith.constant 0 : i32
      %dma_wait3A_404 = tpu.memref_slice %arg5[%squeeze3A_18, %dma_wait3A_403] : memref<2048x768xf32, #tpu.memory_space<hbm>> -> memref<1x768xf32, #tpu.memory_space<hbm>>
      %dma_wait3A_405 = arith.constant 1 : i32
      %dma_wait3A_406 = arith.constant 0 : i32
      %dma_wait3A_407 = tpu.memref_slice %arg6[%dma_wait3A_405, %dma_wait3A_406] : memref<32x768xf32, #tpu.memory_space<vmem>> -> memref<1x768xf32, #tpu.memory_space<vmem>>
      tpu.wait_dma2 semaphore(%arg8 : memref<!tpu.dma_semaphore, #tpu.memory_space<semaphore_mem>>) src(%dma_wait3A_407 : memref<1x768xf32, #tpu.memory_space<vmem>>) dst(%dma_wait3A_404 : memref<1x768xf32, #tpu.memory_space<hbm>>)
      %dma_wait3A_408 = arith.constant 2 : i32
      %dma_wait3A_409 = arith.constant 0 : i32
      %dma_wait3A_410 = tpu.memref_slice %arg6[%dma_wait3A_408, %dma_wait3A_409] : memref<32x768xf32, #tpu.memory_space<vmem>> -> memref<1x768xf32, #tpu.memory_space<vmem>>
      %dma_wait3A_411 = arith.constant 0 : i32
      %dma_wait3A_412 = tpu.memref_slice %arg5[%squeeze3A_30, %dma_wait3A_411] : memref<2048x768xf32, #tpu.memory_space<hbm>> -> memref<1x768xf32, #tpu.memory_space<hbm>>
      %dma_wait3A_413 = arith.constant 0 : i32
      %dma_wait3A_414 = tpu.memref_slice %arg5[%squeeze3A_30, %dma_wait3A_413] : memref<2048x768xf32, #tpu.memory_space<hbm>> -> memref<1x768xf32, #tpu.memory_space<hbm>>
      %dma_wait3A_415 = arith.constant 2 : i32
      %dma_wait3A_416 = arith.constant 0 : i32
      %dma_wait3A_417 = tpu.memref_slice %arg6[%dma_wait3A_415, %dma_wait3A_416] : memref<32x768xf32, #tpu.memory_space<vmem>> -> memref<1x768xf32, #tpu.memory_space<vmem>>
      tpu.wait_dma2 semaphore(%arg8 : memref<!tpu.dma_semaphore, #tpu.memory_space<semaphore_mem>>) src(%dma_wait3A_417 : memref<1x768xf32, #tpu.memory_space<vmem>>) dst(%dma_wait3A_414 : memref<1x768xf32, #tpu.memory_space<hbm>>)
      %dma_wait3A_418 = arith.constant 3 : i32
      %dma_wait3A_419 = arith.constant 0 : i32
      %dma_wait3A_420 = tpu.memref_slice %arg6[%dma_wait3A_418, %dma_wait3A_419] : memref<32x768xf32, #tpu.memory_space<vmem>> -> memref<1x768xf32, #tpu.memory_space<vmem>>
      %dma_wait3A_421 = arith.constant 0 : i32
      %dma_wait3A_422 = tpu.memref_slice %arg5[%squeeze3A_42, %dma_wait3A_421] : memref<2048x768xf32, #tpu.memory_space<hbm>> -> memref<1x768xf32, #tpu.memory_space<hbm>>
      %dma_wait3A_423 = arith.constant 0 : i32
      %dma_wait3A_424 = tpu.memref_slice %arg5[%squeeze3A_42, %dma_wait3A_423] : memref<2048x768xf32, #tpu.memory_space<hbm>> -> memref<1x768xf32, #tpu.memory_space<hbm>>
      %dma_wait3A_425 = arith.constant 3 : i32
      %dma_wait3A_426 = arith.constant 0 : i32
      %dma_wait3A_427 = tpu.memref_slice %arg6[%dma_wait3A_425, %dma_wait3A_426] : memref<32x768xf32, #tpu.memory_space<vmem>> -> memref<1x768xf32, #tpu.memory_space<vmem>>
      tpu.wait_dma2 semaphore(%arg8 : memref<!tpu.dma_semaphore, #tpu.memory_space<semaphore_mem>>) src(%dma_wait3A_427 : memref<1x768xf32, #tpu.memory_space<vmem>>) dst(%dma_wait3A_424 : memref<1x768xf32, #tpu.memory_space<hbm>>)
      %dma_wait3A_428 = arith.constant 4 : i32
      %dma_wait3A_429 = arith.constant 0 : i32
      %dma_wait3A_430 = tpu.memref_slice %arg6[%dma_wait3A_428, %dma_wait3A_429] : memref<32x768xf32, #tpu.memory_space<vmem>> -> memref<1x768xf32, #tpu.memory_space<vmem>>
      %dma_wait3A_431 = arith.constant 0 : i32
      %dma_wait3A_432 = tpu.memref_slice %arg5[%squeeze3A_54, %dma_wait3A_431] : memref<2048x768xf32, #tpu.memory_space<hbm>> -> memref<1x768xf32, #tpu.memory_space<hbm>>
      %dma_wait3A_433 = arith.constant 0 : i32
      %dma_wait3A_434 = tpu.memref_slice %arg5[%squeeze3A_54, %dma_wait3A_433] : memref<2048x768xf32, #tpu.memory_space<hbm>> -> memref<1x768xf32, #tpu.memory_space<hbm>>
      %dma_wait3A_435 = arith.constant 4 : i32
      %dma_wait3A_436 = arith.constant 0 : i32
      %dma_wait3A_437 = tpu.memref_slice %arg6[%dma_wait3A_435, %dma_wait3A_436] : memref<32x768xf32, #tpu.memory_space<vmem>> -> memref<1x768xf32, #tpu.memory_space<vmem>>
      tpu.wait_dma2 semaphore(%arg8 : memref<!tpu.dma_semaphore, #tpu.memory_space<semaphore_mem>>) src(%dma_wait3A_437 : memref<1x768xf32, #tpu.memory_space<vmem>>) dst(%dma_wait3A_434 : memref<1x768xf32, #tpu.memory_space<hbm>>)
      %dma_wait3A_438 = arith.constant 5 : i32
      %dma_wait3A_439 = arith.constant 0 : i32
      %dma_wait3A_440 = tpu.memref_slice %arg6[%dma_wait3A_438, %dma_wait3A_439] : memref<32x768xf32, #tpu.memory_space<vmem>> -> memref<1x768xf32, #tpu.memory_space<vmem>>
      %dma_wait3A_441 = arith.constant 0 : i32
      %dma_wait3A_442 = tpu.memref_slice %arg5[%squeeze3A_66, %dma_wait3A_441] : memref<2048x768xf32, #tpu.memory_space<hbm>> -> memref<1x768xf32, #tpu.memory_space<hbm>>
      %dma_wait3A_443 = arith.constant 0 : i32
      %dma_wait3A_444 = tpu.memref_slice %arg5[%squeeze3A_66, %dma_wait3A_443] : memref<2048x768xf32, #tpu.memory_space<hbm>> -> memref<1x768xf32, #tpu.memory_space<hbm>>
      %dma_wait3A_445 = arith.constant 5 : i32
      %dma_wait3A_446 = arith.constant 0 : i32
      %dma_wait3A_447 = tpu.memref_slice %arg6[%dma_wait3A_445, %dma_wait3A_446] : memref<32x768xf32, #tpu.memory_space<vmem>> -> memref<1x768xf32, #tpu.memory_space<vmem>>
      tpu.wait_dma2 semaphore(%arg8 : memref<!tpu.dma_semaphore, #tpu.memory_space<semaphore_mem>>) src(%dma_wait3A_447 : memref<1x768xf32, #tpu.memory_space<vmem>>) dst(%dma_wait3A_444 : memref<1x768xf32, #tpu.memory_space<hbm>>)
      %dma_wait3A_448 = arith.constant 6 : i32
      %dma_wait3A_449 = arith.constant 0 : i32
      %dma_wait3A_450 = tpu.memref_slice %arg6[%dma_wait3A_448, %dma_wait3A_449] : memref<32x768xf32, #tpu.memory_space<vmem>> -> memref<1x768xf32, #tpu.memory_space<vmem>>
      %dma_wait3A_451 = arith.constant 0 : i32
      %dma_wait3A_452 = tpu.memref_slice %arg5[%squeeze3A_78, %dma_wait3A_451] : memref<2048x768xf32, #tpu.memory_space<hbm>> -> memref<1x768xf32, #tpu.memory_space<hbm>>
      %dma_wait3A_453 = arith.constant 0 : i32
      %dma_wait3A_454 = tpu.memref_slice %arg5[%squeeze3A_78, %dma_wait3A_453] : memref<2048x768xf32, #tpu.memory_space<hbm>> -> memref<1x768xf32, #tpu.memory_space<hbm>>
      %dma_wait3A_455 = arith.constant 6 : i32
      %dma_wait3A_456 = arith.constant 0 : i32
      %dma_wait3A_457 = tpu.memref_slice %arg6[%dma_wait3A_455, %dma_wait3A_456] : memref<32x768xf32, #tpu.memory_space<vmem>> -> memref<1x768xf32, #tpu.memory_space<vmem>>
      tpu.wait_dma2 semaphore(%arg8 : memref<!tpu.dma_semaphore, #tpu.memory_space<semaphore_mem>>) src(%dma_wait3A_457 : memref<1x768xf32, #tpu.memory_space<vmem>>) dst(%dma_wait3A_454 : memref<1x768xf32, #tpu.memory_space<hbm>>)
      %dma_wait3A_458 = arith.constant 7 : i32
      %dma_wait3A_459 = arith.constant 0 : i32
      %dma_wait3A_460 = tpu.memref_slice %arg6[%dma_wait3A_458, %dma_wait3A_459] : memref<32x768xf32, #tpu.memory_space<vmem>> -> memref<1x768xf32, #tpu.memory_space<vmem>>
      %dma_wait3A_461 = arith.constant 0 : i32
      %dma_wait3A_462 = tpu.memref_slice %arg5[%squeeze3A_90, %dma_wait3A_461] : memref<2048x768xf32, #tpu.memory_space<hbm>> -> memref<1x768xf32, #tpu.memory_space<hbm>>
      %dma_wait3A_463 = arith.constant 0 : i32
      %dma_wait3A_464 = tpu.memref_slice %arg5[%squeeze3A_90, %dma_wait3A_463] : memref<2048x768xf32, #tpu.memory_space<hbm>> -> memref<1x768xf32, #tpu.memory_space<hbm>>
      %dma_wait3A_465 = arith.constant 7 : i32
      %dma_wait3A_466 = arith.constant 0 : i32
      %dma_wait3A_467 = tpu.memref_slice %arg6[%dma_wait3A_465, %dma_wait3A_466] : memref<32x768xf32, #tpu.memory_space<vmem>> -> memref<1x768xf32, #tpu.memory_space<vmem>>
      tpu.wait_dma2 semaphore(%arg8 : memref<!tpu.dma_semaphore, #tpu.memory_space<semaphore_mem>>) src(%dma_wait3A_467 : memref<1x768xf32, #tpu.memory_space<vmem>>) dst(%dma_wait3A_464 : memref<1x768xf32, #tpu.memory_space<hbm>>)
      %dma_wait3A_468 = arith.constant 8 : i32
      %dma_wait3A_469 = arith.constant 0 : i32
      %dma_wait3A_470 = tpu.memref_slice %arg6[%dma_wait3A_468, %dma_wait3A_469] : memref<32x768xf32, #tpu.memory_space<vmem>> -> memref<1x768xf32, #tpu.memory_space<vmem>>
      %dma_wait3A_471 = arith.constant 0 : i32
      %dma_wait3A_472 = tpu.memref_slice %arg5[%squeeze3A_102, %dma_wait3A_471] : memref<2048x768xf32, #tpu.memory_space<hbm>> -> memref<1x768xf32, #tpu.memory_space<hbm>>
      %dma_wait3A_473 = arith.constant 0 : i32
      %dma_wait3A_474 = tpu.memref_slice %arg5[%squeeze3A_102, %dma_wait3A_473] : memref<2048x768xf32, #tpu.memory_space<hbm>> -> memref<1x768xf32, #tpu.memory_space<hbm>>
      %dma_wait3A_475 = arith.constant 8 : i32
      %dma_wait3A_476 = arith.constant 0 : i32
      %dma_wait3A_477 = tpu.memref_slice %arg6[%dma_wait3A_475, %dma_wait3A_476] : memref<32x768xf32, #tpu.memory_space<vmem>> -> memref<1x768xf32, #tpu.memory_space<vmem>>
      tpu.wait_dma2 semaphore(%arg8 : memref<!tpu.dma_semaphore, #tpu.memory_space<semaphore_mem>>) src(%dma_wait3A_477 : memref<1x768xf32, #tpu.memory_space<vmem>>) dst(%dma_wait3A_474 : memref<1x768xf32, #tpu.memory_space<hbm>>)
      %dma_wait3A_478 = arith.constant 9 : i32
      %dma_wait3A_479 = arith.constant 0 : i32
      %dma_wait3A_480 = tpu.memref_slice %arg6[%dma_wait3A_478, %dma_wait3A_479] : memref<32x768xf32, #tpu.memory_space<vmem>> -> memref<1x768xf32, #tpu.memory_space<vmem>>
      %dma_wait3A_481 = arith.constant 0 : i32
      %dma_wait3A_482 = tpu.memref_slice %arg5[%squeeze3A_114, %dma_wait3A_481] : memref<2048x768xf32, #tpu.memory_space<hbm>> -> memref<1x768xf32, #tpu.memory_space<hbm>>
      %dma_wait3A_483 = arith.constant 0 : i32
      %dma_wait3A_484 = tpu.memref_slice %arg5[%squeeze3A_114, %dma_wait3A_483] : memref<2048x768xf32, #tpu.memory_space<hbm>> -> memref<1x768xf32, #tpu.memory_space<hbm>>
      %dma_wait3A_485 = arith.constant 9 : i32
      %dma_wait3A_486 = arith.constant 0 : i32
      %dma_wait3A_487 = tpu.memref_slice %arg6[%dma_wait3A_485, %dma_wait3A_486] : memref<32x768xf32, #tpu.memory_space<vmem>> -> memref<1x768xf32, #tpu.memory_space<vmem>>
      tpu.wait_dma2 semaphore(%arg8 : memref<!tpu.dma_semaphore, #tpu.memory_space<semaphore_mem>>) src(%dma_wait3A_487 : memref<1x768xf32, #tpu.memory_space<vmem>>) dst(%dma_wait3A_484 : memref<1x768xf32, #tpu.memory_space<hbm>>)
      %dma_wait3A_488 = arith.constant 10 : i32
      %dma_wait3A_489 = arith.constant 0 : i32
      %dma_wait3A_490 = tpu.memref_slice %arg6[%dma_wait3A_488, %dma_wait3A_489] : memref<32x768xf32, #tpu.memory_space<vmem>> -> memref<1x768xf32, #tpu.memory_space<vmem>>
      %dma_wait3A_491 = arith.constant 0 : i32
      %dma_wait3A_492 = tpu.memref_slice %arg5[%squeeze3A_126, %dma_wait3A_491] : memref<2048x768xf32, #tpu.memory_space<hbm>> -> memref<1x768xf32, #tpu.memory_space<hbm>>
      %dma_wait3A_493 = arith.constant 0 : i32
      %dma_wait3A_494 = tpu.memref_slice %arg5[%squeeze3A_126, %dma_wait3A_493] : memref<2048x768xf32, #tpu.memory_space<hbm>> -> memref<1x768xf32, #tpu.memory_space<hbm>>
      %dma_wait3A_495 = arith.constant 10 : i32
      %dma_wait3A_496 = arith.constant 0 : i32
      %dma_wait3A_497 = tpu.memref_slice %arg6[%dma_wait3A_495, %dma_wait3A_496] : memref<32x768xf32, #tpu.memory_space<vmem>> -> memref<1x768xf32, #tpu.memory_space<vmem>>
      tpu.wait_dma2 semaphore(%arg8 : memref<!tpu.dma_semaphore, #tpu.memory_space<semaphore_mem>>) src(%dma_wait3A_497 : memref<1x768xf32, #tpu.memory_space<vmem>>) dst(%dma_wait3A_494 : memref<1x768xf32, #tpu.memory_space<hbm>>)
      %dma_wait3A_498 = arith.constant 11 : i32
      %dma_wait3A_499 = arith.constant 0 : i32
      %dma_wait3A_500 = tpu.memref_slice %arg6[%dma_wait3A_498, %dma_wait3A_499] : memref<32x768xf32, #tpu.memory_space<vmem>> -> memref<1x768xf32, #tpu.memory_space<vmem>>
      %dma_wait3A_501 = arith.constant 0 : i32
      %dma_wait3A_502 = tpu.memref_slice %arg5[%squeeze3A_138, %dma_wait3A_501] : memref<2048x768xf32, #tpu.memory_space<hbm>> -> memref<1x768xf32, #tpu.memory_space<hbm>>
      %dma_wait3A_503 = arith.constant 0 : i32
      %dma_wait3A_504 = tpu.memref_slice %arg5[%squeeze3A_138, %dma_wait3A_503] : memref<2048x768xf32, #tpu.memory_space<hbm>> -> memref<1x768xf32, #tpu.memory_space<hbm>>
      %dma_wait3A_505 = arith.constant 11 : i32
      %dma_wait3A_506 = arith.constant 0 : i32
      %dma_wait3A_507 = tpu.memref_slice %arg6[%dma_wait3A_505, %dma_wait3A_506] : memref<32x768xf32, #tpu.memory_space<vmem>> -> memref<1x768xf32, #tpu.memory_space<vmem>>
      tpu.wait_dma2 semaphore(%arg8 : memref<!tpu.dma_semaphore, #tpu.memory_space<semaphore_mem>>) src(%dma_wait3A_507 : memref<1x768xf32, #tpu.memory_space<vmem>>) dst(%dma_wait3A_504 : memref<1x768xf32, #tpu.memory_space<hbm>>)
      %dma_wait3A_508 = arith.constant 12 : i32
      %dma_wait3A_509 = arith.constant 0 : i32
      %dma_wait3A_510 = tpu.memref_slice %arg6[%dma_wait3A_508, %dma_wait3A_509] : memref<32x768xf32, #tpu.memory_space<vmem>> -> memref<1x768xf32, #tpu.memory_space<vmem>>
      %dma_wait3A_511 = arith.constant 0 : i32
      %dma_wait3A_512 = tpu.memref_slice %arg5[%squeeze3A_150, %dma_wait3A_511] : memref<2048x768xf32, #tpu.memory_space<hbm>> -> memref<1x768xf32, #tpu.memory_space<hbm>>
      %dma_wait3A_513 = arith.constant 0 : i32
      %dma_wait3A_514 = tpu.memref_slice %arg5[%squeeze3A_150, %dma_wait3A_513] : memref<2048x768xf32, #tpu.memory_space<hbm>> -> memref<1x768xf32, #tpu.memory_space<hbm>>
      %dma_wait3A_515 = arith.constant 12 : i32
      %dma_wait3A_516 = arith.constant 0 : i32
      %dma_wait3A_517 = tpu.memref_slice %arg6[%dma_wait3A_515, %dma_wait3A_516] : memref<32x768xf32, #tpu.memory_space<vmem>> -> memref<1x768xf32, #tpu.memory_space<vmem>>
      tpu.wait_dma2 semaphore(%arg8 : memref<!tpu.dma_semaphore, #tpu.memory_space<semaphore_mem>>) src(%dma_wait3A_517 : memref<1x768xf32, #tpu.memory_space<vmem>>) dst(%dma_wait3A_514 : memref<1x768xf32, #tpu.memory_space<hbm>>)
      %dma_wait3A_518 = arith.constant 13 : i32
      %dma_wait3A_519 = arith.constant 0 : i32
      %dma_wait3A_520 = tpu.memref_slice %arg6[%dma_wait3A_518, %dma_wait3A_519] : memref<32x768xf32, #tpu.memory_space<vmem>> -> memref<1x768xf32, #tpu.memory_space<vmem>>
      %dma_wait3A_521 = arith.constant 0 : i32
      %dma_wait3A_522 = tpu.memref_slice %arg5[%squeeze3A_162, %dma_wait3A_521] : memref<2048x768xf32, #tpu.memory_space<hbm>> -> memref<1x768xf32, #tpu.memory_space<hbm>>
      %dma_wait3A_523 = arith.constant 0 : i32
      %dma_wait3A_524 = tpu.memref_slice %arg5[%squeeze3A_162, %dma_wait3A_523] : memref<2048x768xf32, #tpu.memory_space<hbm>> -> memref<1x768xf32, #tpu.memory_space<hbm>>
      %dma_wait3A_525 = arith.constant 13 : i32
      %dma_wait3A_526 = arith.constant 0 : i32
      %dma_wait3A_527 = tpu.memref_slice %arg6[%dma_wait3A_525, %dma_wait3A_526] : memref<32x768xf32, #tpu.memory_space<vmem>> -> memref<1x768xf32, #tpu.memory_space<vmem>>
      tpu.wait_dma2 semaphore(%arg8 : memref<!tpu.dma_semaphore, #tpu.memory_space<semaphore_mem>>) src(%dma_wait3A_527 : memref<1x768xf32, #tpu.memory_space<vmem>>) dst(%dma_wait3A_524 : memref<1x768xf32, #tpu.memory_space<hbm>>)
      %dma_wait3A_528 = arith.constant 14 : i32
      %dma_wait3A_529 = arith.constant 0 : i32
      %dma_wait3A_530 = tpu.memref_slice %arg6[%dma_wait3A_528, %dma_wait3A_529] : memref<32x768xf32, #tpu.memory_space<vmem>> -> memref<1x768xf32, #tpu.memory_space<vmem>>
      %dma_wait3A_531 = arith.constant 0 : i32
      %dma_wait3A_532 = tpu.memref_slice %arg5[%squeeze3A_174, %dma_wait3A_531] : memref<2048x768xf32, #tpu.memory_space<hbm>> -> memref<1x768xf32, #tpu.memory_space<hbm>>
      %dma_wait3A_533 = arith.constant 0 : i32
      %dma_wait3A_534 = tpu.memref_slice %arg5[%squeeze3A_174, %dma_wait3A_533] : memref<2048x768xf32, #tpu.memory_space<hbm>> -> memref<1x768xf32, #tpu.memory_space<hbm>>
      %dma_wait3A_535 = arith.constant 14 : i32
      %dma_wait3A_536 = arith.constant 0 : i32
      %dma_wait3A_537 = tpu.memref_slice %arg6[%dma_wait3A_535, %dma_wait3A_536] : memref<32x768xf32, #tpu.memory_space<vmem>> -> memref<1x768xf32, #tpu.memory_space<vmem>>
      tpu.wait_dma2 semaphore(%arg8 : memref<!tpu.dma_semaphore, #tpu.memory_space<semaphore_mem>>) src(%dma_wait3A_537 : memref<1x768xf32, #tpu.memory_space<vmem>>) dst(%dma_wait3A_534 : memref<1x768xf32, #tpu.memory_space<hbm>>)
      %dma_wait3A_538 = arith.constant 15 : i32
      %dma_wait3A_539 = arith.constant 0 : i32
      %dma_wait3A_540 = tpu.memref_slice %arg6[%dma_wait3A_538, %dma_wait3A_539] : memref<32x768xf32, #tpu.memory_space<vmem>> -> memref<1x768xf32, #tpu.memory_space<vmem>>
      %dma_wait3A_541 = arith.constant 0 : i32
      %dma_wait3A_542 = tpu.memref_slice %arg5[%squeeze3A_186, %dma_wait3A_541] : memref<2048x768xf32, #tpu.memory_space<hbm>> -> memref<1x768xf32, #tpu.memory_space<hbm>>
      %dma_wait3A_543 = arith.constant 0 : i32
      %dma_wait3A_544 = tpu.memref_slice %arg5[%squeeze3A_186, %dma_wait3A_543] : memref<2048x768xf32, #tpu.memory_space<hbm>> -> memref<1x768xf32, #tpu.memory_space<hbm>>
      %dma_wait3A_545 = arith.constant 15 : i32
      %dma_wait3A_546 = arith.constant 0 : i32
      %dma_wait3A_547 = tpu.memref_slice %arg6[%dma_wait3A_545, %dma_wait3A_546] : memref<32x768xf32, #tpu.memory_space<vmem>> -> memref<1x768xf32, #tpu.memory_space<vmem>>
      tpu.wait_dma2 semaphore(%arg8 : memref<!tpu.dma_semaphore, #tpu.memory_space<semaphore_mem>>) src(%dma_wait3A_547 : memref<1x768xf32, #tpu.memory_space<vmem>>) dst(%dma_wait3A_544 : memref<1x768xf32, #tpu.memory_space<hbm>>)
      %dma_wait3A_548 = arith.constant 16 : i32
      %dma_wait3A_549 = arith.constant 0 : i32
      %dma_wait3A_550 = tpu.memref_slice %arg6[%dma_wait3A_548, %dma_wait3A_549] : memref<32x768xf32, #tpu.memory_space<vmem>> -> memref<1x768xf32, #tpu.memory_space<vmem>>
      %dma_wait3A_551 = arith.constant 0 : i32
      %dma_wait3A_552 = tpu.memref_slice %arg5[%squeeze3A_198, %dma_wait3A_551] : memref<2048x768xf32, #tpu.memory_space<hbm>> -> memref<1x768xf32, #tpu.memory_space<hbm>>
      %dma_wait3A_553 = arith.constant 0 : i32
      %dma_wait3A_554 = tpu.memref_slice %arg5[%squeeze3A_198, %dma_wait3A_553] : memref<2048x768xf32, #tpu.memory_space<hbm>> -> memref<1x768xf32, #tpu.memory_space<hbm>>
      %dma_wait3A_555 = arith.constant 16 : i32
      %dma_wait3A_556 = arith.constant 0 : i32
      %dma_wait3A_557 = tpu.memref_slice %arg6[%dma_wait3A_555, %dma_wait3A_556] : memref<32x768xf32, #tpu.memory_space<vmem>> -> memref<1x768xf32, #tpu.memory_space<vmem>>
      tpu.wait_dma2 semaphore(%arg8 : memref<!tpu.dma_semaphore, #tpu.memory_space<semaphore_mem>>) src(%dma_wait3A_557 : memref<1x768xf32, #tpu.memory_space<vmem>>) dst(%dma_wait3A_554 : memref<1x768xf32, #tpu.memory_space<hbm>>)
      %dma_wait3A_558 = arith.constant 17 : i32
      %dma_wait3A_559 = arith.constant 0 : i32
      %dma_wait3A_560 = tpu.memref_slice %arg6[%dma_wait3A_558, %dma_wait3A_559] : memref<32x768xf32, #tpu.memory_space<vmem>> -> memref<1x768xf32, #tpu.memory_space<vmem>>
      %dma_wait3A_561 = arith.constant 0 : i32
      %dma_wait3A_562 = tpu.memref_slice %arg5[%squeeze3A_210, %dma_wait3A_561] : memref<2048x768xf32, #tpu.memory_space<hbm>> -> memref<1x768xf32, #tpu.memory_space<hbm>>
      %dma_wait3A_563 = arith.constant 0 : i32
      %dma_wait3A_564 = tpu.memref_slice %arg5[%squeeze3A_210, %dma_wait3A_563] : memref<2048x768xf32, #tpu.memory_space<hbm>> -> memref<1x768xf32, #tpu.memory_space<hbm>>
      %dma_wait3A_565 = arith.constant 17 : i32
      %dma_wait3A_566 = arith.constant 0 : i32
      %dma_wait3A_567 = tpu.memref_slice %arg6[%dma_wait3A_565, %dma_wait3A_566] : memref<32x768xf32, #tpu.memory_space<vmem>> -> memref<1x768xf32, #tpu.memory_space<vmem>>
      tpu.wait_dma2 semaphore(%arg8 : memref<!tpu.dma_semaphore, #tpu.memory_space<semaphore_mem>>) src(%dma_wait3A_567 : memref<1x768xf32, #tpu.memory_space<vmem>>) dst(%dma_wait3A_564 : memref<1x768xf32, #tpu.memory_space<hbm>>)
      %dma_wait3A_568 = arith.constant 18 : i32
      %dma_wait3A_569 = arith.constant 0 : i32
      %dma_wait3A_570 = tpu.memref_slice %arg6[%dma_wait3A_568, %dma_wait3A_569] : memref<32x768xf32, #tpu.memory_space<vmem>> -> memref<1x768xf32, #tpu.memory_space<vmem>>
      %dma_wait3A_571 = arith.constant 0 : i32
      %dma_wait3A_572 = tpu.memref_slice %arg5[%squeeze3A_222, %dma_wait3A_571] : memref<2048x768xf32, #tpu.memory_space<hbm>> -> memref<1x768xf32, #tpu.memory_space<hbm>>
      %dma_wait3A_573 = arith.constant 0 : i32
      %dma_wait3A_574 = tpu.memref_slice %arg5[%squeeze3A_222, %dma_wait3A_573] : memref<2048x768xf32, #tpu.memory_space<hbm>> -> memref<1x768xf32, #tpu.memory_space<hbm>>
      %dma_wait3A_575 = arith.constant 18 : i32
      %dma_wait3A_576 = arith.constant 0 : i32
      %dma_wait3A_577 = tpu.memref_slice %arg6[%dma_wait3A_575, %dma_wait3A_576] : memref<32x768xf32, #tpu.memory_space<vmem>> -> memref<1x768xf32, #tpu.memory_space<vmem>>
      tpu.wait_dma2 semaphore(%arg8 : memref<!tpu.dma_semaphore, #tpu.memory_space<semaphore_mem>>) src(%dma_wait3A_577 : memref<1x768xf32, #tpu.memory_space<vmem>>) dst(%dma_wait3A_574 : memref<1x768xf32, #tpu.memory_space<hbm>>)
      %dma_wait3A_578 = arith.constant 19 : i32
      %dma_wait3A_579 = arith.constant 0 : i32
      %dma_wait3A_580 = tpu.memref_slice %arg6[%dma_wait3A_578, %dma_wait3A_579] : memref<32x768xf32, #tpu.memory_space<vmem>> -> memref<1x768xf32, #tpu.memory_space<vmem>>
      %dma_wait3A_581 = arith.constant 0 : i32
      %dma_wait3A_582 = tpu.memref_slice %arg5[%squeeze3A_234, %dma_wait3A_581] : memref<2048x768xf32, #tpu.memory_space<hbm>> -> memref<1x768xf32, #tpu.memory_space<hbm>>
      %dma_wait3A_583 = arith.constant 0 : i32
      %dma_wait3A_584 = tpu.memref_slice %arg5[%squeeze3A_234, %dma_wait3A_583] : memref<2048x768xf32, #tpu.memory_space<hbm>> -> memref<1x768xf32, #tpu.memory_space<hbm>>
      %dma_wait3A_585 = arith.constant 19 : i32
      %dma_wait3A_586 = arith.constant 0 : i32
      %dma_wait3A_587 = tpu.memref_slice %arg6[%dma_wait3A_585, %dma_wait3A_586] : memref<32x768xf32, #tpu.memory_space<vmem>> -> memref<1x768xf32, #tpu.memory_space<vmem>>
      tpu.wait_dma2 semaphore(%arg8 : memref<!tpu.dma_semaphore, #tpu.memory_space<semaphore_mem>>) src(%dma_wait3A_587 : memref<1x768xf32, #tpu.memory_space<vmem>>) dst(%dma_wait3A_584 : memref<1x768xf32, #tpu.memory_space<hbm>>)
      %dma_wait3A_588 = arith.constant 20 : i32
      %dma_wait3A_589 = arith.constant 0 : i32
      %dma_wait3A_590 = tpu.memref_slice %arg6[%dma_wait3A_588, %dma_wait3A_589] : memref<32x768xf32, #tpu.memory_space<vmem>> -> memref<1x768xf32, #tpu.memory_space<vmem>>
      %dma_wait3A_591 = arith.constant 0 : i32
      %dma_wait3A_592 = tpu.memref_slice %arg5[%squeeze3A_246, %dma_wait3A_591] : memref<2048x768xf32, #tpu.memory_space<hbm>> -> memref<1x768xf32, #tpu.memory_space<hbm>>
      %dma_wait3A_593 = arith.constant 0 : i32
      %dma_wait3A_594 = tpu.memref_slice %arg5[%squeeze3A_246, %dma_wait3A_593] : memref<2048x768xf32, #tpu.memory_space<hbm>> -> memref<1x768xf32, #tpu.memory_space<hbm>>
      %dma_wait3A_595 = arith.constant 20 : i32
      %dma_wait3A_596 = arith.constant 0 : i32
      %dma_wait3A_597 = tpu.memref_slice %arg6[%dma_wait3A_595, %dma_wait3A_596] : memref<32x768xf32, #tpu.memory_space<vmem>> -> memref<1x768xf32, #tpu.memory_space<vmem>>
      tpu.wait_dma2 semaphore(%arg8 : memref<!tpu.dma_semaphore, #tpu.memory_space<semaphore_mem>>) src(%dma_wait3A_597 : memref<1x768xf32, #tpu.memory_space<vmem>>) dst(%dma_wait3A_594 : memref<1x768xf32, #tpu.memory_space<hbm>>)
      %dma_wait3A_598 = arith.constant 21 : i32
      %dma_wait3A_599 = arith.constant 0 : i32
      %dma_wait3A_600 = tpu.memref_slice %arg6[%dma_wait3A_598, %dma_wait3A_599] : memref<32x768xf32, #tpu.memory_space<vmem>> -> memref<1x768xf32, #tpu.memory_space<vmem>>
      %dma_wait3A_601 = arith.constant 0 : i32
      %dma_wait3A_602 = tpu.memref_slice %arg5[%squeeze3A_258, %dma_wait3A_601] : memref<2048x768xf32, #tpu.memory_space<hbm>> -> memref<1x768xf32, #tpu.memory_space<hbm>>
      %dma_wait3A_603 = arith.constant 0 : i32
      %dma_wait3A_604 = tpu.memref_slice %arg5[%squeeze3A_258, %dma_wait3A_603] : memref<2048x768xf32, #tpu.memory_space<hbm>> -> memref<1x768xf32, #tpu.memory_space<hbm>>
      %dma_wait3A_605 = arith.constant 21 : i32
      %dma_wait3A_606 = arith.constant 0 : i32
      %dma_wait3A_607 = tpu.memref_slice %arg6[%dma_wait3A_605, %dma_wait3A_606] : memref<32x768xf32, #tpu.memory_space<vmem>> -> memref<1x768xf32, #tpu.memory_space<vmem>>
      tpu.wait_dma2 semaphore(%arg8 : memref<!tpu.dma_semaphore, #tpu.memory_space<semaphore_mem>>) src(%dma_wait3A_607 : memref<1x768xf32, #tpu.memory_space<vmem>>) dst(%dma_wait3A_604 : memref<1x768xf32, #tpu.memory_space<hbm>>)
      %dma_wait3A_608 = arith.constant 22 : i32
      %dma_wait3A_609 = arith.constant 0 : i32
      %dma_wait3A_610 = tpu.memref_slice %arg6[%dma_wait3A_608, %dma_wait3A_609] : memref<32x768xf32, #tpu.memory_space<vmem>> -> memref<1x768xf32, #tpu.memory_space<vmem>>
      %dma_wait3A_611 = arith.constant 0 : i32
      %dma_wait3A_612 = tpu.memref_slice %arg5[%squeeze3A_270, %dma_wait3A_611] : memref<2048x768xf32, #tpu.memory_space<hbm>> -> memref<1x768xf32, #tpu.memory_space<hbm>>
      %dma_wait3A_613 = arith.constant 0 : i32
      %dma_wait3A_614 = tpu.memref_slice %arg5[%squeeze3A_270, %dma_wait3A_613] : memref<2048x768xf32, #tpu.memory_space<hbm>> -> memref<1x768xf32, #tpu.memory_space<hbm>>
      %dma_wait3A_615 = arith.constant 22 : i32
      %dma_wait3A_616 = arith.constant 0 : i32
      %dma_wait3A_617 = tpu.memref_slice %arg6[%dma_wait3A_615, %dma_wait3A_616] : memref<32x768xf32, #tpu.memory_space<vmem>> -> memref<1x768xf32, #tpu.memory_space<vmem>>
      tpu.wait_dma2 semaphore(%arg8 : memref<!tpu.dma_semaphore, #tpu.memory_space<semaphore_mem>>) src(%dma_wait3A_617 : memref<1x768xf32, #tpu.memory_space<vmem>>) dst(%dma_wait3A_614 : memref<1x768xf32, #tpu.memory_space<hbm>>)
      %dma_wait3A_618 = arith.constant 23 : i32
      %dma_wait3A_619 = arith.constant 0 : i32
      %dma_wait3A_620 = tpu.memref_slice %arg6[%dma_wait3A_618, %dma_wait3A_619] : memref<32x768xf32, #tpu.memory_space<vmem>> -> memref<1x768xf32, #tpu.memory_space<vmem>>
      %dma_wait3A_621 = arith.constant 0 : i32
      %dma_wait3A_622 = tpu.memref_slice %arg5[%squeeze3A_282, %dma_wait3A_621] : memref<2048x768xf32, #tpu.memory_space<hbm>> -> memref<1x768xf32, #tpu.memory_space<hbm>>
      %dma_wait3A_623 = arith.constant 0 : i32
      %dma_wait3A_624 = tpu.memref_slice %arg5[%squeeze3A_282, %dma_wait3A_623] : memref<2048x768xf32, #tpu.memory_space<hbm>> -> memref<1x768xf32, #tpu.memory_space<hbm>>
      %dma_wait3A_625 = arith.constant 23 : i32
      %dma_wait3A_626 = arith.constant 0 : i32
      %dma_wait3A_627 = tpu.memref_slice %arg6[%dma_wait3A_625, %dma_wait3A_626] : memref<32x768xf32, #tpu.memory_space<vmem>> -> memref<1x768xf32, #tpu.memory_space<vmem>>
      tpu.wait_dma2 semaphore(%arg8 : memref<!tpu.dma_semaphore, #tpu.memory_space<semaphore_mem>>) src(%dma_wait3A_627 : memref<1x768xf32, #tpu.memory_space<vmem>>) dst(%dma_wait3A_624 : memref<1x768xf32, #tpu.memory_space<hbm>>)
      %dma_wait3A_628 = arith.constant 24 : i32
      %dma_wait3A_629 = arith.constant 0 : i32
      %dma_wait3A_630 = tpu.memref_slice %arg6[%dma_wait3A_628, %dma_wait3A_629] : memref<32x768xf32, #tpu.memory_space<vmem>> -> memref<1x768xf32, #tpu.memory_space<vmem>>
      %dma_wait3A_631 = arith.constant 0 : i32
      %dma_wait3A_632 = tpu.memref_slice %arg5[%squeeze3A_294, %dma_wait3A_631] : memref<2048x768xf32, #tpu.memory_space<hbm>> -> memref<1x768xf32, #tpu.memory_space<hbm>>
      %dma_wait3A_633 = arith.constant 0 : i32
      %dma_wait3A_634 = tpu.memref_slice %arg5[%squeeze3A_294, %dma_wait3A_633] : memref<2048x768xf32, #tpu.memory_space<hbm>> -> memref<1x768xf32, #tpu.memory_space<hbm>>
      %dma_wait3A_635 = arith.constant 24 : i32
      %dma_wait3A_636 = arith.constant 0 : i32
      %dma_wait3A_637 = tpu.memref_slice %arg6[%dma_wait3A_635, %dma_wait3A_636] : memref<32x768xf32, #tpu.memory_space<vmem>> -> memref<1x768xf32, #tpu.memory_space<vmem>>
      tpu.wait_dma2 semaphore(%arg8 : memref<!tpu.dma_semaphore, #tpu.memory_space<semaphore_mem>>) src(%dma_wait3A_637 : memref<1x768xf32, #tpu.memory_space<vmem>>) dst(%dma_wait3A_634 : memref<1x768xf32, #tpu.memory_space<hbm>>)
      %dma_wait3A_638 = arith.constant 25 : i32
      %dma_wait3A_639 = arith.constant 0 : i32
      %dma_wait3A_640 = tpu.memref_slice %arg6[%dma_wait3A_638, %dma_wait3A_639] : memref<32x768xf32, #tpu.memory_space<vmem>> -> memref<1x768xf32, #tpu.memory_space<vmem>>
      %dma_wait3A_641 = arith.constant 0 : i32
      %dma_wait3A_642 = tpu.memref_slice %arg5[%squeeze3A_306, %dma_wait3A_641] : memref<2048x768xf32, #tpu.memory_space<hbm>> -> memref<1x768xf32, #tpu.memory_space<hbm>>
      %dma_wait3A_643 = arith.constant 0 : i32
      %dma_wait3A_644 = tpu.memref_slice %arg5[%squeeze3A_306, %dma_wait3A_643] : memref<2048x768xf32, #tpu.memory_space<hbm>> -> memref<1x768xf32, #tpu.memory_space<hbm>>
      %dma_wait3A_645 = arith.constant 25 : i32
      %dma_wait3A_646 = arith.constant 0 : i32
      %dma_wait3A_647 = tpu.memref_slice %arg6[%dma_wait3A_645, %dma_wait3A_646] : memref<32x768xf32, #tpu.memory_space<vmem>> -> memref<1x768xf32, #tpu.memory_space<vmem>>
      tpu.wait_dma2 semaphore(%arg8 : memref<!tpu.dma_semaphore, #tpu.memory_space<semaphore_mem>>) src(%dma_wait3A_647 : memref<1x768xf32, #tpu.memory_space<vmem>>) dst(%dma_wait3A_644 : memref<1x768xf32, #tpu.memory_space<hbm>>)
      %dma_wait3A_648 = arith.constant 26 : i32
      %dma_wait3A_649 = arith.constant 0 : i32
      %dma_wait3A_650 = tpu.memref_slice %arg6[%dma_wait3A_648, %dma_wait3A_649] : memref<32x768xf32, #tpu.memory_space<vmem>> -> memref<1x768xf32, #tpu.memory_space<vmem>>
      %dma_wait3A_651 = arith.constant 0 : i32
      %dma_wait3A_652 = tpu.memref_slice %arg5[%squeeze3A_318, %dma_wait3A_651] : memref<2048x768xf32, #tpu.memory_space<hbm>> -> memref<1x768xf32, #tpu.memory_space<hbm>>
      %dma_wait3A_653 = arith.constant 0 : i32
      %dma_wait3A_654 = tpu.memref_slice %arg5[%squeeze3A_318, %dma_wait3A_653] : memref<2048x768xf32, #tpu.memory_space<hbm>> -> memref<1x768xf32, #tpu.memory_space<hbm>>
      %dma_wait3A_655 = arith.constant 26 : i32
      %dma_wait3A_656 = arith.constant 0 : i32
      %dma_wait3A_657 = tpu.memref_slice %arg6[%dma_wait3A_655, %dma_wait3A_656] : memref<32x768xf32, #tpu.memory_space<vmem>> -> memref<1x768xf32, #tpu.memory_space<vmem>>
      tpu.wait_dma2 semaphore(%arg8 : memref<!tpu.dma_semaphore, #tpu.memory_space<semaphore_mem>>) src(%dma_wait3A_657 : memref<1x768xf32, #tpu.memory_space<vmem>>) dst(%dma_wait3A_654 : memref<1x768xf32, #tpu.memory_space<hbm>>)
      %dma_wait3A_658 = arith.constant 27 : i32
      %dma_wait3A_659 = arith.constant 0 : i32
      %dma_wait3A_660 = tpu.memref_slice %arg6[%dma_wait3A_658, %dma_wait3A_659] : memref<32x768xf32, #tpu.memory_space<vmem>> -> memref<1x768xf32, #tpu.memory_space<vmem>>
      %dma_wait3A_661 = arith.constant 0 : i32
      %dma_wait3A_662 = tpu.memref_slice %arg5[%squeeze3A_330, %dma_wait3A_661] : memref<2048x768xf32, #tpu.memory_space<hbm>> -> memref<1x768xf32, #tpu.memory_space<hbm>>
      %dma_wait3A_663 = arith.constant 0 : i32
      %dma_wait3A_664 = tpu.memref_slice %arg5[%squeeze3A_330, %dma_wait3A_663] : memref<2048x768xf32, #tpu.memory_space<hbm>> -> memref<1x768xf32, #tpu.memory_space<hbm>>
      %dma_wait3A_665 = arith.constant 27 : i32
      %dma_wait3A_666 = arith.constant 0 : i32
      %dma_wait3A_667 = tpu.memref_slice %arg6[%dma_wait3A_665, %dma_wait3A_666] : memref<32x768xf32, #tpu.memory_space<vmem>> -> memref<1x768xf32, #tpu.memory_space<vmem>>
      tpu.wait_dma2 semaphore(%arg8 : memref<!tpu.dma_semaphore, #tpu.memory_space<semaphore_mem>>) src(%dma_wait3A_667 : memref<1x768xf32, #tpu.memory_space<vmem>>) dst(%dma_wait3A_664 : memref<1x768xf32, #tpu.memory_space<hbm>>)
      %dma_wait3A_668 = arith.constant 28 : i32
      %dma_wait3A_669 = arith.constant 0 : i32
      %dma_wait3A_670 = tpu.memref_slice %arg6[%dma_wait3A_668, %dma_wait3A_669] : memref<32x768xf32, #tpu.memory_space<vmem>> -> memref<1x768xf32, #tpu.memory_space<vmem>>
      %dma_wait3A_671 = arith.constant 0 : i32
      %dma_wait3A_672 = tpu.memref_slice %arg5[%squeeze3A_342, %dma_wait3A_671] : memref<2048x768xf32, #tpu.memory_space<hbm>> -> memref<1x768xf32, #tpu.memory_space<hbm>>
      %dma_wait3A_673 = arith.constant 0 : i32
      %dma_wait3A_674 = tpu.memref_slice %arg5[%squeeze3A_342, %dma_wait3A_673] : memref<2048x768xf32, #tpu.memory_space<hbm>> -> memref<1x768xf32, #tpu.memory_space<hbm>>
      %dma_wait3A_675 = arith.constant 28 : i32
      %dma_wait3A_676 = arith.constant 0 : i32
      %dma_wait3A_677 = tpu.memref_slice %arg6[%dma_wait3A_675, %dma_wait3A_676] : memref<32x768xf32, #tpu.memory_space<vmem>> -> memref<1x768xf32, #tpu.memory_space<vmem>>
      tpu.wait_dma2 semaphore(%arg8 : memref<!tpu.dma_semaphore, #tpu.memory_space<semaphore_mem>>) src(%dma_wait3A_677 : memref<1x768xf32, #tpu.memory_space<vmem>>) dst(%dma_wait3A_674 : memref<1x768xf32, #tpu.memory_space<hbm>>)
      %dma_wait3A_678 = arith.constant 29 : i32
      %dma_wait3A_679 = arith.constant 0 : i32
      %dma_wait3A_680 = tpu.memref_slice %arg6[%dma_wait3A_678, %dma_wait3A_679] : memref<32x768xf32, #tpu.memory_space<vmem>> -> memref<1x768xf32, #tpu.memory_space<vmem>>
      %dma_wait3A_681 = arith.constant 0 : i32
      %dma_wait3A_682 = tpu.memref_slice %arg5[%squeeze3A_354, %dma_wait3A_681] : memref<2048x768xf32, #tpu.memory_space<hbm>> -> memref<1x768xf32, #tpu.memory_space<hbm>>
      %dma_wait3A_683 = arith.constant 0 : i32
      %dma_wait3A_684 = tpu.memref_slice %arg5[%squeeze3A_354, %dma_wait3A_683] : memref<2048x768xf32, #tpu.memory_space<hbm>> -> memref<1x768xf32, #tpu.memory_space<hbm>>
      %dma_wait3A_685 = arith.constant 29 : i32
      %dma_wait3A_686 = arith.constant 0 : i32
      %dma_wait3A_687 = tpu.memref_slice %arg6[%dma_wait3A_685, %dma_wait3A_686] : memref<32x768xf32, #tpu.memory_space<vmem>> -> memref<1x768xf32, #tpu.memory_space<vmem>>
      tpu.wait_dma2 semaphore(%arg8 : memref<!tpu.dma_semaphore, #tpu.memory_space<semaphore_mem>>) src(%dma_wait3A_687 : memref<1x768xf32, #tpu.memory_space<vmem>>) dst(%dma_wait3A_684 : memref<1x768xf32, #tpu.memory_space<hbm>>)
      %dma_wait3A_688 = arith.constant 30 : i32
      %dma_wait3A_689 = arith.constant 0 : i32
      %dma_wait3A_690 = tpu.memref_slice %arg6[%dma_wait3A_688, %dma_wait3A_689] : memref<32x768xf32, #tpu.memory_space<vmem>> -> memref<1x768xf32, #tpu.memory_space<vmem>>
      %dma_wait3A_691 = arith.constant 0 : i32
      %dma_wait3A_692 = tpu.memref_slice %arg5[%squeeze3A_366, %dma_wait3A_691] : memref<2048x768xf32, #tpu.memory_space<hbm>> -> memref<1x768xf32, #tpu.memory_space<hbm>>
      %dma_wait3A_693 = arith.constant 0 : i32
      %dma_wait3A_694 = tpu.memref_slice %arg5[%squeeze3A_366, %dma_wait3A_693] : memref<2048x768xf32, #tpu.memory_space<hbm>> -> memref<1x768xf32, #tpu.memory_space<hbm>>
      %dma_wait3A_695 = arith.constant 30 : i32
      %dma_wait3A_696 = arith.constant 0 : i32
      %dma_wait3A_697 = tpu.memref_slice %arg6[%dma_wait3A_695, %dma_wait3A_696] : memref<32x768xf32, #tpu.memory_space<vmem>> -> memref<1x768xf32, #tpu.memory_space<vmem>>
      tpu.wait_dma2 semaphore(%arg8 : memref<!tpu.dma_semaphore, #tpu.memory_space<semaphore_mem>>) src(%dma_wait3A_697 : memref<1x768xf32, #tpu.memory_space<vmem>>) dst(%dma_wait3A_694 : memref<1x768xf32, #tpu.memory_space<hbm>>)
      %dma_wait3A_698 = arith.constant 31 : i32
      %dma_wait3A_699 = arith.constant 0 : i32
      %dma_wait3A_700 = tpu.memref_slice %arg6[%dma_wait3A_698, %dma_wait3A_699] : memref<32x768xf32, #tpu.memory_space<vmem>> -> memref<1x768xf32, #tpu.memory_space<vmem>>
      %dma_wait3A_701 = arith.constant 0 : i32
      %dma_wait3A_702 = tpu.memref_slice %arg5[%squeeze3A_378, %dma_wait3A_701] : memref<2048x768xf32, #tpu.memory_space<hbm>> -> memref<1x768xf32, #tpu.memory_space<hbm>>
      %dma_wait3A_703 = arith.constant 0 : i32
      %dma_wait3A_704 = tpu.memref_slice %arg5[%squeeze3A_378, %dma_wait3A_703] : memref<2048x768xf32, #tpu.memory_space<hbm>> -> memref<1x768xf32, #tpu.memory_space<hbm>>
      %dma_wait3A_705 = arith.constant 31 : i32
      %dma_wait3A_706 = arith.constant 0 : i32
      %dma_wait3A_707 = tpu.memref_slice %arg6[%dma_wait3A_705, %dma_wait3A_706] : memref<32x768xf32, #tpu.memory_space<vmem>> -> memref<1x768xf32, #tpu.memory_space<vmem>>
      tpu.wait_dma2 semaphore(%arg8 : memref<!tpu.dma_semaphore, #tpu.memory_space<semaphore_mem>>) src(%dma_wait3A_707 : memref<1x768xf32, #tpu.memory_space<vmem>>) dst(%dma_wait3A_704 : memref<1x768xf32, #tpu.memory_space<hbm>>)
    } else {
    }
    return
  }
}

module attributes {stable_mosaic.version = 14 : i64} {
  func.func @_m_body(%arg0: i32, %arg1: memref<12x256x64xf32, #tpu.memory_space<vmem>>, %arg2: memref<12x2048x64xf32, #tpu.memory_space<vmem>>, %arg3: memref<256x2048xi8, #tpu.memory_space<vmem>>, %arg4: memref<12x256xf32, #tpu.memory_space<vmem>>) attributes {dimension_semantics = [#tpu.dimension_semantics<arbitrary>], iteration_bounds = array<i64: 8>, scalar_prefetch = 0 : i64, scratch_operands = 0 : i64, tpu.core_type = #tpu.core_type<tc>, window_params = [{transform_indices = @transform_0, window_bounds = array<i64: 12, 256, 64>}, {pipeline_mode = #tpu.pipeline_mode<synchronous>, transform_indices = @transform_1, window_bounds = array<i64: 12, 2048, 64>}, {transform_indices = @transform_2, window_bounds = array<i64: 256, 2048>}, {transform_indices = @transform_3, window_bounds = array<i64: 12, 256>}]} {
    %get3A = arith.constant 0 : index
    %get3A_0 = arith.constant 0 : index
    %get3A_1 = vector.load %arg3[%get3A, %get3A_0] : memref<256x2048xi8, #tpu.memory_space<vmem>>, vector<256x2048xi8>
    %convert_element_type3A = arith.sitofp %get3A_1 : vector<256x2048xi8> to vector<256x2048xf32>
    %gt3A = arith.constant 0.000000e+00 : f32
    %gt3A_2 = vector.broadcast %gt3A : f32 to vector<256x2048xf32>
    %gt3A_3 = arith.cmpf ogt, %convert_element_type3A, %gt3A_2 : vector<256x2048xf32>
    %get3A_4 = arith.constant 0 : index
    %get3A_5 = arith.constant 0 : index
    %get3A_6 = arith.constant 0 : index
    %get3A_7 = vector.load %arg1[%get3A_4, %get3A_5, %get3A_6] : memref<12x256x64xf32, #tpu.memory_space<vmem>>, vector<1x256x64xf32>
    %get3A_8 = vector.shape_cast %get3A_7 : vector<1x256x64xf32> to vector<256x64xf32>
    %get3A_9 = arith.constant 0 : index
    %get3A_10 = arith.constant 0 : index
    %get3A_11 = arith.constant 0 : index
    %get3A_12 = vector.load %arg2[%get3A_9, %get3A_10, %get3A_11] : memref<12x2048x64xf32, #tpu.memory_space<vmem>>, vector<1x2048x64xf32>
    %get3A_13 = vector.shape_cast %get3A_12 : vector<1x2048x64xf32> to vector<2048x64xf32>
    %dot_general3A = arith.constant dense<0.000000e+00> : vector<256x2048xf32>
    %dot_general3A_14 = tpu.matmul %get3A_8, %get3A_13, %dot_general3A {dimension_numbers = #tpu.dot_dimension_numbers<[1], [1], [0], [0], [0, 0, 1, 0], [], []>, transpose_lhs_hint = false} : vector<256x64xf32>, vector<2048x64xf32>, vector<256x2048xf32> -> vector<256x2048xf32>
    %mul3A = arith.mulf %dot_general3A_14, %convert_element_type3A : vector<256x2048xf32>
    %reduce_sum3A = arith.constant dense<0.000000e+00> : vector<256xf32>
    %reduce_sum3A_15 = vector.multi_reduction <add>, %mul3A, %reduce_sum3A [1] : vector<256x2048xf32> to vector<256xf32>
    %mul3A_16 = arith.constant 4.8828125E-4 : f32
    %mul3A_17 = vector.broadcast %mul3A_16 : f32 to vector<256xf32>
    %mul3A_18 = arith.mulf %reduce_sum3A_15, %mul3A_17 : vector<256xf32>
    %jit3A = arith.constant -1.000000e+30 : f32
    %broadcast_in_dim3A = vector.broadcast %jit3A : f32 to vector<256x2048xf32>
    %select_n3A = arith.select %gt3A_3, %dot_general3A_14, %broadcast_in_dim3A : vector<256x2048xi1>, vector<256x2048xf32>
    %reduce_max3A = arith.constant dense<0xFF800000> : vector<256xf32>
    %reduce_max3A_19 = vector.multi_reduction <maximumf>, %select_n3A, %reduce_max3A [1] : vector<256x2048xf32> to vector<256xf32>
    %sub3A = arith.subf %reduce_max3A_19, %mul3A_18 : vector<256xf32>
    %swap3A = arith.constant 0 : index
    %swap3A_20 = arith.constant 0 : index
    %swap3A_21 = vector.load %arg4[%swap3A, %swap3A_20] : memref<12x256xf32, #tpu.memory_space<vmem>>, vector<1x256xf32>
    %swap3A_22 = vector.shape_cast %swap3A_21 : vector<1x256xf32> to vector<256xf32>
    %swap3A_23 = vector.shape_cast %sub3A : vector<256xf32> to vector<1x256xf32>
    tpu.vector_store %arg4[%swap3A, %swap3A_20], %swap3A_23 {strides = array<i32>} : memref<12x256xf32, #tpu.memory_space<vmem>>, vector<1x256xf32>,
    %get3A_24 = arith.constant 1 : index
    %get3A_25 = arith.constant 0 : index
    %get3A_26 = arith.constant 0 : index
    %get3A_27 = vector.load %arg1[%get3A_24, %get3A_25, %get3A_26] : memref<12x256x64xf32, #tpu.memory_space<vmem>>, vector<1x256x64xf32>
    %get3A_28 = vector.shape_cast %get3A_27 : vector<1x256x64xf32> to vector<256x64xf32>
    %get3A_29 = arith.constant 1 : index
    %get3A_30 = arith.constant 0 : index
    %get3A_31 = arith.constant 0 : index
    %get3A_32 = vector.load %arg2[%get3A_29, %get3A_30, %get3A_31] : memref<12x2048x64xf32, #tpu.memory_space<vmem>>, vector<1x2048x64xf32>
    %get3A_33 = vector.shape_cast %get3A_32 : vector<1x2048x64xf32> to vector<2048x64xf32>
    %dot_general3A_34 = arith.constant dense<0.000000e+00> : vector<256x2048xf32>
    %dot_general3A_35 = tpu.matmul %get3A_28, %get3A_33, %dot_general3A_34 {dimension_numbers = #tpu.dot_dimension_numbers<[1], [1], [0], [0], [0, 0, 1, 0], [], []>, transpose_lhs_hint = false} : vector<256x64xf32>, vector<2048x64xf32>, vector<256x2048xf32> -> vector<256x2048xf32>
    %mul3A_36 = arith.mulf %dot_general3A_35, %convert_element_type3A : vector<256x2048xf32>
    %reduce_sum3A_37 = arith.constant dense<0.000000e+00> : vector<256xf32>
    %reduce_sum3A_38 = vector.multi_reduction <add>, %mul3A_36, %reduce_sum3A_37 [1] : vector<256x2048xf32> to vector<256xf32>
    %mul3A_39 = arith.constant 4.8828125E-4 : f32
    %mul3A_40 = vector.broadcast %mul3A_39 : f32 to vector<256xf32>
    %mul3A_41 = arith.mulf %reduce_sum3A_38, %mul3A_40 : vector<256xf32>
    %jit3A_42 = arith.constant -1.000000e+30 : f32
    %broadcast_in_dim3A_43 = vector.broadcast %jit3A_42 : f32 to vector<256x2048xf32>
    %select_n3A_44 = arith.select %gt3A_3, %dot_general3A_35, %broadcast_in_dim3A_43 : vector<256x2048xi1>, vector<256x2048xf32>
    %reduce_max3A_45 = arith.constant dense<0xFF800000> : vector<256xf32>
    %reduce_max3A_46 = vector.multi_reduction <maximumf>, %select_n3A_44, %reduce_max3A_45 [1] : vector<256x2048xf32> to vector<256xf32>
    %sub3A_47 = arith.subf %reduce_max3A_46, %mul3A_41 : vector<256xf32>
    %swap3A_48 = arith.constant 1 : index
    %swap3A_49 = arith.constant 0 : index
    %swap3A_50 = vector.load %arg4[%swap3A_48, %swap3A_49] : memref<12x256xf32, #tpu.memory_space<vmem>>, vector<1x256xf32>
    %swap3A_51 = vector.shape_cast %swap3A_50 : vector<1x256xf32> to vector<256xf32>
    %swap3A_52 = vector.shape_cast %sub3A_47 : vector<256xf32> to vector<1x256xf32>
    tpu.vector_store %arg4[%swap3A_48, %swap3A_49], %swap3A_52 {strides = array<i32>} : memref<12x256xf32, #tpu.memory_space<vmem>>, vector<1x256xf32>,
    %get3A_53 = arith.constant 2 : index
    %get3A_54 = arith.constant 0 : index
    %get3A_55 = arith.constant 0 : index
    %get3A_56 = vector.load %arg1[%get3A_53, %get3A_54, %get3A_55] : memref<12x256x64xf32, #tpu.memory_space<vmem>>, vector<1x256x64xf32>
    %get3A_57 = vector.shape_cast %get3A_56 : vector<1x256x64xf32> to vector<256x64xf32>
    %get3A_58 = arith.constant 2 : index
    %get3A_59 = arith.constant 0 : index
    %get3A_60 = arith.constant 0 : index
    %get3A_61 = vector.load %arg2[%get3A_58, %get3A_59, %get3A_60] : memref<12x2048x64xf32, #tpu.memory_space<vmem>>, vector<1x2048x64xf32>
    %get3A_62 = vector.shape_cast %get3A_61 : vector<1x2048x64xf32> to vector<2048x64xf32>
    %dot_general3A_63 = arith.constant dense<0.000000e+00> : vector<256x2048xf32>
    %dot_general3A_64 = tpu.matmul %get3A_57, %get3A_62, %dot_general3A_63 {dimension_numbers = #tpu.dot_dimension_numbers<[1], [1], [0], [0], [0, 0, 1, 0], [], []>, transpose_lhs_hint = false} : vector<256x64xf32>, vector<2048x64xf32>, vector<256x2048xf32> -> vector<256x2048xf32>
    %mul3A_65 = arith.mulf %dot_general3A_64, %convert_element_type3A : vector<256x2048xf32>
    %reduce_sum3A_66 = arith.constant dense<0.000000e+00> : vector<256xf32>
    %reduce_sum3A_67 = vector.multi_reduction <add>, %mul3A_65, %reduce_sum3A_66 [1] : vector<256x2048xf32> to vector<256xf32>
    %mul3A_68 = arith.constant 4.8828125E-4 : f32
    %mul3A_69 = vector.broadcast %mul3A_68 : f32 to vector<256xf32>
    %mul3A_70 = arith.mulf %reduce_sum3A_67, %mul3A_69 : vector<256xf32>
    %jit3A_71 = arith.constant -1.000000e+30 : f32
    %broadcast_in_dim3A_72 = vector.broadcast %jit3A_71 : f32 to vector<256x2048xf32>
    %select_n3A_73 = arith.select %gt3A_3, %dot_general3A_64, %broadcast_in_dim3A_72 : vector<256x2048xi1>, vector<256x2048xf32>
    %reduce_max3A_74 = arith.constant dense<0xFF800000> : vector<256xf32>
    %reduce_max3A_75 = vector.multi_reduction <maximumf>, %select_n3A_73, %reduce_max3A_74 [1] : vector<256x2048xf32> to vector<256xf32>
    %sub3A_76 = arith.subf %reduce_max3A_75, %mul3A_70 : vector<256xf32>
    %swap3A_77 = arith.constant 2 : index
    %swap3A_78 = arith.constant 0 : index
    %swap3A_79 = vector.load %arg4[%swap3A_77, %swap3A_78] : memref<12x256xf32, #tpu.memory_space<vmem>>, vector<1x256xf32>
    %swap3A_80 = vector.shape_cast %swap3A_79 : vector<1x256xf32> to vector<256xf32>
    %swap3A_81 = vector.shape_cast %sub3A_76 : vector<256xf32> to vector<1x256xf32>
    tpu.vector_store %arg4[%swap3A_77, %swap3A_78], %swap3A_81 {strides = array<i32>} : memref<12x256xf32, #tpu.memory_space<vmem>>, vector<1x256xf32>,
    %get3A_82 = arith.constant 3 : index
    %get3A_83 = arith.constant 0 : index
    %get3A_84 = arith.constant 0 : index
    %get3A_85 = vector.load %arg1[%get3A_82, %get3A_83, %get3A_84] : memref<12x256x64xf32, #tpu.memory_space<vmem>>, vector<1x256x64xf32>
    %get3A_86 = vector.shape_cast %get3A_85 : vector<1x256x64xf32> to vector<256x64xf32>
    %get3A_87 = arith.constant 3 : index
    %get3A_88 = arith.constant 0 : index
    %get3A_89 = arith.constant 0 : index
    %get3A_90 = vector.load %arg2[%get3A_87, %get3A_88, %get3A_89] : memref<12x2048x64xf32, #tpu.memory_space<vmem>>, vector<1x2048x64xf32>
    %get3A_91 = vector.shape_cast %get3A_90 : vector<1x2048x64xf32> to vector<2048x64xf32>
    %dot_general3A_92 = arith.constant dense<0.000000e+00> : vector<256x2048xf32>
    %dot_general3A_93 = tpu.matmul %get3A_86, %get3A_91, %dot_general3A_92 {dimension_numbers = #tpu.dot_dimension_numbers<[1], [1], [0], [0], [0, 0, 1, 0], [], []>, transpose_lhs_hint = false} : vector<256x64xf32>, vector<2048x64xf32>, vector<256x2048xf32> -> vector<256x2048xf32>
    %mul3A_94 = arith.mulf %dot_general3A_93, %convert_element_type3A : vector<256x2048xf32>
    %reduce_sum3A_95 = arith.constant dense<0.000000e+00> : vector<256xf32>
    %reduce_sum3A_96 = vector.multi_reduction <add>, %mul3A_94, %reduce_sum3A_95 [1] : vector<256x2048xf32> to vector<256xf32>
    %mul3A_97 = arith.constant 4.8828125E-4 : f32
    %mul3A_98 = vector.broadcast %mul3A_97 : f32 to vector<256xf32>
    %mul3A_99 = arith.mulf %reduce_sum3A_96, %mul3A_98 : vector<256xf32>
    %jit3A_100 = arith.constant -1.000000e+30 : f32
    %broadcast_in_dim3A_101 = vector.broadcast %jit3A_100 : f32 to vector<256x2048xf32>
    %select_n3A_102 = arith.select %gt3A_3, %dot_general3A_93, %broadcast_in_dim3A_101 : vector<256x2048xi1>, vector<256x2048xf32>
    %reduce_max3A_103 = arith.constant dense<0xFF800000> : vector<256xf32>
    %reduce_max3A_104 = vector.multi_reduction <maximumf>, %select_n3A_102, %reduce_max3A_103 [1] : vector<256x2048xf32> to vector<256xf32>
    %sub3A_105 = arith.subf %reduce_max3A_104, %mul3A_99 : vector<256xf32>
    %swap3A_106 = arith.constant 3 : index
    %swap3A_107 = arith.constant 0 : index
    %swap3A_108 = vector.load %arg4[%swap3A_106, %swap3A_107] : memref<12x256xf32, #tpu.memory_space<vmem>>, vector<1x256xf32>
    %swap3A_109 = vector.shape_cast %swap3A_108 : vector<1x256xf32> to vector<256xf32>
    %swap3A_110 = vector.shape_cast %sub3A_105 : vector<256xf32> to vector<1x256xf32>
    tpu.vector_store %arg4[%swap3A_106, %swap3A_107], %swap3A_110 {strides = array<i32>} : memref<12x256xf32, #tpu.memory_space<vmem>>, vector<1x256xf32>,
    %get3A_111 = arith.constant 4 : index
    %get3A_112 = arith.constant 0 : index
    %get3A_113 = arith.constant 0 : index
    %get3A_114 = vector.load %arg1[%get3A_111, %get3A_112, %get3A_113] : memref<12x256x64xf32, #tpu.memory_space<vmem>>, vector<1x256x64xf32>
    %get3A_115 = vector.shape_cast %get3A_114 : vector<1x256x64xf32> to vector<256x64xf32>
    %get3A_116 = arith.constant 4 : index
    %get3A_117 = arith.constant 0 : index
    %get3A_118 = arith.constant 0 : index
    %get3A_119 = vector.load %arg2[%get3A_116, %get3A_117, %get3A_118] : memref<12x2048x64xf32, #tpu.memory_space<vmem>>, vector<1x2048x64xf32>
    %get3A_120 = vector.shape_cast %get3A_119 : vector<1x2048x64xf32> to vector<2048x64xf32>
    %dot_general3A_121 = arith.constant dense<0.000000e+00> : vector<256x2048xf32>
    %dot_general3A_122 = tpu.matmul %get3A_115, %get3A_120, %dot_general3A_121 {dimension_numbers = #tpu.dot_dimension_numbers<[1], [1], [0], [0], [0, 0, 1, 0], [], []>, transpose_lhs_hint = false} : vector<256x64xf32>, vector<2048x64xf32>, vector<256x2048xf32> -> vector<256x2048xf32>
    %mul3A_123 = arith.mulf %dot_general3A_122, %convert_element_type3A : vector<256x2048xf32>
    %reduce_sum3A_124 = arith.constant dense<0.000000e+00> : vector<256xf32>
    %reduce_sum3A_125 = vector.multi_reduction <add>, %mul3A_123, %reduce_sum3A_124 [1] : vector<256x2048xf32> to vector<256xf32>
    %mul3A_126 = arith.constant 4.8828125E-4 : f32
    %mul3A_127 = vector.broadcast %mul3A_126 : f32 to vector<256xf32>
    %mul3A_128 = arith.mulf %reduce_sum3A_125, %mul3A_127 : vector<256xf32>
    %jit3A_129 = arith.constant -1.000000e+30 : f32
    %broadcast_in_dim3A_130 = vector.broadcast %jit3A_129 : f32 to vector<256x2048xf32>
    %select_n3A_131 = arith.select %gt3A_3, %dot_general3A_122, %broadcast_in_dim3A_130 : vector<256x2048xi1>, vector<256x2048xf32>
    %reduce_max3A_132 = arith.constant dense<0xFF800000> : vector<256xf32>
    %reduce_max3A_133 = vector.multi_reduction <maximumf>, %select_n3A_131, %reduce_max3A_132 [1] : vector<256x2048xf32> to vector<256xf32>
    %sub3A_134 = arith.subf %reduce_max3A_133, %mul3A_128 : vector<256xf32>
    %swap3A_135 = arith.constant 4 : index
    %swap3A_136 = arith.constant 0 : index
    %swap3A_137 = vector.load %arg4[%swap3A_135, %swap3A_136] : memref<12x256xf32, #tpu.memory_space<vmem>>, vector<1x256xf32>
    %swap3A_138 = vector.shape_cast %swap3A_137 : vector<1x256xf32> to vector<256xf32>
    %swap3A_139 = vector.shape_cast %sub3A_134 : vector<256xf32> to vector<1x256xf32>
    tpu.vector_store %arg4[%swap3A_135, %swap3A_136], %swap3A_139 {strides = array<i32>} : memref<12x256xf32, #tpu.memory_space<vmem>>, vector<1x256xf32>,
    %get3A_140 = arith.constant 5 : index
    %get3A_141 = arith.constant 0 : index
    %get3A_142 = arith.constant 0 : index
    %get3A_143 = vector.load %arg1[%get3A_140, %get3A_141, %get3A_142] : memref<12x256x64xf32, #tpu.memory_space<vmem>>, vector<1x256x64xf32>
    %get3A_144 = vector.shape_cast %get3A_143 : vector<1x256x64xf32> to vector<256x64xf32>
    %get3A_145 = arith.constant 5 : index
    %get3A_146 = arith.constant 0 : index
    %get3A_147 = arith.constant 0 : index
    %get3A_148 = vector.load %arg2[%get3A_145, %get3A_146, %get3A_147] : memref<12x2048x64xf32, #tpu.memory_space<vmem>>, vector<1x2048x64xf32>
    %get3A_149 = vector.shape_cast %get3A_148 : vector<1x2048x64xf32> to vector<2048x64xf32>
    %dot_general3A_150 = arith.constant dense<0.000000e+00> : vector<256x2048xf32>
    %dot_general3A_151 = tpu.matmul %get3A_144, %get3A_149, %dot_general3A_150 {dimension_numbers = #tpu.dot_dimension_numbers<[1], [1], [0], [0], [0, 0, 1, 0], [], []>, transpose_lhs_hint = false} : vector<256x64xf32>, vector<2048x64xf32>, vector<256x2048xf32> -> vector<256x2048xf32>
    %mul3A_152 = arith.mulf %dot_general3A_151, %convert_element_type3A : vector<256x2048xf32>
    %reduce_sum3A_153 = arith.constant dense<0.000000e+00> : vector<256xf32>
    %reduce_sum3A_154 = vector.multi_reduction <add>, %mul3A_152, %reduce_sum3A_153 [1] : vector<256x2048xf32> to vector<256xf32>
    %mul3A_155 = arith.constant 4.8828125E-4 : f32
    %mul3A_156 = vector.broadcast %mul3A_155 : f32 to vector<256xf32>
    %mul3A_157 = arith.mulf %reduce_sum3A_154, %mul3A_156 : vector<256xf32>
    %jit3A_158 = arith.constant -1.000000e+30 : f32
    %broadcast_in_dim3A_159 = vector.broadcast %jit3A_158 : f32 to vector<256x2048xf32>
    %select_n3A_160 = arith.select %gt3A_3, %dot_general3A_151, %broadcast_in_dim3A_159 : vector<256x2048xi1>, vector<256x2048xf32>
    %reduce_max3A_161 = arith.constant dense<0xFF800000> : vector<256xf32>
    %reduce_max3A_162 = vector.multi_reduction <maximumf>, %select_n3A_160, %reduce_max3A_161 [1] : vector<256x2048xf32> to vector<256xf32>
    %sub3A_163 = arith.subf %reduce_max3A_162, %mul3A_157 : vector<256xf32>
    %swap3A_164 = arith.constant 5 : index
    %swap3A_165 = arith.constant 0 : index
    %swap3A_166 = vector.load %arg4[%swap3A_164, %swap3A_165] : memref<12x256xf32, #tpu.memory_space<vmem>>, vector<1x256xf32>
    %swap3A_167 = vector.shape_cast %swap3A_166 : vector<1x256xf32> to vector<256xf32>
    %swap3A_168 = vector.shape_cast %sub3A_163 : vector<256xf32> to vector<1x256xf32>
    tpu.vector_store %arg4[%swap3A_164, %swap3A_165], %swap3A_168 {strides = array<i32>} : memref<12x256xf32, #tpu.memory_space<vmem>>, vector<1x256xf32>,
    %get3A_169 = arith.constant 6 : index
    %get3A_170 = arith.constant 0 : index
    %get3A_171 = arith.constant 0 : index
    %get3A_172 = vector.load %arg1[%get3A_169, %get3A_170, %get3A_171] : memref<12x256x64xf32, #tpu.memory_space<vmem>>, vector<1x256x64xf32>
    %get3A_173 = vector.shape_cast %get3A_172 : vector<1x256x64xf32> to vector<256x64xf32>
    %get3A_174 = arith.constant 6 : index
    %get3A_175 = arith.constant 0 : index
    %get3A_176 = arith.constant 0 : index
    %get3A_177 = vector.load %arg2[%get3A_174, %get3A_175, %get3A_176] : memref<12x2048x64xf32, #tpu.memory_space<vmem>>, vector<1x2048x64xf32>
    %get3A_178 = vector.shape_cast %get3A_177 : vector<1x2048x64xf32> to vector<2048x64xf32>
    %dot_general3A_179 = arith.constant dense<0.000000e+00> : vector<256x2048xf32>
    %dot_general3A_180 = tpu.matmul %get3A_173, %get3A_178, %dot_general3A_179 {dimension_numbers = #tpu.dot_dimension_numbers<[1], [1], [0], [0], [0, 0, 1, 0], [], []>, transpose_lhs_hint = false} : vector<256x64xf32>, vector<2048x64xf32>, vector<256x2048xf32> -> vector<256x2048xf32>
    %mul3A_181 = arith.mulf %dot_general3A_180, %convert_element_type3A : vector<256x2048xf32>
    %reduce_sum3A_182 = arith.constant dense<0.000000e+00> : vector<256xf32>
    %reduce_sum3A_183 = vector.multi_reduction <add>, %mul3A_181, %reduce_sum3A_182 [1] : vector<256x2048xf32> to vector<256xf32>
    %mul3A_184 = arith.constant 4.8828125E-4 : f32
    %mul3A_185 = vector.broadcast %mul3A_184 : f32 to vector<256xf32>
    %mul3A_186 = arith.mulf %reduce_sum3A_183, %mul3A_185 : vector<256xf32>
    %jit3A_187 = arith.constant -1.000000e+30 : f32
    %broadcast_in_dim3A_188 = vector.broadcast %jit3A_187 : f32 to vector<256x2048xf32>
    %select_n3A_189 = arith.select %gt3A_3, %dot_general3A_180, %broadcast_in_dim3A_188 : vector<256x2048xi1>, vector<256x2048xf32>
    %reduce_max3A_190 = arith.constant dense<0xFF800000> : vector<256xf32>
    %reduce_max3A_191 = vector.multi_reduction <maximumf>, %select_n3A_189, %reduce_max3A_190 [1] : vector<256x2048xf32> to vector<256xf32>
    %sub3A_192 = arith.subf %reduce_max3A_191, %mul3A_186 : vector<256xf32>
    %swap3A_193 = arith.constant 6 : index
    %swap3A_194 = arith.constant 0 : index
    %swap3A_195 = vector.load %arg4[%swap3A_193, %swap3A_194] : memref<12x256xf32, #tpu.memory_space<vmem>>, vector<1x256xf32>
    %swap3A_196 = vector.shape_cast %swap3A_195 : vector<1x256xf32> to vector<256xf32>
    %swap3A_197 = vector.shape_cast %sub3A_192 : vector<256xf32> to vector<1x256xf32>
    tpu.vector_store %arg4[%swap3A_193, %swap3A_194], %swap3A_197 {strides = array<i32>} : memref<12x256xf32, #tpu.memory_space<vmem>>, vector<1x256xf32>,
    %get3A_198 = arith.constant 7 : index
    %get3A_199 = arith.constant 0 : index
    %get3A_200 = arith.constant 0 : index
    %get3A_201 = vector.load %arg1[%get3A_198, %get3A_199, %get3A_200] : memref<12x256x64xf32, #tpu.memory_space<vmem>>, vector<1x256x64xf32>
    %get3A_202 = vector.shape_cast %get3A_201 : vector<1x256x64xf32> to vector<256x64xf32>
    %get3A_203 = arith.constant 7 : index
    %get3A_204 = arith.constant 0 : index
    %get3A_205 = arith.constant 0 : index
    %get3A_206 = vector.load %arg2[%get3A_203, %get3A_204, %get3A_205] : memref<12x2048x64xf32, #tpu.memory_space<vmem>>, vector<1x2048x64xf32>
    %get3A_207 = vector.shape_cast %get3A_206 : vector<1x2048x64xf32> to vector<2048x64xf32>
    %dot_general3A_208 = arith.constant dense<0.000000e+00> : vector<256x2048xf32>
    %dot_general3A_209 = tpu.matmul %get3A_202, %get3A_207, %dot_general3A_208 {dimension_numbers = #tpu.dot_dimension_numbers<[1], [1], [0], [0], [0, 0, 1, 0], [], []>, transpose_lhs_hint = false} : vector<256x64xf32>, vector<2048x64xf32>, vector<256x2048xf32> -> vector<256x2048xf32>
    %mul3A_210 = arith.mulf %dot_general3A_209, %convert_element_type3A : vector<256x2048xf32>
    %reduce_sum3A_211 = arith.constant dense<0.000000e+00> : vector<256xf32>
    %reduce_sum3A_212 = vector.multi_reduction <add>, %mul3A_210, %reduce_sum3A_211 [1] : vector<256x2048xf32> to vector<256xf32>
    %mul3A_213 = arith.constant 4.8828125E-4 : f32
    %mul3A_214 = vector.broadcast %mul3A_213 : f32 to vector<256xf32>
    %mul3A_215 = arith.mulf %reduce_sum3A_212, %mul3A_214 : vector<256xf32>
    %jit3A_216 = arith.constant -1.000000e+30 : f32
    %broadcast_in_dim3A_217 = vector.broadcast %jit3A_216 : f32 to vector<256x2048xf32>
    %select_n3A_218 = arith.select %gt3A_3, %dot_general3A_209, %broadcast_in_dim3A_217 : vector<256x2048xi1>, vector<256x2048xf32>
    %reduce_max3A_219 = arith.constant dense<0xFF800000> : vector<256xf32>
    %reduce_max3A_220 = vector.multi_reduction <maximumf>, %select_n3A_218, %reduce_max3A_219 [1] : vector<256x2048xf32> to vector<256xf32>
    %sub3A_221 = arith.subf %reduce_max3A_220, %mul3A_215 : vector<256xf32>
    %swap3A_222 = arith.constant 7 : index
    %swap3A_223 = arith.constant 0 : index
    %swap3A_224 = vector.load %arg4[%swap3A_222, %swap3A_223] : memref<12x256xf32, #tpu.memory_space<vmem>>, vector<1x256xf32>
    %swap3A_225 = vector.shape_cast %swap3A_224 : vector<1x256xf32> to vector<256xf32>
    %swap3A_226 = vector.shape_cast %sub3A_221 : vector<256xf32> to vector<1x256xf32>
    tpu.vector_store %arg4[%swap3A_222, %swap3A_223], %swap3A_226 {strides = array<i32>} : memref<12x256xf32, #tpu.memory_space<vmem>>, vector<1x256xf32>,
    %get3A_227 = arith.constant 8 : index
    %get3A_228 = arith.constant 0 : index
    %get3A_229 = arith.constant 0 : index
    %get3A_230 = vector.load %arg1[%get3A_227, %get3A_228, %get3A_229] : memref<12x256x64xf32, #tpu.memory_space<vmem>>, vector<1x256x64xf32>
    %get3A_231 = vector.shape_cast %get3A_230 : vector<1x256x64xf32> to vector<256x64xf32>
    %get3A_232 = arith.constant 8 : index
    %get3A_233 = arith.constant 0 : index
    %get3A_234 = arith.constant 0 : index
    %get3A_235 = vector.load %arg2[%get3A_232, %get3A_233, %get3A_234] : memref<12x2048x64xf32, #tpu.memory_space<vmem>>, vector<1x2048x64xf32>
    %get3A_236 = vector.shape_cast %get3A_235 : vector<1x2048x64xf32> to vector<2048x64xf32>
    %dot_general3A_237 = arith.constant dense<0.000000e+00> : vector<256x2048xf32>
    %dot_general3A_238 = tpu.matmul %get3A_231, %get3A_236, %dot_general3A_237 {dimension_numbers = #tpu.dot_dimension_numbers<[1], [1], [0], [0], [0, 0, 1, 0], [], []>, transpose_lhs_hint = false} : vector<256x64xf32>, vector<2048x64xf32>, vector<256x2048xf32> -> vector<256x2048xf32>
    %mul3A_239 = arith.mulf %dot_general3A_238, %convert_element_type3A : vector<256x2048xf32>
    %reduce_sum3A_240 = arith.constant dense<0.000000e+00> : vector<256xf32>
    %reduce_sum3A_241 = vector.multi_reduction <add>, %mul3A_239, %reduce_sum3A_240 [1] : vector<256x2048xf32> to vector<256xf32>
    %mul3A_242 = arith.constant 4.8828125E-4 : f32
    %mul3A_243 = vector.broadcast %mul3A_242 : f32 to vector<256xf32>
    %mul3A_244 = arith.mulf %reduce_sum3A_241, %mul3A_243 : vector<256xf32>
    %jit3A_245 = arith.constant -1.000000e+30 : f32
    %broadcast_in_dim3A_246 = vector.broadcast %jit3A_245 : f32 to vector<256x2048xf32>
    %select_n3A_247 = arith.select %gt3A_3, %dot_general3A_238, %broadcast_in_dim3A_246 : vector<256x2048xi1>, vector<256x2048xf32>
    %reduce_max3A_248 = arith.constant dense<0xFF800000> : vector<256xf32>
    %reduce_max3A_249 = vector.multi_reduction <maximumf>, %select_n3A_247, %reduce_max3A_248 [1] : vector<256x2048xf32> to vector<256xf32>
    %sub3A_250 = arith.subf %reduce_max3A_249, %mul3A_244 : vector<256xf32>
    %swap3A_251 = arith.constant 8 : index
    %swap3A_252 = arith.constant 0 : index
    %swap3A_253 = vector.load %arg4[%swap3A_251, %swap3A_252] : memref<12x256xf32, #tpu.memory_space<vmem>>, vector<1x256xf32>
    %swap3A_254 = vector.shape_cast %swap3A_253 : vector<1x256xf32> to vector<256xf32>
    %swap3A_255 = vector.shape_cast %sub3A_250 : vector<256xf32> to vector<1x256xf32>
    tpu.vector_store %arg4[%swap3A_251, %swap3A_252], %swap3A_255 {strides = array<i32>} : memref<12x256xf32, #tpu.memory_space<vmem>>, vector<1x256xf32>,
    %get3A_256 = arith.constant 9 : index
    %get3A_257 = arith.constant 0 : index
    %get3A_258 = arith.constant 0 : index
    %get3A_259 = vector.load %arg1[%get3A_256, %get3A_257, %get3A_258] : memref<12x256x64xf32, #tpu.memory_space<vmem>>, vector<1x256x64xf32>
    %get3A_260 = vector.shape_cast %get3A_259 : vector<1x256x64xf32> to vector<256x64xf32>
    %get3A_261 = arith.constant 9 : index
    %get3A_262 = arith.constant 0 : index
    %get3A_263 = arith.constant 0 : index
    %get3A_264 = vector.load %arg2[%get3A_261, %get3A_262, %get3A_263] : memref<12x2048x64xf32, #tpu.memory_space<vmem>>, vector<1x2048x64xf32>
    %get3A_265 = vector.shape_cast %get3A_264 : vector<1x2048x64xf32> to vector<2048x64xf32>
    %dot_general3A_266 = arith.constant dense<0.000000e+00> : vector<256x2048xf32>
    %dot_general3A_267 = tpu.matmul %get3A_260, %get3A_265, %dot_general3A_266 {dimension_numbers = #tpu.dot_dimension_numbers<[1], [1], [0], [0], [0, 0, 1, 0], [], []>, transpose_lhs_hint = false} : vector<256x64xf32>, vector<2048x64xf32>, vector<256x2048xf32> -> vector<256x2048xf32>
    %mul3A_268 = arith.mulf %dot_general3A_267, %convert_element_type3A : vector<256x2048xf32>
    %reduce_sum3A_269 = arith.constant dense<0.000000e+00> : vector<256xf32>
    %reduce_sum3A_270 = vector.multi_reduction <add>, %mul3A_268, %reduce_sum3A_269 [1] : vector<256x2048xf32> to vector<256xf32>
    %mul3A_271 = arith.constant 4.8828125E-4 : f32
    %mul3A_272 = vector.broadcast %mul3A_271 : f32 to vector<256xf32>
    %mul3A_273 = arith.mulf %reduce_sum3A_270, %mul3A_272 : vector<256xf32>
    %jit3A_274 = arith.constant -1.000000e+30 : f32
    %broadcast_in_dim3A_275 = vector.broadcast %jit3A_274 : f32 to vector<256x2048xf32>
    %select_n3A_276 = arith.select %gt3A_3, %dot_general3A_267, %broadcast_in_dim3A_275 : vector<256x2048xi1>, vector<256x2048xf32>
    %reduce_max3A_277 = arith.constant dense<0xFF800000> : vector<256xf32>
    %reduce_max3A_278 = vector.multi_reduction <maximumf>, %select_n3A_276, %reduce_max3A_277 [1] : vector<256x2048xf32> to vector<256xf32>
    %sub3A_279 = arith.subf %reduce_max3A_278, %mul3A_273 : vector<256xf32>
    %swap3A_280 = arith.constant 9 : index
    %swap3A_281 = arith.constant 0 : index
    %swap3A_282 = vector.load %arg4[%swap3A_280, %swap3A_281] : memref<12x256xf32, #tpu.memory_space<vmem>>, vector<1x256xf32>
    %swap3A_283 = vector.shape_cast %swap3A_282 : vector<1x256xf32> to vector<256xf32>
    %swap3A_284 = vector.shape_cast %sub3A_279 : vector<256xf32> to vector<1x256xf32>
    tpu.vector_store %arg4[%swap3A_280, %swap3A_281], %swap3A_284 {strides = array<i32>} : memref<12x256xf32, #tpu.memory_space<vmem>>, vector<1x256xf32>,
    %get3A_285 = arith.constant 10 : index
    %get3A_286 = arith.constant 0 : index
    %get3A_287 = arith.constant 0 : index
    %get3A_288 = vector.load %arg1[%get3A_285, %get3A_286, %get3A_287] : memref<12x256x64xf32, #tpu.memory_space<vmem>>, vector<1x256x64xf32>
    %get3A_289 = vector.shape_cast %get3A_288 : vector<1x256x64xf32> to vector<256x64xf32>
    %get3A_290 = arith.constant 10 : index
    %get3A_291 = arith.constant 0 : index
    %get3A_292 = arith.constant 0 : index
    %get3A_293 = vector.load %arg2[%get3A_290, %get3A_291, %get3A_292] : memref<12x2048x64xf32, #tpu.memory_space<vmem>>, vector<1x2048x64xf32>
    %get3A_294 = vector.shape_cast %get3A_293 : vector<1x2048x64xf32> to vector<2048x64xf32>
    %dot_general3A_295 = arith.constant dense<0.000000e+00> : vector<256x2048xf32>
    %dot_general3A_296 = tpu.matmul %get3A_289, %get3A_294, %dot_general3A_295 {dimension_numbers = #tpu.dot_dimension_numbers<[1], [1], [0], [0], [0, 0, 1, 0], [], []>, transpose_lhs_hint = false} : vector<256x64xf32>, vector<2048x64xf32>, vector<256x2048xf32> -> vector<256x2048xf32>
    %mul3A_297 = arith.mulf %dot_general3A_296, %convert_element_type3A : vector<256x2048xf32>
    %reduce_sum3A_298 = arith.constant dense<0.000000e+00> : vector<256xf32>
    %reduce_sum3A_299 = vector.multi_reduction <add>, %mul3A_297, %reduce_sum3A_298 [1] : vector<256x2048xf32> to vector<256xf32>
    %mul3A_300 = arith.constant 4.8828125E-4 : f32
    %mul3A_301 = vector.broadcast %mul3A_300 : f32 to vector<256xf32>
    %mul3A_302 = arith.mulf %reduce_sum3A_299, %mul3A_301 : vector<256xf32>
    %jit3A_303 = arith.constant -1.000000e+30 : f32
    %broadcast_in_dim3A_304 = vector.broadcast %jit3A_303 : f32 to vector<256x2048xf32>
    %select_n3A_305 = arith.select %gt3A_3, %dot_general3A_296, %broadcast_in_dim3A_304 : vector<256x2048xi1>, vector<256x2048xf32>
    %reduce_max3A_306 = arith.constant dense<0xFF800000> : vector<256xf32>
    %reduce_max3A_307 = vector.multi_reduction <maximumf>, %select_n3A_305, %reduce_max3A_306 [1] : vector<256x2048xf32> to vector<256xf32>
    %sub3A_308 = arith.subf %reduce_max3A_307, %mul3A_302 : vector<256xf32>
    %swap3A_309 = arith.constant 10 : index
    %swap3A_310 = arith.constant 0 : index
    %swap3A_311 = vector.load %arg4[%swap3A_309, %swap3A_310] : memref<12x256xf32, #tpu.memory_space<vmem>>, vector<1x256xf32>
    %swap3A_312 = vector.shape_cast %swap3A_311 : vector<1x256xf32> to vector<256xf32>
    %swap3A_313 = vector.shape_cast %sub3A_308 : vector<256xf32> to vector<1x256xf32>
    tpu.vector_store %arg4[%swap3A_309, %swap3A_310], %swap3A_313 {strides = array<i32>} : memref<12x256xf32, #tpu.memory_space<vmem>>, vector<1x256xf32>,
    %get3A_314 = arith.constant 11 : index
    %get3A_315 = arith.constant 0 : index
    %get3A_316 = arith.constant 0 : index
    %get3A_317 = vector.load %arg1[%get3A_314, %get3A_315, %get3A_316] : memref<12x256x64xf32, #tpu.memory_space<vmem>>, vector<1x256x64xf32>
    %get3A_318 = vector.shape_cast %get3A_317 : vector<1x256x64xf32> to vector<256x64xf32>
    %get3A_319 = arith.constant 11 : index
    %get3A_320 = arith.constant 0 : index
    %get3A_321 = arith.constant 0 : index
    %get3A_322 = vector.load %arg2[%get3A_319, %get3A_320, %get3A_321] : memref<12x2048x64xf32, #tpu.memory_space<vmem>>, vector<1x2048x64xf32>
    %get3A_323 = vector.shape_cast %get3A_322 : vector<1x2048x64xf32> to vector<2048x64xf32>
    %dot_general3A_324 = arith.constant dense<0.000000e+00> : vector<256x2048xf32>
    %dot_general3A_325 = tpu.matmul %get3A_318, %get3A_323, %dot_general3A_324 {dimension_numbers = #tpu.dot_dimension_numbers<[1], [1], [0], [0], [0, 0, 1, 0], [], []>, transpose_lhs_hint = false} : vector<256x64xf32>, vector<2048x64xf32>, vector<256x2048xf32> -> vector<256x2048xf32>
    %mul3A_326 = arith.mulf %dot_general3A_325, %convert_element_type3A : vector<256x2048xf32>
    %reduce_sum3A_327 = arith.constant dense<0.000000e+00> : vector<256xf32>
    %reduce_sum3A_328 = vector.multi_reduction <add>, %mul3A_326, %reduce_sum3A_327 [1] : vector<256x2048xf32> to vector<256xf32>
    %mul3A_329 = arith.constant 4.8828125E-4 : f32
    %mul3A_330 = vector.broadcast %mul3A_329 : f32 to vector<256xf32>
    %mul3A_331 = arith.mulf %reduce_sum3A_328, %mul3A_330 : vector<256xf32>
    %jit3A_332 = arith.constant -1.000000e+30 : f32
    %broadcast_in_dim3A_333 = vector.broadcast %jit3A_332 : f32 to vector<256x2048xf32>
    %select_n3A_334 = arith.select %gt3A_3, %dot_general3A_325, %broadcast_in_dim3A_333 : vector<256x2048xi1>, vector<256x2048xf32>
    %reduce_max3A_335 = arith.constant dense<0xFF800000> : vector<256xf32>
    %reduce_max3A_336 = vector.multi_reduction <maximumf>, %select_n3A_334, %reduce_max3A_335 [1] : vector<256x2048xf32> to vector<256xf32>
    %sub3A_337 = arith.subf %reduce_max3A_336, %mul3A_331 : vector<256xf32>
    %swap3A_338 = arith.constant 11 : index
    %swap3A_339 = arith.constant 0 : index
    %swap3A_340 = vector.load %arg4[%swap3A_338, %swap3A_339] : memref<12x256xf32, #tpu.memory_space<vmem>>, vector<1x256xf32>
    %swap3A_341 = vector.shape_cast %swap3A_340 : vector<1x256xf32> to vector<256xf32>
    %swap3A_342 = vector.shape_cast %sub3A_337 : vector<256xf32> to vector<1x256xf32>
    tpu.vector_store %arg4[%swap3A_338, %swap3A_339], %swap3A_342 {strides = array<i32>} : memref<12x256xf32, #tpu.memory_space<vmem>>, vector<1x256xf32>,
    return
  }
  func.func @transform_0(%arg0: i32) -> (i32, i32, i32) {
    %c0_i32 = arith.constant 0 : i32
    %c0_i32_0 = arith.constant 0 : i32
    %c0_i32_1 = arith.constant 0 : i32
    return %c0_i32, %arg0, %c0_i32_0 : i32, i32, i32
  }
  func.func @transform_1(%arg0: i32) -> (i32, i32, i32) {
    %c0_i32 = arith.constant 0 : i32
    %c0_i32_0 = arith.constant 0 : i32
    %c0_i32_1 = arith.constant 0 : i32
    %c0_i32_2 = arith.constant 0 : i32
    return %c0_i32, %c0_i32_0, %c0_i32_1 : i32, i32, i32
  }
  func.func @transform_2(%arg0: i32) -> (i32, i32) {
    %c0_i32 = arith.constant 0 : i32
    %c0_i32_0 = arith.constant 0 : i32
    return %arg0, %c0_i32 : i32, i32
  }
  func.func @transform_3(%arg0: i32) -> (i32, i32) {
    %c0_i32 = arith.constant 0 : i32
    %c0_i32_0 = arith.constant 0 : i32
    return %c0_i32, %arg0 : i32, i32
  }
}

module attributes {stable_mosaic.version = 14 : i64} {
  func.func @_topk_body(%arg0: memref<12x2048xf32, #tpu.memory_space<vmem>>, %arg1: memref<40x12xi32, #tpu.memory_space<vmem>>) attributes {dimension_semantics = [], scalar_prefetch = 0 : i64, scratch_operands = 0 : i64, tpu.core_type = #tpu.core_type<tc>} {
    %iota3A = tpu.iota {dimensions = array<i32: 1>} : vector<12x2048xi32>
    %get3A = arith.constant 0 : index
    %get3A_0 = arith.constant 0 : index
    %get3A_1 = vector.load %arg0[%get3A, %get3A_0] : memref<12x2048xf32, #tpu.memory_space<vmem>>, vector<12x2048xf32>
    %scan3A = arith.constant 0 : i32
    %scan3A_2 = arith.constant 40 : i32
    %scan3A_3 = arith.addi %scan3A, %scan3A_2 : i32
    %scan3A_4 = arith.constant 1 : i32
    %scan3A_5 = scf.for %scan3A_7 = %scan3A to %scan3A_3 step %scan3A_4 iter_args(%scan3A_8 = %get3A_1) -> (vector<12x2048xf32>)  : i32 {
      %reduce_max3A = arith.constant dense<0xFF800000> : vector<12xf32>
      %reduce_max3A_9 = vector.multi_reduction <maximumf>, %scan3A_8, %reduce_max3A [1] : vector<12x2048xf32> to vector<12xf32>
      %broadcast_in_dim3A = vector.shape_cast %reduce_max3A_9 : vector<12xf32> to vector<12x1xf32>
      %ge3A = vector.broadcast %broadcast_in_dim3A : vector<12x1xf32> to vector<12x2048xf32>
      %ge3A_10 = arith.cmpf oge, %scan3A_8, %ge3A : vector<12x2048xf32>
      %jit3A = arith.constant 4096 : i32
      %broadcast_in_dim3A_11 = vector.broadcast %jit3A : i32 to vector<12x2048xi32>
      %select_n3A = arith.select %ge3A_10, %iota3A, %broadcast_in_dim3A_11 : vector<12x2048xi1>, vector<12x2048xi32>
      %reduce_min3A = arith.constant dense<2147483647> : vector<12xi32>
      %reduce_min3A_12 = vector.multi_reduction <minsi>, %select_n3A, %reduce_min3A [1] : vector<12x2048xi32> to vector<12xi32>
      %broadcast_in_dim3A_13 = vector.shape_cast %reduce_min3A_12 : vector<12xi32> to vector<1x12xi32>
      %swap3A = arith.index_cast %scan3A_7 : i32 to index
      %swap3A_14 = arith.constant 0 : index
      %swap3A_15 = vector.load %arg1[%swap3A, %swap3A_14] : memref<40x12xi32, #tpu.memory_space<vmem>>, vector<1x12xi32>
      tpu.vector_store %arg1[%swap3A, %swap3A_14], %broadcast_in_dim3A_13 {strides = array<i32>} : memref<40x12xi32, #tpu.memory_space<vmem>>, vector<1x12xi32>,
      %broadcast_in_dim3A_16 = vector.shape_cast %reduce_min3A_12 : vector<12xi32> to vector<12x1xi32>
      %eq3A = vector.broadcast %broadcast_in_dim3A_16 : vector<12x1xi32> to vector<12x2048xi32>
      %eq3A_17 = arith.cmpi eq, %iota3A, %eq3A : vector<12x2048xi32>
      %jit3A_18 = arith.constant 0xFF800000 : f32
      %broadcast_in_dim3A_19 = vector.broadcast %jit3A_18 : f32 to vector<12x2048xf32>
      %select_n3A_20 = arith.select %eq3A_17, %broadcast_in_dim3A_19, %scan3A_8 : vector<12x2048xi1>, vector<12x2048xf32>
      scf.yield %select_n3A_20 : vector<12x2048xf32>
    }
    %scan3A_6 = arith.constant 40 : i32
    return
  }
}

module attributes {stable_mosaic.version = 14 : i64} {
  func.func @_proj_body(%arg0: i32, %arg1: memref<256x768xf32, #tpu.memory_space<vmem>>, %arg2: memref<768x768xf32, #tpu.memory_space<vmem>>, %arg3: memref<768xf32, #tpu.memory_space<vmem>>, %arg4: memref<768x768xf32, #tpu.memory_space<vmem>>, %arg5: memref<768xf32, #tpu.memory_space<vmem>>, %arg6: memref<768x768xf32, #tpu.memory_space<vmem>>, %arg7: memref<768xf32, #tpu.memory_space<vmem>>, %arg8: memref<12x256x64xf32, #tpu.memory_space<vmem>>, %arg9: memref<12x256x64xf32, #tpu.memory_space<vmem>>, %arg10: memref<12x256x64xf32, #tpu.memory_space<vmem>>) attributes {dimension_semantics = [#tpu.dimension_semantics<arbitrary>], iteration_bounds = array<i64: 8>, scalar_prefetch = 0 : i64, scratch_operands = 0 : i64, tpu.core_type = #tpu.core_type<tc>, window_params = [{transform_indices = @transform_0, window_bounds = array<i64: 256, 768>}, {pipeline_mode = #tpu.pipeline_mode<synchronous>, transform_indices = @transform_1, window_bounds = array<i64: 768, 768>}, {pipeline_mode = #tpu.pipeline_mode<synchronous>, transform_indices = @transform_2, window_bounds = array<i64: 768>}, {pipeline_mode = #tpu.pipeline_mode<synchronous>, transform_indices = @transform_3, window_bounds = array<i64: 768, 768>}, {pipeline_mode = #tpu.pipeline_mode<synchronous>, transform_indices = @transform_4, window_bounds = array<i64: 768>}, {pipeline_mode = #tpu.pipeline_mode<synchronous>, transform_indices = @transform_5, window_bounds = array<i64: 768, 768>}, {pipeline_mode = #tpu.pipeline_mode<synchronous>, transform_indices = @transform_6, window_bounds = array<i64: 768>}, {transform_indices = @transform_7, window_bounds = array<i64: 12, 256, 64>}, {transform_indices = @transform_8, window_bounds = array<i64: 12, 256, 64>}, {transform_indices = @transform_9, window_bounds = array<i64: 12, 256, 64>}]} {
    %get3A = arith.constant 0 : index
    %get3A_0 = arith.constant 0 : index
    %get3A_1 = vector.load %arg1[%get3A, %get3A_0] : memref<256x768xf32, #tpu.memory_space<vmem>>, vector<256x768xf32>
    %get3A_2 = arith.constant 0 : index
    %get3A_3 = arith.constant 0 : index
    %get3A_4 = vector.load %arg2[%get3A_2, %get3A_3] : memref<768x768xf32, #tpu.memory_space<vmem>>, vector<768x768xf32>
    %dot_general3A = arith.constant dense<0.000000e+00> : vector<256x768xf32>
    %dot_general3A_5 = tpu.matmul %get3A_1, %get3A_4, %dot_general3A {dimension_numbers = #tpu.dot_dimension_numbers<[1], [1], [0], [0], [0, 0, 1, 0], [], []>, transpose_lhs_hint = false} : vector<256x768xf32>, vector<768x768xf32>, vector<256x768xf32> -> vector<256x768xf32>
    %get3A_6 = arith.constant 0 : index
    %get3A_7 = vector.load %arg3[%get3A_6] : memref<768xf32, #tpu.memory_space<vmem>>, vector<768xf32>
    %broadcast_in_dim3A = vector.shape_cast %get3A_7 : vector<768xf32> to vector<1x768xf32>
    %add3A = vector.broadcast %broadcast_in_dim3A : vector<1x768xf32> to vector<256x768xf32>
    %add3A_8 = arith.addf %dot_general3A_5, %add3A : vector<256x768xf32>
    %get3A_9 = arith.constant 0 : index
    %get3A_10 = arith.constant 0 : index
    %get3A_11 = vector.load %arg4[%get3A_9, %get3A_10] : memref<768x768xf32, #tpu.memory_space<vmem>>, vector<768x768xf32>
    %dot_general3A_12 = arith.constant dense<0.000000e+00> : vector<256x768xf32>
    %dot_general3A_13 = tpu.matmul %get3A_1, %get3A_11, %dot_general3A_12 {dimension_numbers = #tpu.dot_dimension_numbers<[1], [1], [0], [0], [0, 0, 1, 0], [], []>, transpose_lhs_hint = false} : vector<256x768xf32>, vector<768x768xf32>, vector<256x768xf32> -> vector<256x768xf32>
    %get3A_14 = arith.constant 0 : index
    %get3A_15 = vector.load %arg5[%get3A_14] : memref<768xf32, #tpu.memory_space<vmem>>, vector<768xf32>
    %broadcast_in_dim3A_16 = vector.shape_cast %get3A_15 : vector<768xf32> to vector<1x768xf32>
    %add3A_17 = vector.broadcast %broadcast_in_dim3A_16 : vector<1x768xf32> to vector<256x768xf32>
    %add3A_18 = arith.addf %dot_general3A_13, %add3A_17 : vector<256x768xf32>
    %get3A_19 = arith.constant 0 : index
    %get3A_20 = arith.constant 0 : index
    %get3A_21 = vector.load %arg6[%get3A_19, %get3A_20] : memref<768x768xf32, #tpu.memory_space<vmem>>, vector<768x768xf32>
    %dot_general3A_22 = arith.constant dense<0.000000e+00> : vector<256x768xf32>
    %dot_general3A_23 = tpu.matmul %get3A_1, %get3A_21, %dot_general3A_22 {dimension_numbers = #tpu.dot_dimension_numbers<[1], [1], [0], [0], [0, 0, 1, 0], [], []>, transpose_lhs_hint = false} : vector<256x768xf32>, vector<768x768xf32>, vector<256x768xf32> -> vector<256x768xf32>
    %get3A_24 = arith.constant 0 : index
    %get3A_25 = vector.load %arg7[%get3A_24] : memref<768xf32, #tpu.memory_space<vmem>>, vector<768xf32>
    %broadcast_in_dim3A_26 = vector.shape_cast %get3A_25 : vector<768xf32> to vector<1x768xf32>
    %add3A_27 = vector.broadcast %broadcast_in_dim3A_26 : vector<1x768xf32> to vector<256x768xf32>
    %add3A_28 = arith.addf %dot_general3A_23, %add3A_27 : vector<256x768xf32>
    %slice3A = vector.extract_strided_slice %add3A_8 {offsets = [0, 0], sizes = [256, 64], strides = [1, 1]} : vector<256x768xf32> to vector<256x64xf32>
    %swap3A = arith.constant 0 : index
    %swap3A_29 = arith.constant 0 : index
    %swap3A_30 = arith.constant 0 : index
    %swap3A_31 = vector.load %arg8[%swap3A, %swap3A_29, %swap3A_30] : memref<12x256x64xf32, #tpu.memory_space<vmem>>, vector<1x256x64xf32>
    %swap3A_32 = vector.shape_cast %swap3A_31 : vector<1x256x64xf32> to vector<256x64xf32>
    %swap3A_33 = vector.shape_cast %slice3A : vector<256x64xf32> to vector<1x256x64xf32>
    tpu.vector_store %arg8[%swap3A, %swap3A_29, %swap3A_30], %swap3A_33 {strides = array<i32>} : memref<12x256x64xf32, #tpu.memory_space<vmem>>, vector<1x256x64xf32>,
    %slice3A_34 = vector.extract_strided_slice %add3A_18 {offsets = [0, 0], sizes = [256, 64], strides = [1, 1]} : vector<256x768xf32> to vector<256x64xf32>
    %swap3A_35 = arith.constant 0 : index
    %swap3A_36 = arith.constant 0 : index
    %swap3A_37 = arith.constant 0 : index
    %swap3A_38 = vector.load %arg9[%swap3A_35, %swap3A_36, %swap3A_37] : memref<12x256x64xf32, #tpu.memory_space<vmem>>, vector<1x256x64xf32>
    %swap3A_39 = vector.shape_cast %swap3A_38 : vector<1x256x64xf32> to vector<256x64xf32>
    %swap3A_40 = vector.shape_cast %slice3A_34 : vector<256x64xf32> to vector<1x256x64xf32>
    tpu.vector_store %arg9[%swap3A_35, %swap3A_36, %swap3A_37], %swap3A_40 {strides = array<i32>} : memref<12x256x64xf32, #tpu.memory_space<vmem>>, vector<1x256x64xf32>,
    %slice3A_41 = vector.extract_strided_slice %add3A_28 {offsets = [0, 0], sizes = [256, 64], strides = [1, 1]} : vector<256x768xf32> to vector<256x64xf32>
    %swap3A_42 = arith.constant 0 : index
    %swap3A_43 = arith.constant 0 : index
    %swap3A_44 = arith.constant 0 : index
    %swap3A_45 = vector.load %arg10[%swap3A_42, %swap3A_43, %swap3A_44] : memref<12x256x64xf32, #tpu.memory_space<vmem>>, vector<1x256x64xf32>
    %swap3A_46 = vector.shape_cast %swap3A_45 : vector<1x256x64xf32> to vector<256x64xf32>
    %swap3A_47 = vector.shape_cast %slice3A_41 : vector<256x64xf32> to vector<1x256x64xf32>
    tpu.vector_store %arg10[%swap3A_42, %swap3A_43, %swap3A_44], %swap3A_47 {strides = array<i32>} : memref<12x256x64xf32, #tpu.memory_space<vmem>>, vector<1x256x64xf32>,
    %slice3A_48 = vector.extract_strided_slice %add3A_8 {offsets = [0, 64], sizes = [256, 64], strides = [1, 1]} : vector<256x768xf32> to vector<256x64xf32>
    %swap3A_49 = arith.constant 1 : index
    %swap3A_50 = arith.constant 0 : index
    %swap3A_51 = arith.constant 0 : index
    %swap3A_52 = vector.load %arg8[%swap3A_49, %swap3A_50, %swap3A_51] : memref<12x256x64xf32, #tpu.memory_space<vmem>>, vector<1x256x64xf32>
    %swap3A_53 = vector.shape_cast %swap3A_52 : vector<1x256x64xf32> to vector<256x64xf32>
    %swap3A_54 = vector.shape_cast %slice3A_48 : vector<256x64xf32> to vector<1x256x64xf32>
    tpu.vector_store %arg8[%swap3A_49, %swap3A_50, %swap3A_51], %swap3A_54 {strides = array<i32>} : memref<12x256x64xf32, #tpu.memory_space<vmem>>, vector<1x256x64xf32>,
    %slice3A_55 = vector.extract_strided_slice %add3A_18 {offsets = [0, 64], sizes = [256, 64], strides = [1, 1]} : vector<256x768xf32> to vector<256x64xf32>
    %swap3A_56 = arith.constant 1 : index
    %swap3A_57 = arith.constant 0 : index
    %swap3A_58 = arith.constant 0 : index
    %swap3A_59 = vector.load %arg9[%swap3A_56, %swap3A_57, %swap3A_58] : memref<12x256x64xf32, #tpu.memory_space<vmem>>, vector<1x256x64xf32>
    %swap3A_60 = vector.shape_cast %swap3A_59 : vector<1x256x64xf32> to vector<256x64xf32>
    %swap3A_61 = vector.shape_cast %slice3A_55 : vector<256x64xf32> to vector<1x256x64xf32>
    tpu.vector_store %arg9[%swap3A_56, %swap3A_57, %swap3A_58], %swap3A_61 {strides = array<i32>} : memref<12x256x64xf32, #tpu.memory_space<vmem>>, vector<1x256x64xf32>,
    %slice3A_62 = vector.extract_strided_slice %add3A_28 {offsets = [0, 64], sizes = [256, 64], strides = [1, 1]} : vector<256x768xf32> to vector<256x64xf32>
    %swap3A_63 = arith.constant 1 : index
    %swap3A_64 = arith.constant 0 : index
    %swap3A_65 = arith.constant 0 : index
    %swap3A_66 = vector.load %arg10[%swap3A_63, %swap3A_64, %swap3A_65] : memref<12x256x64xf32, #tpu.memory_space<vmem>>, vector<1x256x64xf32>
    %swap3A_67 = vector.shape_cast %swap3A_66 : vector<1x256x64xf32> to vector<256x64xf32>
    %swap3A_68 = vector.shape_cast %slice3A_62 : vector<256x64xf32> to vector<1x256x64xf32>
    tpu.vector_store %arg10[%swap3A_63, %swap3A_64, %swap3A_65], %swap3A_68 {strides = array<i32>} : memref<12x256x64xf32, #tpu.memory_space<vmem>>, vector<1x256x64xf32>,
    %slice3A_69 = vector.extract_strided_slice %add3A_8 {offsets = [0, 128], sizes = [256, 64], strides = [1, 1]} : vector<256x768xf32> to vector<256x64xf32>
    %swap3A_70 = arith.constant 2 : index
    %swap3A_71 = arith.constant 0 : index
    %swap3A_72 = arith.constant 0 : index
    %swap3A_73 = vector.load %arg8[%swap3A_70, %swap3A_71, %swap3A_72] : memref<12x256x64xf32, #tpu.memory_space<vmem>>, vector<1x256x64xf32>
    %swap3A_74 = vector.shape_cast %swap3A_73 : vector<1x256x64xf32> to vector<256x64xf32>
    %swap3A_75 = vector.shape_cast %slice3A_69 : vector<256x64xf32> to vector<1x256x64xf32>
    tpu.vector_store %arg8[%swap3A_70, %swap3A_71, %swap3A_72], %swap3A_75 {strides = array<i32>} : memref<12x256x64xf32, #tpu.memory_space<vmem>>, vector<1x256x64xf32>,
    %slice3A_76 = vector.extract_strided_slice %add3A_18 {offsets = [0, 128], sizes = [256, 64], strides = [1, 1]} : vector<256x768xf32> to vector<256x64xf32>
    %swap3A_77 = arith.constant 2 : index
    %swap3A_78 = arith.constant 0 : index
    %swap3A_79 = arith.constant 0 : index
    %swap3A_80 = vector.load %arg9[%swap3A_77, %swap3A_78, %swap3A_79] : memref<12x256x64xf32, #tpu.memory_space<vmem>>, vector<1x256x64xf32>
    %swap3A_81 = vector.shape_cast %swap3A_80 : vector<1x256x64xf32> to vector<256x64xf32>
    %swap3A_82 = vector.shape_cast %slice3A_76 : vector<256x64xf32> to vector<1x256x64xf32>
    tpu.vector_store %arg9[%swap3A_77, %swap3A_78, %swap3A_79], %swap3A_82 {strides = array<i32>} : memref<12x256x64xf32, #tpu.memory_space<vmem>>, vector<1x256x64xf32>,
    %slice3A_83 = vector.extract_strided_slice %add3A_28 {offsets = [0, 128], sizes = [256, 64], strides = [1, 1]} : vector<256x768xf32> to vector<256x64xf32>
    %swap3A_84 = arith.constant 2 : index
    %swap3A_85 = arith.constant 0 : index
    %swap3A_86 = arith.constant 0 : index
    %swap3A_87 = vector.load %arg10[%swap3A_84, %swap3A_85, %swap3A_86] : memref<12x256x64xf32, #tpu.memory_space<vmem>>, vector<1x256x64xf32>
    %swap3A_88 = vector.shape_cast %swap3A_87 : vector<1x256x64xf32> to vector<256x64xf32>
    %swap3A_89 = vector.shape_cast %slice3A_83 : vector<256x64xf32> to vector<1x256x64xf32>
    tpu.vector_store %arg10[%swap3A_84, %swap3A_85, %swap3A_86], %swap3A_89 {strides = array<i32>} : memref<12x256x64xf32, #tpu.memory_space<vmem>>, vector<1x256x64xf32>,
    %slice3A_90 = vector.extract_strided_slice %add3A_8 {offsets = [0, 192], sizes = [256, 64], strides = [1, 1]} : vector<256x768xf32> to vector<256x64xf32>
    %swap3A_91 = arith.constant 3 : index
    %swap3A_92 = arith.constant 0 : index
    %swap3A_93 = arith.constant 0 : index
    %swap3A_94 = vector.load %arg8[%swap3A_91, %swap3A_92, %swap3A_93] : memref<12x256x64xf32, #tpu.memory_space<vmem>>, vector<1x256x64xf32>
    %swap3A_95 = vector.shape_cast %swap3A_94 : vector<1x256x64xf32> to vector<256x64xf32>
    %swap3A_96 = vector.shape_cast %slice3A_90 : vector<256x64xf32> to vector<1x256x64xf32>
    tpu.vector_store %arg8[%swap3A_91, %swap3A_92, %swap3A_93], %swap3A_96 {strides = array<i32>} : memref<12x256x64xf32, #tpu.memory_space<vmem>>, vector<1x256x64xf32>,
    %slice3A_97 = vector.extract_strided_slice %add3A_18 {offsets = [0, 192], sizes = [256, 64], strides = [1, 1]} : vector<256x768xf32> to vector<256x64xf32>
    %swap3A_98 = arith.constant 3 : index
    %swap3A_99 = arith.constant 0 : index
    %swap3A_100 = arith.constant 0 : index
    %swap3A_101 = vector.load %arg9[%swap3A_98, %swap3A_99, %swap3A_100] : memref<12x256x64xf32, #tpu.memory_space<vmem>>, vector<1x256x64xf32>
    %swap3A_102 = vector.shape_cast %swap3A_101 : vector<1x256x64xf32> to vector<256x64xf32>
    %swap3A_103 = vector.shape_cast %slice3A_97 : vector<256x64xf32> to vector<1x256x64xf32>
    tpu.vector_store %arg9[%swap3A_98, %swap3A_99, %swap3A_100], %swap3A_103 {strides = array<i32>} : memref<12x256x64xf32, #tpu.memory_space<vmem>>, vector<1x256x64xf32>,
    %slice3A_104 = vector.extract_strided_slice %add3A_28 {offsets = [0, 192], sizes = [256, 64], strides = [1, 1]} : vector<256x768xf32> to vector<256x64xf32>
    %swap3A_105 = arith.constant 3 : index
    %swap3A_106 = arith.constant 0 : index
    %swap3A_107 = arith.constant 0 : index
    %swap3A_108 = vector.load %arg10[%swap3A_105, %swap3A_106, %swap3A_107] : memref<12x256x64xf32, #tpu.memory_space<vmem>>, vector<1x256x64xf32>
    %swap3A_109 = vector.shape_cast %swap3A_108 : vector<1x256x64xf32> to vector<256x64xf32>
    %swap3A_110 = vector.shape_cast %slice3A_104 : vector<256x64xf32> to vector<1x256x64xf32>
    tpu.vector_store %arg10[%swap3A_105, %swap3A_106, %swap3A_107], %swap3A_110 {strides = array<i32>} : memref<12x256x64xf32, #tpu.memory_space<vmem>>, vector<1x256x64xf32>,
    %slice3A_111 = vector.extract_strided_slice %add3A_8 {offsets = [0, 256], sizes = [256, 64], strides = [1, 1]} : vector<256x768xf32> to vector<256x64xf32>
    %swap3A_112 = arith.constant 4 : index
    %swap3A_113 = arith.constant 0 : index
    %swap3A_114 = arith.constant 0 : index
    %swap3A_115 = vector.load %arg8[%swap3A_112, %swap3A_113, %swap3A_114] : memref<12x256x64xf32, #tpu.memory_space<vmem>>, vector<1x256x64xf32>
    %swap3A_116 = vector.shape_cast %swap3A_115 : vector<1x256x64xf32> to vector<256x64xf32>
    %swap3A_117 = vector.shape_cast %slice3A_111 : vector<256x64xf32> to vector<1x256x64xf32>
    tpu.vector_store %arg8[%swap3A_112, %swap3A_113, %swap3A_114], %swap3A_117 {strides = array<i32>} : memref<12x256x64xf32, #tpu.memory_space<vmem>>, vector<1x256x64xf32>,
    %slice3A_118 = vector.extract_strided_slice %add3A_18 {offsets = [0, 256], sizes = [256, 64], strides = [1, 1]} : vector<256x768xf32> to vector<256x64xf32>
    %swap3A_119 = arith.constant 4 : index
    %swap3A_120 = arith.constant 0 : index
    %swap3A_121 = arith.constant 0 : index
    %swap3A_122 = vector.load %arg9[%swap3A_119, %swap3A_120, %swap3A_121] : memref<12x256x64xf32, #tpu.memory_space<vmem>>, vector<1x256x64xf32>
    %swap3A_123 = vector.shape_cast %swap3A_122 : vector<1x256x64xf32> to vector<256x64xf32>
    %swap3A_124 = vector.shape_cast %slice3A_118 : vector<256x64xf32> to vector<1x256x64xf32>
    tpu.vector_store %arg9[%swap3A_119, %swap3A_120, %swap3A_121], %swap3A_124 {strides = array<i32>} : memref<12x256x64xf32, #tpu.memory_space<vmem>>, vector<1x256x64xf32>,
    %slice3A_125 = vector.extract_strided_slice %add3A_28 {offsets = [0, 256], sizes = [256, 64], strides = [1, 1]} : vector<256x768xf32> to vector<256x64xf32>
    %swap3A_126 = arith.constant 4 : index
    %swap3A_127 = arith.constant 0 : index
    %swap3A_128 = arith.constant 0 : index
    %swap3A_129 = vector.load %arg10[%swap3A_126, %swap3A_127, %swap3A_128] : memref<12x256x64xf32, #tpu.memory_space<vmem>>, vector<1x256x64xf32>
    %swap3A_130 = vector.shape_cast %swap3A_129 : vector<1x256x64xf32> to vector<256x64xf32>
    %swap3A_131 = vector.shape_cast %slice3A_125 : vector<256x64xf32> to vector<1x256x64xf32>
    tpu.vector_store %arg10[%swap3A_126, %swap3A_127, %swap3A_128], %swap3A_131 {strides = array<i32>} : memref<12x256x64xf32, #tpu.memory_space<vmem>>, vector<1x256x64xf32>,
    %slice3A_132 = vector.extract_strided_slice %add3A_8 {offsets = [0, 320], sizes = [256, 64], strides = [1, 1]} : vector<256x768xf32> to vector<256x64xf32>
    %swap3A_133 = arith.constant 5 : index
    %swap3A_134 = arith.constant 0 : index
    %swap3A_135 = arith.constant 0 : index
    %swap3A_136 = vector.load %arg8[%swap3A_133, %swap3A_134, %swap3A_135] : memref<12x256x64xf32, #tpu.memory_space<vmem>>, vector<1x256x64xf32>
    %swap3A_137 = vector.shape_cast %swap3A_136 : vector<1x256x64xf32> to vector<256x64xf32>
    %swap3A_138 = vector.shape_cast %slice3A_132 : vector<256x64xf32> to vector<1x256x64xf32>
    tpu.vector_store %arg8[%swap3A_133, %swap3A_134, %swap3A_135], %swap3A_138 {strides = array<i32>} : memref<12x256x64xf32, #tpu.memory_space<vmem>>, vector<1x256x64xf32>,
    %slice3A_139 = vector.extract_strided_slice %add3A_18 {offsets = [0, 320], sizes = [256, 64], strides = [1, 1]} : vector<256x768xf32> to vector<256x64xf32>
    %swap3A_140 = arith.constant 5 : index
    %swap3A_141 = arith.constant 0 : index
    %swap3A_142 = arith.constant 0 : index
    %swap3A_143 = vector.load %arg9[%swap3A_140, %swap3A_141, %swap3A_142] : memref<12x256x64xf32, #tpu.memory_space<vmem>>, vector<1x256x64xf32>
    %swap3A_144 = vector.shape_cast %swap3A_143 : vector<1x256x64xf32> to vector<256x64xf32>
    %swap3A_145 = vector.shape_cast %slice3A_139 : vector<256x64xf32> to vector<1x256x64xf32>
    tpu.vector_store %arg9[%swap3A_140, %swap3A_141, %swap3A_142], %swap3A_145 {strides = array<i32>} : memref<12x256x64xf32, #tpu.memory_space<vmem>>, vector<1x256x64xf32>,
    %slice3A_146 = vector.extract_strided_slice %add3A_28 {offsets = [0, 320], sizes = [256, 64], strides = [1, 1]} : vector<256x768xf32> to vector<256x64xf32>
    %swap3A_147 = arith.constant 5 : index
    %swap3A_148 = arith.constant 0 : index
    %swap3A_149 = arith.constant 0 : index
    %swap3A_150 = vector.load %arg10[%swap3A_147, %swap3A_148, %swap3A_149] : memref<12x256x64xf32, #tpu.memory_space<vmem>>, vector<1x256x64xf32>
    %swap3A_151 = vector.shape_cast %swap3A_150 : vector<1x256x64xf32> to vector<256x64xf32>
    %swap3A_152 = vector.shape_cast %slice3A_146 : vector<256x64xf32> to vector<1x256x64xf32>
    tpu.vector_store %arg10[%swap3A_147, %swap3A_148, %swap3A_149], %swap3A_152 {strides = array<i32>} : memref<12x256x64xf32, #tpu.memory_space<vmem>>, vector<1x256x64xf32>,
    %slice3A_153 = vector.extract_strided_slice %add3A_8 {offsets = [0, 384], sizes = [256, 64], strides = [1, 1]} : vector<256x768xf32> to vector<256x64xf32>
    %swap3A_154 = arith.constant 6 : index
    %swap3A_155 = arith.constant 0 : index
    %swap3A_156 = arith.constant 0 : index
    %swap3A_157 = vector.load %arg8[%swap3A_154, %swap3A_155, %swap3A_156] : memref<12x256x64xf32, #tpu.memory_space<vmem>>, vector<1x256x64xf32>
    %swap3A_158 = vector.shape_cast %swap3A_157 : vector<1x256x64xf32> to vector<256x64xf32>
    %swap3A_159 = vector.shape_cast %slice3A_153 : vector<256x64xf32> to vector<1x256x64xf32>
    tpu.vector_store %arg8[%swap3A_154, %swap3A_155, %swap3A_156], %swap3A_159 {strides = array<i32>} : memref<12x256x64xf32, #tpu.memory_space<vmem>>, vector<1x256x64xf32>,
    %slice3A_160 = vector.extract_strided_slice %add3A_18 {offsets = [0, 384], sizes = [256, 64], strides = [1, 1]} : vector<256x768xf32> to vector<256x64xf32>
    %swap3A_161 = arith.constant 6 : index
    %swap3A_162 = arith.constant 0 : index
    %swap3A_163 = arith.constant 0 : index
    %swap3A_164 = vector.load %arg9[%swap3A_161, %swap3A_162, %swap3A_163] : memref<12x256x64xf32, #tpu.memory_space<vmem>>, vector<1x256x64xf32>
    %swap3A_165 = vector.shape_cast %swap3A_164 : vector<1x256x64xf32> to vector<256x64xf32>
    %swap3A_166 = vector.shape_cast %slice3A_160 : vector<256x64xf32> to vector<1x256x64xf32>
    tpu.vector_store %arg9[%swap3A_161, %swap3A_162, %swap3A_163], %swap3A_166 {strides = array<i32>} : memref<12x256x64xf32, #tpu.memory_space<vmem>>, vector<1x256x64xf32>,
    %slice3A_167 = vector.extract_strided_slice %add3A_28 {offsets = [0, 384], sizes = [256, 64], strides = [1, 1]} : vector<256x768xf32> to vector<256x64xf32>
    %swap3A_168 = arith.constant 6 : index
    %swap3A_169 = arith.constant 0 : index
    %swap3A_170 = arith.constant 0 : index
    %swap3A_171 = vector.load %arg10[%swap3A_168, %swap3A_169, %swap3A_170] : memref<12x256x64xf32, #tpu.memory_space<vmem>>, vector<1x256x64xf32>
    %swap3A_172 = vector.shape_cast %swap3A_171 : vector<1x256x64xf32> to vector<256x64xf32>
    %swap3A_173 = vector.shape_cast %slice3A_167 : vector<256x64xf32> to vector<1x256x64xf32>
    tpu.vector_store %arg10[%swap3A_168, %swap3A_169, %swap3A_170], %swap3A_173 {strides = array<i32>} : memref<12x256x64xf32, #tpu.memory_space<vmem>>, vector<1x256x64xf32>,
    %slice3A_174 = vector.extract_strided_slice %add3A_8 {offsets = [0, 448], sizes = [256, 64], strides = [1, 1]} : vector<256x768xf32> to vector<256x64xf32>
    %swap3A_175 = arith.constant 7 : index
    %swap3A_176 = arith.constant 0 : index
    %swap3A_177 = arith.constant 0 : index
    %swap3A_178 = vector.load %arg8[%swap3A_175, %swap3A_176, %swap3A_177] : memref<12x256x64xf32, #tpu.memory_space<vmem>>, vector<1x256x64xf32>
    %swap3A_179 = vector.shape_cast %swap3A_178 : vector<1x256x64xf32> to vector<256x64xf32>
    %swap3A_180 = vector.shape_cast %slice3A_174 : vector<256x64xf32> to vector<1x256x64xf32>
    tpu.vector_store %arg8[%swap3A_175, %swap3A_176, %swap3A_177], %swap3A_180 {strides = array<i32>} : memref<12x256x64xf32, #tpu.memory_space<vmem>>, vector<1x256x64xf32>,
    %slice3A_181 = vector.extract_strided_slice %add3A_18 {offsets = [0, 448], sizes = [256, 64], strides = [1, 1]} : vector<256x768xf32> to vector<256x64xf32>
    %swap3A_182 = arith.constant 7 : index
    %swap3A_183 = arith.constant 0 : index
    %swap3A_184 = arith.constant 0 : index
    %swap3A_185 = vector.load %arg9[%swap3A_182, %swap3A_183, %swap3A_184] : memref<12x256x64xf32, #tpu.memory_space<vmem>>, vector<1x256x64xf32>
    %swap3A_186 = vector.shape_cast %swap3A_185 : vector<1x256x64xf32> to vector<256x64xf32>
    %swap3A_187 = vector.shape_cast %slice3A_181 : vector<256x64xf32> to vector<1x256x64xf32>
    tpu.vector_store %arg9[%swap3A_182, %swap3A_183, %swap3A_184], %swap3A_187 {strides = array<i32>} : memref<12x256x64xf32, #tpu.memory_space<vmem>>, vector<1x256x64xf32>,
    %slice3A_188 = vector.extract_strided_slice %add3A_28 {offsets = [0, 448], sizes = [256, 64], strides = [1, 1]} : vector<256x768xf32> to vector<256x64xf32>
    %swap3A_189 = arith.constant 7 : index
    %swap3A_190 = arith.constant 0 : index
    %swap3A_191 = arith.constant 0 : index
    %swap3A_192 = vector.load %arg10[%swap3A_189, %swap3A_190, %swap3A_191] : memref<12x256x64xf32, #tpu.memory_space<vmem>>, vector<1x256x64xf32>
    %swap3A_193 = vector.shape_cast %swap3A_192 : vector<1x256x64xf32> to vector<256x64xf32>
    %swap3A_194 = vector.shape_cast %slice3A_188 : vector<256x64xf32> to vector<1x256x64xf32>
    tpu.vector_store %arg10[%swap3A_189, %swap3A_190, %swap3A_191], %swap3A_194 {strides = array<i32>} : memref<12x256x64xf32, #tpu.memory_space<vmem>>, vector<1x256x64xf32>,
    %slice3A_195 = vector.extract_strided_slice %add3A_8 {offsets = [0, 512], sizes = [256, 64], strides = [1, 1]} : vector<256x768xf32> to vector<256x64xf32>
    %swap3A_196 = arith.constant 8 : index
    %swap3A_197 = arith.constant 0 : index
    %swap3A_198 = arith.constant 0 : index
    %swap3A_199 = vector.load %arg8[%swap3A_196, %swap3A_197, %swap3A_198] : memref<12x256x64xf32, #tpu.memory_space<vmem>>, vector<1x256x64xf32>
    %swap3A_200 = vector.shape_cast %swap3A_199 : vector<1x256x64xf32> to vector<256x64xf32>
    %swap3A_201 = vector.shape_cast %slice3A_195 : vector<256x64xf32> to vector<1x256x64xf32>
    tpu.vector_store %arg8[%swap3A_196, %swap3A_197, %swap3A_198], %swap3A_201 {strides = array<i32>} : memref<12x256x64xf32, #tpu.memory_space<vmem>>, vector<1x256x64xf32>,
    %slice3A_202 = vector.extract_strided_slice %add3A_18 {offsets = [0, 512], sizes = [256, 64], strides = [1, 1]} : vector<256x768xf32> to vector<256x64xf32>
    %swap3A_203 = arith.constant 8 : index
    %swap3A_204 = arith.constant 0 : index
    %swap3A_205 = arith.constant 0 : index
    %swap3A_206 = vector.load %arg9[%swap3A_203, %swap3A_204, %swap3A_205] : memref<12x256x64xf32, #tpu.memory_space<vmem>>, vector<1x256x64xf32>
    %swap3A_207 = vector.shape_cast %swap3A_206 : vector<1x256x64xf32> to vector<256x64xf32>
    %swap3A_208 = vector.shape_cast %slice3A_202 : vector<256x64xf32> to vector<1x256x64xf32>
    tpu.vector_store %arg9[%swap3A_203, %swap3A_204, %swap3A_205], %swap3A_208 {strides = array<i32>} : memref<12x256x64xf32, #tpu.memory_space<vmem>>, vector<1x256x64xf32>,
    %slice3A_209 = vector.extract_strided_slice %add3A_28 {offsets = [0, 512], sizes = [256, 64], strides = [1, 1]} : vector<256x768xf32> to vector<256x64xf32>
    %swap3A_210 = arith.constant 8 : index
    %swap3A_211 = arith.constant 0 : index
    %swap3A_212 = arith.constant 0 : index
    %swap3A_213 = vector.load %arg10[%swap3A_210, %swap3A_211, %swap3A_212] : memref<12x256x64xf32, #tpu.memory_space<vmem>>, vector<1x256x64xf32>
    %swap3A_214 = vector.shape_cast %swap3A_213 : vector<1x256x64xf32> to vector<256x64xf32>
    %swap3A_215 = vector.shape_cast %slice3A_209 : vector<256x64xf32> to vector<1x256x64xf32>
    tpu.vector_store %arg10[%swap3A_210, %swap3A_211, %swap3A_212], %swap3A_215 {strides = array<i32>} : memref<12x256x64xf32, #tpu.memory_space<vmem>>, vector<1x256x64xf32>,
    %slice3A_216 = vector.extract_strided_slice %add3A_8 {offsets = [0, 576], sizes = [256, 64], strides = [1, 1]} : vector<256x768xf32> to vector<256x64xf32>
    %swap3A_217 = arith.constant 9 : index
    %swap3A_218 = arith.constant 0 : index
    %swap3A_219 = arith.constant 0 : index
    %swap3A_220 = vector.load %arg8[%swap3A_217, %swap3A_218, %swap3A_219] : memref<12x256x64xf32, #tpu.memory_space<vmem>>, vector<1x256x64xf32>
    %swap3A_221 = vector.shape_cast %swap3A_220 : vector<1x256x64xf32> to vector<256x64xf32>
    %swap3A_222 = vector.shape_cast %slice3A_216 : vector<256x64xf32> to vector<1x256x64xf32>
    tpu.vector_store %arg8[%swap3A_217, %swap3A_218, %swap3A_219], %swap3A_222 {strides = array<i32>} : memref<12x256x64xf32, #tpu.memory_space<vmem>>, vector<1x256x64xf32>,
    %slice3A_223 = vector.extract_strided_slice %add3A_18 {offsets = [0, 576], sizes = [256, 64], strides = [1, 1]} : vector<256x768xf32> to vector<256x64xf32>
    %swap3A_224 = arith.constant 9 : index
    %swap3A_225 = arith.constant 0 : index
    %swap3A_226 = arith.constant 0 : index
    %swap3A_227 = vector.load %arg9[%swap3A_224, %swap3A_225, %swap3A_226] : memref<12x256x64xf32, #tpu.memory_space<vmem>>, vector<1x256x64xf32>
    %swap3A_228 = vector.shape_cast %swap3A_227 : vector<1x256x64xf32> to vector<256x64xf32>
    %swap3A_229 = vector.shape_cast %slice3A_223 : vector<256x64xf32> to vector<1x256x64xf32>
    tpu.vector_store %arg9[%swap3A_224, %swap3A_225, %swap3A_226], %swap3A_229 {strides = array<i32>} : memref<12x256x64xf32, #tpu.memory_space<vmem>>, vector<1x256x64xf32>,
    %slice3A_230 = vector.extract_strided_slice %add3A_28 {offsets = [0, 576], sizes = [256, 64], strides = [1, 1]} : vector<256x768xf32> to vector<256x64xf32>
    %swap3A_231 = arith.constant 9 : index
    %swap3A_232 = arith.constant 0 : index
    %swap3A_233 = arith.constant 0 : index
    %swap3A_234 = vector.load %arg10[%swap3A_231, %swap3A_232, %swap3A_233] : memref<12x256x64xf32, #tpu.memory_space<vmem>>, vector<1x256x64xf32>
    %swap3A_235 = vector.shape_cast %swap3A_234 : vector<1x256x64xf32> to vector<256x64xf32>
    %swap3A_236 = vector.shape_cast %slice3A_230 : vector<256x64xf32> to vector<1x256x64xf32>
    tpu.vector_store %arg10[%swap3A_231, %swap3A_232, %swap3A_233], %swap3A_236 {strides = array<i32>} : memref<12x256x64xf32, #tpu.memory_space<vmem>>, vector<1x256x64xf32>,
    %slice3A_237 = vector.extract_strided_slice %add3A_8 {offsets = [0, 640], sizes = [256, 64], strides = [1, 1]} : vector<256x768xf32> to vector<256x64xf32>
    %swap3A_238 = arith.constant 10 : index
    %swap3A_239 = arith.constant 0 : index
    %swap3A_240 = arith.constant 0 : index
    %swap3A_241 = vector.load %arg8[%swap3A_238, %swap3A_239, %swap3A_240] : memref<12x256x64xf32, #tpu.memory_space<vmem>>, vector<1x256x64xf32>
    %swap3A_242 = vector.shape_cast %swap3A_241 : vector<1x256x64xf32> to vector<256x64xf32>
    %swap3A_243 = vector.shape_cast %slice3A_237 : vector<256x64xf32> to vector<1x256x64xf32>
    tpu.vector_store %arg8[%swap3A_238, %swap3A_239, %swap3A_240], %swap3A_243 {strides = array<i32>} : memref<12x256x64xf32, #tpu.memory_space<vmem>>, vector<1x256x64xf32>,
    %slice3A_244 = vector.extract_strided_slice %add3A_18 {offsets = [0, 640], sizes = [256, 64], strides = [1, 1]} : vector<256x768xf32> to vector<256x64xf32>
    %swap3A_245 = arith.constant 10 : index
    %swap3A_246 = arith.constant 0 : index
    %swap3A_247 = arith.constant 0 : index
    %swap3A_248 = vector.load %arg9[%swap3A_245, %swap3A_246, %swap3A_247] : memref<12x256x64xf32, #tpu.memory_space<vmem>>, vector<1x256x64xf32>
    %swap3A_249 = vector.shape_cast %swap3A_248 : vector<1x256x64xf32> to vector<256x64xf32>
    %swap3A_250 = vector.shape_cast %slice3A_244 : vector<256x64xf32> to vector<1x256x64xf32>
    tpu.vector_store %arg9[%swap3A_245, %swap3A_246, %swap3A_247], %swap3A_250 {strides = array<i32>} : memref<12x256x64xf32, #tpu.memory_space<vmem>>, vector<1x256x64xf32>,
    %slice3A_251 = vector.extract_strided_slice %add3A_28 {offsets = [0, 640], sizes = [256, 64], strides = [1, 1]} : vector<256x768xf32> to vector<256x64xf32>
    %swap3A_252 = arith.constant 10 : index
    %swap3A_253 = arith.constant 0 : index
    %swap3A_254 = arith.constant 0 : index
    %swap3A_255 = vector.load %arg10[%swap3A_252, %swap3A_253, %swap3A_254] : memref<12x256x64xf32, #tpu.memory_space<vmem>>, vector<1x256x64xf32>
    %swap3A_256 = vector.shape_cast %swap3A_255 : vector<1x256x64xf32> to vector<256x64xf32>
    %swap3A_257 = vector.shape_cast %slice3A_251 : vector<256x64xf32> to vector<1x256x64xf32>
    tpu.vector_store %arg10[%swap3A_252, %swap3A_253, %swap3A_254], %swap3A_257 {strides = array<i32>} : memref<12x256x64xf32, #tpu.memory_space<vmem>>, vector<1x256x64xf32>,
    %slice3A_258 = vector.extract_strided_slice %add3A_8 {offsets = [0, 704], sizes = [256, 64], strides = [1, 1]} : vector<256x768xf32> to vector<256x64xf32>
    %swap3A_259 = arith.constant 11 : index
    %swap3A_260 = arith.constant 0 : index
    %swap3A_261 = arith.constant 0 : index
    %swap3A_262 = vector.load %arg8[%swap3A_259, %swap3A_260, %swap3A_261] : memref<12x256x64xf32, #tpu.memory_space<vmem>>, vector<1x256x64xf32>
    %swap3A_263 = vector.shape_cast %swap3A_262 : vector<1x256x64xf32> to vector<256x64xf32>
    %swap3A_264 = vector.shape_cast %slice3A_258 : vector<256x64xf32> to vector<1x256x64xf32>
    tpu.vector_store %arg8[%swap3A_259, %swap3A_260, %swap3A_261], %swap3A_264 {strides = array<i32>} : memref<12x256x64xf32, #tpu.memory_space<vmem>>, vector<1x256x64xf32>,
    %slice3A_265 = vector.extract_strided_slice %add3A_18 {offsets = [0, 704], sizes = [256, 64], strides = [1, 1]} : vector<256x768xf32> to vector<256x64xf32>
    %swap3A_266 = arith.constant 11 : index
    %swap3A_267 = arith.constant 0 : index
    %swap3A_268 = arith.constant 0 : index
    %swap3A_269 = vector.load %arg9[%swap3A_266, %swap3A_267, %swap3A_268] : memref<12x256x64xf32, #tpu.memory_space<vmem>>, vector<1x256x64xf32>
    %swap3A_270 = vector.shape_cast %swap3A_269 : vector<1x256x64xf32> to vector<256x64xf32>
    %swap3A_271 = vector.shape_cast %slice3A_265 : vector<256x64xf32> to vector<1x256x64xf32>
    tpu.vector_store %arg9[%swap3A_266, %swap3A_267, %swap3A_268], %swap3A_271 {strides = array<i32>} : memref<12x256x64xf32, #tpu.memory_space<vmem>>, vector<1x256x64xf32>,
    %slice3A_272 = vector.extract_strided_slice %add3A_28 {offsets = [0, 704], sizes = [256, 64], strides = [1, 1]} : vector<256x768xf32> to vector<256x64xf32>
    %swap3A_273 = arith.constant 11 : index
    %swap3A_274 = arith.constant 0 : index
    %swap3A_275 = arith.constant 0 : index
    %swap3A_276 = vector.load %arg10[%swap3A_273, %swap3A_274, %swap3A_275] : memref<12x256x64xf32, #tpu.memory_space<vmem>>, vector<1x256x64xf32>
    %swap3A_277 = vector.shape_cast %swap3A_276 : vector<1x256x64xf32> to vector<256x64xf32>
    %swap3A_278 = vector.shape_cast %slice3A_272 : vector<256x64xf32> to vector<1x256x64xf32>
    tpu.vector_store %arg10[%swap3A_273, %swap3A_274, %swap3A_275], %swap3A_278 {strides = array<i32>} : memref<12x256x64xf32, #tpu.memory_space<vmem>>, vector<1x256x64xf32>,
    return
  }
  func.func @transform_0(%arg0: i32) -> (i32, i32) {
    %c0_i32 = arith.constant 0 : i32
    %c0_i32_0 = arith.constant 0 : i32
    return %arg0, %c0_i32 : i32, i32
  }
  func.func @transform_1(%arg0: i32) -> (i32, i32) {
    %c0_i32 = arith.constant 0 : i32
    %c0_i32_0 = arith.constant 0 : i32
    %c0_i32_1 = arith.constant 0 : i32
    return %c0_i32, %c0_i32_0 : i32, i32
  }
  func.func @transform_2(%arg0: i32) -> i32 {
    %c0_i32 = arith.constant 0 : i32
    %c0_i32_0 = arith.constant 0 : i32
    return %c0_i32 : i32
  }
  func.func @transform_3(%arg0: i32) -> (i32, i32) {
    %c0_i32 = arith.constant 0 : i32
    %c0_i32_0 = arith.constant 0 : i32
    %c0_i32_1 = arith.constant 0 : i32
    return %c0_i32, %c0_i32_0 : i32, i32
  }
  func.func @transform_4(%arg0: i32) -> i32 {
    %c0_i32 = arith.constant 0 : i32
    %c0_i32_0 = arith.constant 0 : i32
    return %c0_i32 : i32
  }
  func.func @transform_5(%arg0: i32) -> (i32, i32) {
    %c0_i32 = arith.constant 0 : i32
    %c0_i32_0 = arith.constant 0 : i32
    %c0_i32_1 = arith.constant 0 : i32
    return %c0_i32, %c0_i32_0 : i32, i32
  }
  func.func @transform_6(%arg0: i32) -> i32 {
    %c0_i32 = arith.constant 0 : i32
    %c0_i32_0 = arith.constant 0 : i32
    return %c0_i32 : i32
  }
  func.func @transform_7(%arg0: i32) -> (i32, i32, i32) {
    %c0_i32 = arith.constant 0 : i32
    %c0_i32_0 = arith.constant 0 : i32
    %c0_i32_1 = arith.constant 0 : i32
    return %c0_i32, %arg0, %c0_i32_0 : i32, i32, i32
  }
  func.func @transform_8(%arg0: i32) -> (i32, i32, i32) {
    %c0_i32 = arith.constant 0 : i32
    %c0_i32_0 = arith.constant 0 : i32
    %c0_i32_1 = arith.constant 0 : i32
    return %c0_i32, %arg0, %c0_i32_0 : i32, i32, i32
  }
  func.func @transform_9(%arg0: i32) -> (i32, i32, i32) {
    %c0_i32 = arith.constant 0 : i32
    %c0_i32_0 = arith.constant 0 : i32
    %c0_i32_1 = arith.constant 0 : i32
    return %c0_i32, %arg0, %c0_i32_0 : i32, i32, i32
  }
}

module attributes {stable_mosaic.version = 14 : i64} {
  func.func @_resolve_body(%arg0: memref<480x1xi32, #tpu.memory_space<vmem>>, %arg1: memref<1x480xi32, #tpu.memory_space<vmem>>, %arg2: memref<480x768xf32, #tpu.memory_space<vmem>>, %arg3: memref<1x768xf32, #tpu.memory_space<vmem>>, %arg4: memref<480x768xf32, #tpu.memory_space<vmem>>) attributes {dimension_semantics = [], scalar_prefetch = 0 : i64, scratch_operands = 0 : i64, tpu.core_type = #tpu.core_type<tc>} {
    %get3A = arith.constant 0 : index
    %get3A_0 = arith.constant 0 : index
    %get3A_1 = vector.load %arg0[%get3A, %get3A_0] : memref<480x1xi32, #tpu.memory_space<vmem>>, vector<480x1xi32>
    %get3A_2 = arith.constant 0 : index
    %get3A_3 = arith.constant 0 : index
    %get3A_4 = vector.load %arg1[%get3A_2, %get3A_3] : memref<1x480xi32, #tpu.memory_space<vmem>>, vector<1x480xi32>
    %eq3A = vector.broadcast %get3A_1 : vector<480x1xi32> to vector<480x480xi32>
    %eq3A_5 = vector.broadcast %get3A_4 : vector<1x480xi32> to vector<480x480xi32>
    %eq3A_6 = arith.cmpi eq, %eq3A, %eq3A_5 : vector<480x480xi32>
    %convert_element_type3A = arith.extui %eq3A_6 : vector<480x480xi1> to vector<480x480xi32>
    %convert_element_type3A_7 = arith.sitofp %convert_element_type3A : vector<480x480xi32> to vector<480x480xf32>
    %get3A_8 = arith.constant 0 : index
    %get3A_9 = arith.constant 0 : index
    %get3A_10 = vector.load %arg2[%get3A_8, %get3A_9] : memref<480x768xf32, #tpu.memory_space<vmem>>, vector<480x768xf32>
    %dot_general3A = arith.constant dense<0.000000e+00> : vector<480x768xf32>
    %dot_general3A_11 = tpu.matmul %convert_element_type3A_7, %get3A_10, %dot_general3A {dimension_numbers = #tpu.dot_dimension_numbers<[1], [0], [0], [1], [0, 0, 1, 1], [], []>, transpose_lhs_hint = false} : vector<480x480xf32>, vector<480x768xf32>, vector<480x768xf32> -> vector<480x768xf32>
    %get3A_12 = arith.constant 0 : index
    %get3A_13 = arith.constant 0 : index
    %get3A_14 = vector.load %arg3[%get3A_12, %get3A_13] : memref<1x768xf32, #tpu.memory_space<vmem>>, vector<1x768xf32>
    %add3A = vector.broadcast %get3A_14 : vector<1x768xf32> to vector<480x768xf32>
    %add3A_15 = arith.addf %dot_general3A_11, %add3A : vector<480x768xf32>
    %swap3A = arith.constant 0 : index
    %swap3A_16 = arith.constant 0 : index
    %swap3A_17 = vector.load %arg4[%swap3A, %swap3A_16] : memref<480x768xf32, #tpu.memory_space<vmem>>, vector<480x768xf32>
    tpu.vector_store %arg4[%swap3A, %swap3A_16], %add3A_15 {strides = array<i32>} : memref<480x768xf32, #tpu.memory_space<vmem>>, vector<480x768xf32>,
    return
  }
}

module attributes {stable_mosaic.version = 14 : i64} {
  func.func @_attn_body(%arg0: i32, %arg1: memref<1x2048x64xf32, #tpu.memory_space<vmem>>, %arg2: memref<1x2048x64xf32, #tpu.memory_space<vmem>>, %arg3: memref<1x2048x64xf32, #tpu.memory_space<vmem>>, %arg4: memref<12x1x40xi32, #tpu.memory_space<smem>>, %arg5: memref<1x768x64xf32, #tpu.memory_space<vmem>>, %arg6: memref<768xf32, #tpu.memory_space<vmem>>, %arg7: memref<1x40x768xf32, #tpu.memory_space<vmem>>, %arg8: memref<1x768xf32, #tpu.memory_space<vmem>>, %arg9: memref<40x64xf32, #tpu.memory_space<vmem>>) attributes {dimension_semantics = [#tpu.dimension_semantics<arbitrary>], iteration_bounds = array<i64: 12>, scalar_prefetch = 0 : i64, scratch_operands = 1 : i64, tpu.core_type = #tpu.core_type<tc>, window_params = [{transform_indices = @transform_0, window_bounds = array<i64: 1, 2048, 64>}, {transform_indices = @transform_1, window_bounds = array<i64: 1, 2048, 64>}, {transform_indices = @transform_2, window_bounds = array<i64: 1, 2048, 64>}, {transform_indices = @transform_3, window_bounds = array<i64: 12, 1, 40>}, {transform_indices = @transform_4, window_bounds = array<i64: 1, 768, 64>}, {pipeline_mode = #tpu.pipeline_mode<synchronous>, transform_indices = @transform_5, window_bounds = array<i64: 768>}, {transform_indices = @transform_6, window_bounds = array<i64: 1, 40, 768>}, {pipeline_mode = #tpu.pipeline_mode<synchronous>, transform_indices = @transform_7, window_bounds = array<i64: 1, 768>}]} {
    %get3A = arith.index_cast %arg0 : i32 to index
    %get3A_0 = arith.constant 0 : index
    %get3A_1 = arith.constant 0 : index
    %get3A_2 = memref.load %arg4[%get3A, %get3A_0, %get3A_1] : memref<12x1x40xi32, #tpu.memory_space<smem>>
    %get3A_3 = arith.constant 0 : index
    %get3A_4 = arith.index_cast %get3A_2 : i32 to index
    %get3A_5 = arith.constant 0 : index
    %get3A_6 = vector.load %arg1[%get3A_3, %get3A_4, %get3A_5] : memref<1x2048x64xf32, #tpu.memory_space<vmem>>, vector<1x1x64xf32>
    %get3A_7 = vector.shape_cast %get3A_6 : vector<1x1x64xf32> to vector<1x64xf32>
    %swap3A = arith.constant 0 : index
    %swap3A_8 = arith.constant 0 : index
    %swap3A_9 = vector.load %arg9[%swap3A, %swap3A_8] : memref<40x64xf32, #tpu.memory_space<vmem>>, vector<1x64xf32>
    tpu.vector_store %arg9[%swap3A, %swap3A_8], %get3A_7 {strides = array<i32>} : memref<40x64xf32, #tpu.memory_space<vmem>>, vector<1x64xf32>,
    %get3A_10 = arith.index_cast %arg0 : i32 to index
    %get3A_11 = arith.constant 0 : index
    %get3A_12 = arith.constant 1 : index
    %get3A_13 = memref.load %arg4[%get3A_10, %get3A_11, %get3A_12] : memref<12x1x40xi32, #tpu.memory_space<smem>>
    %get3A_14 = arith.constant 0 : index
    %get3A_15 = arith.index_cast %get3A_13 : i32 to index
    %get3A_16 = arith.constant 0 : index
    %get3A_17 = vector.load %arg1[%get3A_14, %get3A_15, %get3A_16] : memref<1x2048x64xf32, #tpu.memory_space<vmem>>, vector<1x1x64xf32>
    %get3A_18 = vector.shape_cast %get3A_17 : vector<1x1x64xf32> to vector<1x64xf32>
    %swap3A_19 = arith.constant 1 : index
    %swap3A_20 = arith.constant 0 : index
    %swap3A_21 = vector.load %arg9[%swap3A_19, %swap3A_20] : memref<40x64xf32, #tpu.memory_space<vmem>>, vector<1x64xf32>
    tpu.vector_store %arg9[%swap3A_19, %swap3A_20], %get3A_18 {strides = array<i32>} : memref<40x64xf32, #tpu.memory_space<vmem>>, vector<1x64xf32>,
    %get3A_22 = arith.index_cast %arg0 : i32 to index
    %get3A_23 = arith.constant 0 : index
    %get3A_24 = arith.constant 2 : index
    %get3A_25 = memref.load %arg4[%get3A_22, %get3A_23, %get3A_24] : memref<12x1x40xi32, #tpu.memory_space<smem>>
    %get3A_26 = arith.constant 0 : index
    %get3A_27 = arith.index_cast %get3A_25 : i32 to index
    %get3A_28 = arith.constant 0 : index
    %get3A_29 = vector.load %arg1[%get3A_26, %get3A_27, %get3A_28] : memref<1x2048x64xf32, #tpu.memory_space<vmem>>, vector<1x1x64xf32>
    %get3A_30 = vector.shape_cast %get3A_29 : vector<1x1x64xf32> to vector<1x64xf32>
    %swap3A_31 = arith.constant 2 : index
    %swap3A_32 = arith.constant 0 : index
    %swap3A_33 = vector.load %arg9[%swap3A_31, %swap3A_32] : memref<40x64xf32, #tpu.memory_space<vmem>>, vector<1x64xf32>
    tpu.vector_store %arg9[%swap3A_31, %swap3A_32], %get3A_30 {strides = array<i32>} : memref<40x64xf32, #tpu.memory_space<vmem>>, vector<1x64xf32>,
    %get3A_34 = arith.index_cast %arg0 : i32 to index
    %get3A_35 = arith.constant 0 : index
    %get3A_36 = arith.constant 3 : index
    %get3A_37 = memref.load %arg4[%get3A_34, %get3A_35, %get3A_36] : memref<12x1x40xi32, #tpu.memory_space<smem>>
    %get3A_38 = arith.constant 0 : index
    %get3A_39 = arith.index_cast %get3A_37 : i32 to index
    %get3A_40 = arith.constant 0 : index
    %get3A_41 = vector.load %arg1[%get3A_38, %get3A_39, %get3A_40] : memref<1x2048x64xf32, #tpu.memory_space<vmem>>, vector<1x1x64xf32>
    %get3A_42 = vector.shape_cast %get3A_41 : vector<1x1x64xf32> to vector<1x64xf32>
    %swap3A_43 = arith.constant 3 : index
    %swap3A_44 = arith.constant 0 : index
    %swap3A_45 = vector.load %arg9[%swap3A_43, %swap3A_44] : memref<40x64xf32, #tpu.memory_space<vmem>>, vector<1x64xf32>
    tpu.vector_store %arg9[%swap3A_43, %swap3A_44], %get3A_42 {strides = array<i32>} : memref<40x64xf32, #tpu.memory_space<vmem>>, vector<1x64xf32>,
    %get3A_46 = arith.index_cast %arg0 : i32 to index
    %get3A_47 = arith.constant 0 : index
    %get3A_48 = arith.constant 4 : index
    %get3A_49 = memref.load %arg4[%get3A_46, %get3A_47, %get3A_48] : memref<12x1x40xi32, #tpu.memory_space<smem>>
    %get3A_50 = arith.constant 0 : index
    %get3A_51 = arith.index_cast %get3A_49 : i32 to index
    %get3A_52 = arith.constant 0 : index
    %get3A_53 = vector.load %arg1[%get3A_50, %get3A_51, %get3A_52] : memref<1x2048x64xf32, #tpu.memory_space<vmem>>, vector<1x1x64xf32>
    %get3A_54 = vector.shape_cast %get3A_53 : vector<1x1x64xf32> to vector<1x64xf32>
    %swap3A_55 = arith.constant 4 : index
    %swap3A_56 = arith.constant 0 : index
    %swap3A_57 = vector.load %arg9[%swap3A_55, %swap3A_56] : memref<40x64xf32, #tpu.memory_space<vmem>>, vector<1x64xf32>
    tpu.vector_store %arg9[%swap3A_55, %swap3A_56], %get3A_54 {strides = array<i32>} : memref<40x64xf32, #tpu.memory_space<vmem>>, vector<1x64xf32>,
    %get3A_58 = arith.index_cast %arg0 : i32 to index
    %get3A_59 = arith.constant 0 : index
    %get3A_60 = arith.constant 5 : index
    %get3A_61 = memref.load %arg4[%get3A_58, %get3A_59, %get3A_60] : memref<12x1x40xi32, #tpu.memory_space<smem>>
    %get3A_62 = arith.constant 0 : index
    %get3A_63 = arith.index_cast %get3A_61 : i32 to index
    %get3A_64 = arith.constant 0 : index
    %get3A_65 = vector.load %arg1[%get3A_62, %get3A_63, %get3A_64] : memref<1x2048x64xf32, #tpu.memory_space<vmem>>, vector<1x1x64xf32>
    %get3A_66 = vector.shape_cast %get3A_65 : vector<1x1x64xf32> to vector<1x64xf32>
    %swap3A_67 = arith.constant 5 : index
    %swap3A_68 = arith.constant 0 : index
    %swap3A_69 = vector.load %arg9[%swap3A_67, %swap3A_68] : memref<40x64xf32, #tpu.memory_space<vmem>>, vector<1x64xf32>
    tpu.vector_store %arg9[%swap3A_67, %swap3A_68], %get3A_66 {strides = array<i32>} : memref<40x64xf32, #tpu.memory_space<vmem>>, vector<1x64xf32>,
    %get3A_70 = arith.index_cast %arg0 : i32 to index
    %get3A_71 = arith.constant 0 : index
    %get3A_72 = arith.constant 6 : index
    %get3A_73 = memref.load %arg4[%get3A_70, %get3A_71, %get3A_72] : memref<12x1x40xi32, #tpu.memory_space<smem>>
    %get3A_74 = arith.constant 0 : index
    %get3A_75 = arith.index_cast %get3A_73 : i32 to index
    %get3A_76 = arith.constant 0 : index
    %get3A_77 = vector.load %arg1[%get3A_74, %get3A_75, %get3A_76] : memref<1x2048x64xf32, #tpu.memory_space<vmem>>, vector<1x1x64xf32>
    %get3A_78 = vector.shape_cast %get3A_77 : vector<1x1x64xf32> to vector<1x64xf32>
    %swap3A_79 = arith.constant 6 : index
    %swap3A_80 = arith.constant 0 : index
    %swap3A_81 = vector.load %arg9[%swap3A_79, %swap3A_80] : memref<40x64xf32, #tpu.memory_space<vmem>>, vector<1x64xf32>
    tpu.vector_store %arg9[%swap3A_79, %swap3A_80], %get3A_78 {strides = array<i32>} : memref<40x64xf32, #tpu.memory_space<vmem>>, vector<1x64xf32>,
    %get3A_82 = arith.index_cast %arg0 : i32 to index
    %get3A_83 = arith.constant 0 : index
    %get3A_84 = arith.constant 7 : index
    %get3A_85 = memref.load %arg4[%get3A_82, %get3A_83, %get3A_84] : memref<12x1x40xi32, #tpu.memory_space<smem>>
    %get3A_86 = arith.constant 0 : index
    %get3A_87 = arith.index_cast %get3A_85 : i32 to index
    %get3A_88 = arith.constant 0 : index
    %get3A_89 = vector.load %arg1[%get3A_86, %get3A_87, %get3A_88] : memref<1x2048x64xf32, #tpu.memory_space<vmem>>, vector<1x1x64xf32>
    %get3A_90 = vector.shape_cast %get3A_89 : vector<1x1x64xf32> to vector<1x64xf32>
    %swap3A_91 = arith.constant 7 : index
    %swap3A_92 = arith.constant 0 : index
    %swap3A_93 = vector.load %arg9[%swap3A_91, %swap3A_92] : memref<40x64xf32, #tpu.memory_space<vmem>>, vector<1x64xf32>
    tpu.vector_store %arg9[%swap3A_91, %swap3A_92], %get3A_90 {strides = array<i32>} : memref<40x64xf32, #tpu.memory_space<vmem>>, vector<1x64xf32>,
    %get3A_94 = arith.index_cast %arg0 : i32 to index
    %get3A_95 = arith.constant 0 : index
    %get3A_96 = arith.constant 8 : index
    %get3A_97 = memref.load %arg4[%get3A_94, %get3A_95, %get3A_96] : memref<12x1x40xi32, #tpu.memory_space<smem>>
    %get3A_98 = arith.constant 0 : index
    %get3A_99 = arith.index_cast %get3A_97 : i32 to index
    %get3A_100 = arith.constant 0 : index
    %get3A_101 = vector.load %arg1[%get3A_98, %get3A_99, %get3A_100] : memref<1x2048x64xf32, #tpu.memory_space<vmem>>, vector<1x1x64xf32>
    %get3A_102 = vector.shape_cast %get3A_101 : vector<1x1x64xf32> to vector<1x64xf32>
    %swap3A_103 = arith.constant 8 : index
    %swap3A_104 = arith.constant 0 : index
    %swap3A_105 = vector.load %arg9[%swap3A_103, %swap3A_104] : memref<40x64xf32, #tpu.memory_space<vmem>>, vector<1x64xf32>
    tpu.vector_store %arg9[%swap3A_103, %swap3A_104], %get3A_102 {strides = array<i32>} : memref<40x64xf32, #tpu.memory_space<vmem>>, vector<1x64xf32>,
    %get3A_106 = arith.index_cast %arg0 : i32 to index
    %get3A_107 = arith.constant 0 : index
    %get3A_108 = arith.constant 9 : index
    %get3A_109 = memref.load %arg4[%get3A_106, %get3A_107, %get3A_108] : memref<12x1x40xi32, #tpu.memory_space<smem>>
    %get3A_110 = arith.constant 0 : index
    %get3A_111 = arith.index_cast %get3A_109 : i32 to index
    %get3A_112 = arith.constant 0 : index
    %get3A_113 = vector.load %arg1[%get3A_110, %get3A_111, %get3A_112] : memref<1x2048x64xf32, #tpu.memory_space<vmem>>, vector<1x1x64xf32>
    %get3A_114 = vector.shape_cast %get3A_113 : vector<1x1x64xf32> to vector<1x64xf32>
    %swap3A_115 = arith.constant 9 : index
    %swap3A_116 = arith.constant 0 : index
    %swap3A_117 = vector.load %arg9[%swap3A_115, %swap3A_116] : memref<40x64xf32, #tpu.memory_space<vmem>>, vector<1x64xf32>
    tpu.vector_store %arg9[%swap3A_115, %swap3A_116], %get3A_114 {strides = array<i32>} : memref<40x64xf32, #tpu.memory_space<vmem>>, vector<1x64xf32>,
    %get3A_118 = arith.index_cast %arg0 : i32 to index
    %get3A_119 = arith.constant 0 : index
    %get3A_120 = arith.constant 10 : index
    %get3A_121 = memref.load %arg4[%get3A_118, %get3A_119, %get3A_120] : memref<12x1x40xi32, #tpu.memory_space<smem>>
    %get3A_122 = arith.constant 0 : index
    %get3A_123 = arith.index_cast %get3A_121 : i32 to index
    %get3A_124 = arith.constant 0 : index
    %get3A_125 = vector.load %arg1[%get3A_122, %get3A_123, %get3A_124] : memref<1x2048x64xf32, #tpu.memory_space<vmem>>, vector<1x1x64xf32>
    %get3A_126 = vector.shape_cast %get3A_125 : vector<1x1x64xf32> to vector<1x64xf32>
    %swap3A_127 = arith.constant 10 : index
    %swap3A_128 = arith.constant 0 : index
    %swap3A_129 = vector.load %arg9[%swap3A_127, %swap3A_128] : memref<40x64xf32, #tpu.memory_space<vmem>>, vector<1x64xf32>
    tpu.vector_store %arg9[%swap3A_127, %swap3A_128], %get3A_126 {strides = array<i32>} : memref<40x64xf32, #tpu.memory_space<vmem>>, vector<1x64xf32>,
    %get3A_130 = arith.index_cast %arg0 : i32 to index
    %get3A_131 = arith.constant 0 : index
    %get3A_132 = arith.constant 11 : index
    %get3A_133 = memref.load %arg4[%get3A_130, %get3A_131, %get3A_132] : memref<12x1x40xi32, #tpu.memory_space<smem>>
    %get3A_134 = arith.constant 0 : index
    %get3A_135 = arith.index_cast %get3A_133 : i32 to index
    %get3A_136 = arith.constant 0 : index
    %get3A_137 = vector.load %arg1[%get3A_134, %get3A_135, %get3A_136] : memref<1x2048x64xf32, #tpu.memory_space<vmem>>, vector<1x1x64xf32>
    %get3A_138 = vector.shape_cast %get3A_137 : vector<1x1x64xf32> to vector<1x64xf32>
    %swap3A_139 = arith.constant 11 : index
    %swap3A_140 = arith.constant 0 : index
    %swap3A_141 = vector.load %arg9[%swap3A_139, %swap3A_140] : memref<40x64xf32, #tpu.memory_space<vmem>>, vector<1x64xf32>
    tpu.vector_store %arg9[%swap3A_139, %swap3A_140], %get3A_138 {strides = array<i32>} : memref<40x64xf32, #tpu.memory_space<vmem>>, vector<1x64xf32>,
    %get3A_142 = arith.index_cast %arg0 : i32 to index
    %get3A_143 = arith.constant 0 : index
    %get3A_144 = arith.constant 12 : index
    %get3A_145 = memref.load %arg4[%get3A_142, %get3A_143, %get3A_144] : memref<12x1x40xi32, #tpu.memory_space<smem>>
    %get3A_146 = arith.constant 0 : index
    %get3A_147 = arith.index_cast %get3A_145 : i32 to index
    %get3A_148 = arith.constant 0 : index
    %get3A_149 = vector.load %arg1[%get3A_146, %get3A_147, %get3A_148] : memref<1x2048x64xf32, #tpu.memory_space<vmem>>, vector<1x1x64xf32>
    %get3A_150 = vector.shape_cast %get3A_149 : vector<1x1x64xf32> to vector<1x64xf32>
    %swap3A_151 = arith.constant 12 : index
    %swap3A_152 = arith.constant 0 : index
    %swap3A_153 = vector.load %arg9[%swap3A_151, %swap3A_152] : memref<40x64xf32, #tpu.memory_space<vmem>>, vector<1x64xf32>
    tpu.vector_store %arg9[%swap3A_151, %swap3A_152], %get3A_150 {strides = array<i32>} : memref<40x64xf32, #tpu.memory_space<vmem>>, vector<1x64xf32>,
    %get3A_154 = arith.index_cast %arg0 : i32 to index
    %get3A_155 = arith.constant 0 : index
    %get3A_156 = arith.constant 13 : index
    %get3A_157 = memref.load %arg4[%get3A_154, %get3A_155, %get3A_156] : memref<12x1x40xi32, #tpu.memory_space<smem>>
    %get3A_158 = arith.constant 0 : index
    %get3A_159 = arith.index_cast %get3A_157 : i32 to index
    %get3A_160 = arith.constant 0 : index
    %get3A_161 = vector.load %arg1[%get3A_158, %get3A_159, %get3A_160] : memref<1x2048x64xf32, #tpu.memory_space<vmem>>, vector<1x1x64xf32>
    %get3A_162 = vector.shape_cast %get3A_161 : vector<1x1x64xf32> to vector<1x64xf32>
    %swap3A_163 = arith.constant 13 : index
    %swap3A_164 = arith.constant 0 : index
    %swap3A_165 = vector.load %arg9[%swap3A_163, %swap3A_164] : memref<40x64xf32, #tpu.memory_space<vmem>>, vector<1x64xf32>
    tpu.vector_store %arg9[%swap3A_163, %swap3A_164], %get3A_162 {strides = array<i32>} : memref<40x64xf32, #tpu.memory_space<vmem>>, vector<1x64xf32>,
    %get3A_166 = arith.index_cast %arg0 : i32 to index
    %get3A_167 = arith.constant 0 : index
    %get3A_168 = arith.constant 14 : index
    %get3A_169 = memref.load %arg4[%get3A_166, %get3A_167, %get3A_168] : memref<12x1x40xi32, #tpu.memory_space<smem>>
    %get3A_170 = arith.constant 0 : index
    %get3A_171 = arith.index_cast %get3A_169 : i32 to index
    %get3A_172 = arith.constant 0 : index
    %get3A_173 = vector.load %arg1[%get3A_170, %get3A_171, %get3A_172] : memref<1x2048x64xf32, #tpu.memory_space<vmem>>, vector<1x1x64xf32>
    %get3A_174 = vector.shape_cast %get3A_173 : vector<1x1x64xf32> to vector<1x64xf32>
    %swap3A_175 = arith.constant 14 : index
    %swap3A_176 = arith.constant 0 : index
    %swap3A_177 = vector.load %arg9[%swap3A_175, %swap3A_176] : memref<40x64xf32, #tpu.memory_space<vmem>>, vector<1x64xf32>
    tpu.vector_store %arg9[%swap3A_175, %swap3A_176], %get3A_174 {strides = array<i32>} : memref<40x64xf32, #tpu.memory_space<vmem>>, vector<1x64xf32>,
    %get3A_178 = arith.index_cast %arg0 : i32 to index
    %get3A_179 = arith.constant 0 : index
    %get3A_180 = arith.constant 15 : index
    %get3A_181 = memref.load %arg4[%get3A_178, %get3A_179, %get3A_180] : memref<12x1x40xi32, #tpu.memory_space<smem>>
    %get3A_182 = arith.constant 0 : index
    %get3A_183 = arith.index_cast %get3A_181 : i32 to index
    %get3A_184 = arith.constant 0 : index
    %get3A_185 = vector.load %arg1[%get3A_182, %get3A_183, %get3A_184] : memref<1x2048x64xf32, #tpu.memory_space<vmem>>, vector<1x1x64xf32>
    %get3A_186 = vector.shape_cast %get3A_185 : vector<1x1x64xf32> to vector<1x64xf32>
    %swap3A_187 = arith.constant 15 : index
    %swap3A_188 = arith.constant 0 : index
    %swap3A_189 = vector.load %arg9[%swap3A_187, %swap3A_188] : memref<40x64xf32, #tpu.memory_space<vmem>>, vector<1x64xf32>
    tpu.vector_store %arg9[%swap3A_187, %swap3A_188], %get3A_186 {strides = array<i32>} : memref<40x64xf32, #tpu.memory_space<vmem>>, vector<1x64xf32>,
    %get3A_190 = arith.index_cast %arg0 : i32 to index
    %get3A_191 = arith.constant 0 : index
    %get3A_192 = arith.constant 16 : index
    %get3A_193 = memref.load %arg4[%get3A_190, %get3A_191, %get3A_192] : memref<12x1x40xi32, #tpu.memory_space<smem>>
    %get3A_194 = arith.constant 0 : index
    %get3A_195 = arith.index_cast %get3A_193 : i32 to index
    %get3A_196 = arith.constant 0 : index
    %get3A_197 = vector.load %arg1[%get3A_194, %get3A_195, %get3A_196] : memref<1x2048x64xf32, #tpu.memory_space<vmem>>, vector<1x1x64xf32>
    %get3A_198 = vector.shape_cast %get3A_197 : vector<1x1x64xf32> to vector<1x64xf32>
    %swap3A_199 = arith.constant 16 : index
    %swap3A_200 = arith.constant 0 : index
    %swap3A_201 = vector.load %arg9[%swap3A_199, %swap3A_200] : memref<40x64xf32, #tpu.memory_space<vmem>>, vector<1x64xf32>
    tpu.vector_store %arg9[%swap3A_199, %swap3A_200], %get3A_198 {strides = array<i32>} : memref<40x64xf32, #tpu.memory_space<vmem>>, vector<1x64xf32>,
    %get3A_202 = arith.index_cast %arg0 : i32 to index
    %get3A_203 = arith.constant 0 : index
    %get3A_204 = arith.constant 17 : index
    %get3A_205 = memref.load %arg4[%get3A_202, %get3A_203, %get3A_204] : memref<12x1x40xi32, #tpu.memory_space<smem>>
    %get3A_206 = arith.constant 0 : index
    %get3A_207 = arith.index_cast %get3A_205 : i32 to index
    %get3A_208 = arith.constant 0 : index
    %get3A_209 = vector.load %arg1[%get3A_206, %get3A_207, %get3A_208] : memref<1x2048x64xf32, #tpu.memory_space<vmem>>, vector<1x1x64xf32>
    %get3A_210 = vector.shape_cast %get3A_209 : vector<1x1x64xf32> to vector<1x64xf32>
    %swap3A_211 = arith.constant 17 : index
    %swap3A_212 = arith.constant 0 : index
    %swap3A_213 = vector.load %arg9[%swap3A_211, %swap3A_212] : memref<40x64xf32, #tpu.memory_space<vmem>>, vector<1x64xf32>
    tpu.vector_store %arg9[%swap3A_211, %swap3A_212], %get3A_210 {strides = array<i32>} : memref<40x64xf32, #tpu.memory_space<vmem>>, vector<1x64xf32>,
    %get3A_214 = arith.index_cast %arg0 : i32 to index
    %get3A_215 = arith.constant 0 : index
    %get3A_216 = arith.constant 18 : index
    %get3A_217 = memref.load %arg4[%get3A_214, %get3A_215, %get3A_216] : memref<12x1x40xi32, #tpu.memory_space<smem>>
    %get3A_218 = arith.constant 0 : index
    %get3A_219 = arith.index_cast %get3A_217 : i32 to index
    %get3A_220 = arith.constant 0 : index
    %get3A_221 = vector.load %arg1[%get3A_218, %get3A_219, %get3A_220] : memref<1x2048x64xf32, #tpu.memory_space<vmem>>, vector<1x1x64xf32>
    %get3A_222 = vector.shape_cast %get3A_221 : vector<1x1x64xf32> to vector<1x64xf32>
    %swap3A_223 = arith.constant 18 : index
    %swap3A_224 = arith.constant 0 : index
    %swap3A_225 = vector.load %arg9[%swap3A_223, %swap3A_224] : memref<40x64xf32, #tpu.memory_space<vmem>>, vector<1x64xf32>
    tpu.vector_store %arg9[%swap3A_223, %swap3A_224], %get3A_222 {strides = array<i32>} : memref<40x64xf32, #tpu.memory_space<vmem>>, vector<1x64xf32>,
    %get3A_226 = arith.index_cast %arg0 : i32 to index
    %get3A_227 = arith.constant 0 : index
    %get3A_228 = arith.constant 19 : index
    %get3A_229 = memref.load %arg4[%get3A_226, %get3A_227, %get3A_228] : memref<12x1x40xi32, #tpu.memory_space<smem>>
    %get3A_230 = arith.constant 0 : index
    %get3A_231 = arith.index_cast %get3A_229 : i32 to index
    %get3A_232 = arith.constant 0 : index
    %get3A_233 = vector.load %arg1[%get3A_230, %get3A_231, %get3A_232] : memref<1x2048x64xf32, #tpu.memory_space<vmem>>, vector<1x1x64xf32>
    %get3A_234 = vector.shape_cast %get3A_233 : vector<1x1x64xf32> to vector<1x64xf32>
    %swap3A_235 = arith.constant 19 : index
    %swap3A_236 = arith.constant 0 : index
    %swap3A_237 = vector.load %arg9[%swap3A_235, %swap3A_236] : memref<40x64xf32, #tpu.memory_space<vmem>>, vector<1x64xf32>
    tpu.vector_store %arg9[%swap3A_235, %swap3A_236], %get3A_234 {strides = array<i32>} : memref<40x64xf32, #tpu.memory_space<vmem>>, vector<1x64xf32>,
    %get3A_238 = arith.index_cast %arg0 : i32 to index
    %get3A_239 = arith.constant 0 : index
    %get3A_240 = arith.constant 20 : index
    %get3A_241 = memref.load %arg4[%get3A_238, %get3A_239, %get3A_240] : memref<12x1x40xi32, #tpu.memory_space<smem>>
    %get3A_242 = arith.constant 0 : index
    %get3A_243 = arith.index_cast %get3A_241 : i32 to index
    %get3A_244 = arith.constant 0 : index
    %get3A_245 = vector.load %arg1[%get3A_242, %get3A_243, %get3A_244] : memref<1x2048x64xf32, #tpu.memory_space<vmem>>, vector<1x1x64xf32>
    %get3A_246 = vector.shape_cast %get3A_245 : vector<1x1x64xf32> to vector<1x64xf32>
    %swap3A_247 = arith.constant 20 : index
    %swap3A_248 = arith.constant 0 : index
    %swap3A_249 = vector.load %arg9[%swap3A_247, %swap3A_248] : memref<40x64xf32, #tpu.memory_space<vmem>>, vector<1x64xf32>
    tpu.vector_store %arg9[%swap3A_247, %swap3A_248], %get3A_246 {strides = array<i32>} : memref<40x64xf32, #tpu.memory_space<vmem>>, vector<1x64xf32>,
    %get3A_250 = arith.index_cast %arg0 : i32 to index
    %get3A_251 = arith.constant 0 : index
    %get3A_252 = arith.constant 21 : index
    %get3A_253 = memref.load %arg4[%get3A_250, %get3A_251, %get3A_252] : memref<12x1x40xi32, #tpu.memory_space<smem>>
    %get3A_254 = arith.constant 0 : index
    %get3A_255 = arith.index_cast %get3A_253 : i32 to index
    %get3A_256 = arith.constant 0 : index
    %get3A_257 = vector.load %arg1[%get3A_254, %get3A_255, %get3A_256] : memref<1x2048x64xf32, #tpu.memory_space<vmem>>, vector<1x1x64xf32>
    %get3A_258 = vector.shape_cast %get3A_257 : vector<1x1x64xf32> to vector<1x64xf32>
    %swap3A_259 = arith.constant 21 : index
    %swap3A_260 = arith.constant 0 : index
    %swap3A_261 = vector.load %arg9[%swap3A_259, %swap3A_260] : memref<40x64xf32, #tpu.memory_space<vmem>>, vector<1x64xf32>
    tpu.vector_store %arg9[%swap3A_259, %swap3A_260], %get3A_258 {strides = array<i32>} : memref<40x64xf32, #tpu.memory_space<vmem>>, vector<1x64xf32>,
    %get3A_262 = arith.index_cast %arg0 : i32 to index
    %get3A_263 = arith.constant 0 : index
    %get3A_264 = arith.constant 22 : index
    %get3A_265 = memref.load %arg4[%get3A_262, %get3A_263, %get3A_264] : memref<12x1x40xi32, #tpu.memory_space<smem>>
    %get3A_266 = arith.constant 0 : index
    %get3A_267 = arith.index_cast %get3A_265 : i32 to index
    %get3A_268 = arith.constant 0 : index
    %get3A_269 = vector.load %arg1[%get3A_266, %get3A_267, %get3A_268] : memref<1x2048x64xf32, #tpu.memory_space<vmem>>, vector<1x1x64xf32>
    %get3A_270 = vector.shape_cast %get3A_269 : vector<1x1x64xf32> to vector<1x64xf32>
    %swap3A_271 = arith.constant 22 : index
    %swap3A_272 = arith.constant 0 : index
    %swap3A_273 = vector.load %arg9[%swap3A_271, %swap3A_272] : memref<40x64xf32, #tpu.memory_space<vmem>>, vector<1x64xf32>
    tpu.vector_store %arg9[%swap3A_271, %swap3A_272], %get3A_270 {strides = array<i32>} : memref<40x64xf32, #tpu.memory_space<vmem>>, vector<1x64xf32>,
    %get3A_274 = arith.index_cast %arg0 : i32 to index
    %get3A_275 = arith.constant 0 : index
    %get3A_276 = arith.constant 23 : index
    %get3A_277 = memref.load %arg4[%get3A_274, %get3A_275, %get3A_276] : memref<12x1x40xi32, #tpu.memory_space<smem>>
    %get3A_278 = arith.constant 0 : index
    %get3A_279 = arith.index_cast %get3A_277 : i32 to index
    %get3A_280 = arith.constant 0 : index
    %get3A_281 = vector.load %arg1[%get3A_278, %get3A_279, %get3A_280] : memref<1x2048x64xf32, #tpu.memory_space<vmem>>, vector<1x1x64xf32>
    %get3A_282 = vector.shape_cast %get3A_281 : vector<1x1x64xf32> to vector<1x64xf32>
    %swap3A_283 = arith.constant 23 : index
    %swap3A_284 = arith.constant 0 : index
    %swap3A_285 = vector.load %arg9[%swap3A_283, %swap3A_284] : memref<40x64xf32, #tpu.memory_space<vmem>>, vector<1x64xf32>
    tpu.vector_store %arg9[%swap3A_283, %swap3A_284], %get3A_282 {strides = array<i32>} : memref<40x64xf32, #tpu.memory_space<vmem>>, vector<1x64xf32>,
    %get3A_286 = arith.index_cast %arg0 : i32 to index
    %get3A_287 = arith.constant 0 : index
    %get3A_288 = arith.constant 24 : index
    %get3A_289 = memref.load %arg4[%get3A_286, %get3A_287, %get3A_288] : memref<12x1x40xi32, #tpu.memory_space<smem>>
    %get3A_290 = arith.constant 0 : index
    %get3A_291 = arith.index_cast %get3A_289 : i32 to index
    %get3A_292 = arith.constant 0 : index
    %get3A_293 = vector.load %arg1[%get3A_290, %get3A_291, %get3A_292] : memref<1x2048x64xf32, #tpu.memory_space<vmem>>, vector<1x1x64xf32>
    %get3A_294 = vector.shape_cast %get3A_293 : vector<1x1x64xf32> to vector<1x64xf32>
    %swap3A_295 = arith.constant 24 : index
    %swap3A_296 = arith.constant 0 : index
    %swap3A_297 = vector.load %arg9[%swap3A_295, %swap3A_296] : memref<40x64xf32, #tpu.memory_space<vmem>>, vector<1x64xf32>
    tpu.vector_store %arg9[%swap3A_295, %swap3A_296], %get3A_294 {strides = array<i32>} : memref<40x64xf32, #tpu.memory_space<vmem>>, vector<1x64xf32>,
    %get3A_298 = arith.index_cast %arg0 : i32 to index
    %get3A_299 = arith.constant 0 : index
    %get3A_300 = arith.constant 25 : index
    %get3A_301 = memref.load %arg4[%get3A_298, %get3A_299, %get3A_300] : memref<12x1x40xi32, #tpu.memory_space<smem>>
    %get3A_302 = arith.constant 0 : index
    %get3A_303 = arith.index_cast %get3A_301 : i32 to index
    %get3A_304 = arith.constant 0 : index
    %get3A_305 = vector.load %arg1[%get3A_302, %get3A_303, %get3A_304] : memref<1x2048x64xf32, #tpu.memory_space<vmem>>, vector<1x1x64xf32>
    %get3A_306 = vector.shape_cast %get3A_305 : vector<1x1x64xf32> to vector<1x64xf32>
    %swap3A_307 = arith.constant 25 : index
    %swap3A_308 = arith.constant 0 : index
    %swap3A_309 = vector.load %arg9[%swap3A_307, %swap3A_308] : memref<40x64xf32, #tpu.memory_space<vmem>>, vector<1x64xf32>
    tpu.vector_store %arg9[%swap3A_307, %swap3A_308], %get3A_306 {strides = array<i32>} : memref<40x64xf32, #tpu.memory_space<vmem>>, vector<1x64xf32>,
    %get3A_310 = arith.index_cast %arg0 : i32 to index
    %get3A_311 = arith.constant 0 : index
    %get3A_312 = arith.constant 26 : index
    %get3A_313 = memref.load %arg4[%get3A_310, %get3A_311, %get3A_312] : memref<12x1x40xi32, #tpu.memory_space<smem>>
    %get3A_314 = arith.constant 0 : index
    %get3A_315 = arith.index_cast %get3A_313 : i32 to index
    %get3A_316 = arith.constant 0 : index
    %get3A_317 = vector.load %arg1[%get3A_314, %get3A_315, %get3A_316] : memref<1x2048x64xf32, #tpu.memory_space<vmem>>, vector<1x1x64xf32>
    %get3A_318 = vector.shape_cast %get3A_317 : vector<1x1x64xf32> to vector<1x64xf32>
    %swap3A_319 = arith.constant 26 : index
    %swap3A_320 = arith.constant 0 : index
    %swap3A_321 = vector.load %arg9[%swap3A_319, %swap3A_320] : memref<40x64xf32, #tpu.memory_space<vmem>>, vector<1x64xf32>
    tpu.vector_store %arg9[%swap3A_319, %swap3A_320], %get3A_318 {strides = array<i32>} : memref<40x64xf32, #tpu.memory_space<vmem>>, vector<1x64xf32>,
    %get3A_322 = arith.index_cast %arg0 : i32 to index
    %get3A_323 = arith.constant 0 : index
    %get3A_324 = arith.constant 27 : index
    %get3A_325 = memref.load %arg4[%get3A_322, %get3A_323, %get3A_324] : memref<12x1x40xi32, #tpu.memory_space<smem>>
    %get3A_326 = arith.constant 0 : index
    %get3A_327 = arith.index_cast %get3A_325 : i32 to index
    %get3A_328 = arith.constant 0 : index
    %get3A_329 = vector.load %arg1[%get3A_326, %get3A_327, %get3A_328] : memref<1x2048x64xf32, #tpu.memory_space<vmem>>, vector<1x1x64xf32>
    %get3A_330 = vector.shape_cast %get3A_329 : vector<1x1x64xf32> to vector<1x64xf32>
    %swap3A_331 = arith.constant 27 : index
    %swap3A_332 = arith.constant 0 : index
    %swap3A_333 = vector.load %arg9[%swap3A_331, %swap3A_332] : memref<40x64xf32, #tpu.memory_space<vmem>>, vector<1x64xf32>
    tpu.vector_store %arg9[%swap3A_331, %swap3A_332], %get3A_330 {strides = array<i32>} : memref<40x64xf32, #tpu.memory_space<vmem>>, vector<1x64xf32>,
    %get3A_334 = arith.index_cast %arg0 : i32 to index
    %get3A_335 = arith.constant 0 : index
    %get3A_336 = arith.constant 28 : index
    %get3A_337 = memref.load %arg4[%get3A_334, %get3A_335, %get3A_336] : memref<12x1x40xi32, #tpu.memory_space<smem>>
    %get3A_338 = arith.constant 0 : index
    %get3A_339 = arith.index_cast %get3A_337 : i32 to index
    %get3A_340 = arith.constant 0 : index
    %get3A_341 = vector.load %arg1[%get3A_338, %get3A_339, %get3A_340] : memref<1x2048x64xf32, #tpu.memory_space<vmem>>, vector<1x1x64xf32>
    %get3A_342 = vector.shape_cast %get3A_341 : vector<1x1x64xf32> to vector<1x64xf32>
    %swap3A_343 = arith.constant 28 : index
    %swap3A_344 = arith.constant 0 : index
    %swap3A_345 = vector.load %arg9[%swap3A_343, %swap3A_344] : memref<40x64xf32, #tpu.memory_space<vmem>>, vector<1x64xf32>
    tpu.vector_store %arg9[%swap3A_343, %swap3A_344], %get3A_342 {strides = array<i32>} : memref<40x64xf32, #tpu.memory_space<vmem>>, vector<1x64xf32>,
    %get3A_346 = arith.index_cast %arg0 : i32 to index
    %get3A_347 = arith.constant 0 : index
    %get3A_348 = arith.constant 29 : index
    %get3A_349 = memref.load %arg4[%get3A_346, %get3A_347, %get3A_348] : memref<12x1x40xi32, #tpu.memory_space<smem>>
    %get3A_350 = arith.constant 0 : index
    %get3A_351 = arith.index_cast %get3A_349 : i32 to index
    %get3A_352 = arith.constant 0 : index
    %get3A_353 = vector.load %arg1[%get3A_350, %get3A_351, %get3A_352] : memref<1x2048x64xf32, #tpu.memory_space<vmem>>, vector<1x1x64xf32>
    %get3A_354 = vector.shape_cast %get3A_353 : vector<1x1x64xf32> to vector<1x64xf32>
    %swap3A_355 = arith.constant 29 : index
    %swap3A_356 = arith.constant 0 : index
    %swap3A_357 = vector.load %arg9[%swap3A_355, %swap3A_356] : memref<40x64xf32, #tpu.memory_space<vmem>>, vector<1x64xf32>
    tpu.vector_store %arg9[%swap3A_355, %swap3A_356], %get3A_354 {strides = array<i32>} : memref<40x64xf32, #tpu.memory_space<vmem>>, vector<1x64xf32>,
    %get3A_358 = arith.index_cast %arg0 : i32 to index
    %get3A_359 = arith.constant 0 : index
    %get3A_360 = arith.constant 30 : index
    %get3A_361 = memref.load %arg4[%get3A_358, %get3A_359, %get3A_360] : memref<12x1x40xi32, #tpu.memory_space<smem>>
    %get3A_362 = arith.constant 0 : index
    %get3A_363 = arith.index_cast %get3A_361 : i32 to index
    %get3A_364 = arith.constant 0 : index
    %get3A_365 = vector.load %arg1[%get3A_362, %get3A_363, %get3A_364] : memref<1x2048x64xf32, #tpu.memory_space<vmem>>, vector<1x1x64xf32>
    %get3A_366 = vector.shape_cast %get3A_365 : vector<1x1x64xf32> to vector<1x64xf32>
    %swap3A_367 = arith.constant 30 : index
    %swap3A_368 = arith.constant 0 : index
    %swap3A_369 = vector.load %arg9[%swap3A_367, %swap3A_368] : memref<40x64xf32, #tpu.memory_space<vmem>>, vector<1x64xf32>
    tpu.vector_store %arg9[%swap3A_367, %swap3A_368], %get3A_366 {strides = array<i32>} : memref<40x64xf32, #tpu.memory_space<vmem>>, vector<1x64xf32>,
    %get3A_370 = arith.index_cast %arg0 : i32 to index
    %get3A_371 = arith.constant 0 : index
    %get3A_372 = arith.constant 31 : index
    %get3A_373 = memref.load %arg4[%get3A_370, %get3A_371, %get3A_372] : memref<12x1x40xi32, #tpu.memory_space<smem>>
    %get3A_374 = arith.constant 0 : index
    %get3A_375 = arith.index_cast %get3A_373 : i32 to index
    %get3A_376 = arith.constant 0 : index
    %get3A_377 = vector.load %arg1[%get3A_374, %get3A_375, %get3A_376] : memref<1x2048x64xf32, #tpu.memory_space<vmem>>, vector<1x1x64xf32>
    %get3A_378 = vector.shape_cast %get3A_377 : vector<1x1x64xf32> to vector<1x64xf32>
    %swap3A_379 = arith.constant 31 : index
    %swap3A_380 = arith.constant 0 : index
    %swap3A_381 = vector.load %arg9[%swap3A_379, %swap3A_380] : memref<40x64xf32, #tpu.memory_space<vmem>>, vector<1x64xf32>
    tpu.vector_store %arg9[%swap3A_379, %swap3A_380], %get3A_378 {strides = array<i32>} : memref<40x64xf32, #tpu.memory_space<vmem>>, vector<1x64xf32>,
    %get3A_382 = arith.index_cast %arg0 : i32 to index
    %get3A_383 = arith.constant 0 : index
    %get3A_384 = arith.constant 32 : index
    %get3A_385 = memref.load %arg4[%get3A_382, %get3A_383, %get3A_384] : memref<12x1x40xi32, #tpu.memory_space<smem>>
    %get3A_386 = arith.constant 0 : index
    %get3A_387 = arith.index_cast %get3A_385 : i32 to index
    %get3A_388 = arith.constant 0 : index
    %get3A_389 = vector.load %arg1[%get3A_386, %get3A_387, %get3A_388] : memref<1x2048x64xf32, #tpu.memory_space<vmem>>, vector<1x1x64xf32>
    %get3A_390 = vector.shape_cast %get3A_389 : vector<1x1x64xf32> to vector<1x64xf32>
    %swap3A_391 = arith.constant 32 : index
    %swap3A_392 = arith.constant 0 : index
    %swap3A_393 = vector.load %arg9[%swap3A_391, %swap3A_392] : memref<40x64xf32, #tpu.memory_space<vmem>>, vector<1x64xf32>
    tpu.vector_store %arg9[%swap3A_391, %swap3A_392], %get3A_390 {strides = array<i32>} : memref<40x64xf32, #tpu.memory_space<vmem>>, vector<1x64xf32>,
    %get3A_394 = arith.index_cast %arg0 : i32 to index
    %get3A_395 = arith.constant 0 : index
    %get3A_396 = arith.constant 33 : index
    %get3A_397 = memref.load %arg4[%get3A_394, %get3A_395, %get3A_396] : memref<12x1x40xi32, #tpu.memory_space<smem>>
    %get3A_398 = arith.constant 0 : index
    %get3A_399 = arith.index_cast %get3A_397 : i32 to index
    %get3A_400 = arith.constant 0 : index
    %get3A_401 = vector.load %arg1[%get3A_398, %get3A_399, %get3A_400] : memref<1x2048x64xf32, #tpu.memory_space<vmem>>, vector<1x1x64xf32>
    %get3A_402 = vector.shape_cast %get3A_401 : vector<1x1x64xf32> to vector<1x64xf32>
    %swap3A_403 = arith.constant 33 : index
    %swap3A_404 = arith.constant 0 : index
    %swap3A_405 = vector.load %arg9[%swap3A_403, %swap3A_404] : memref<40x64xf32, #tpu.memory_space<vmem>>, vector<1x64xf32>
    tpu.vector_store %arg9[%swap3A_403, %swap3A_404], %get3A_402 {strides = array<i32>} : memref<40x64xf32, #tpu.memory_space<vmem>>, vector<1x64xf32>,
    %get3A_406 = arith.index_cast %arg0 : i32 to index
    %get3A_407 = arith.constant 0 : index
    %get3A_408 = arith.constant 34 : index
    %get3A_409 = memref.load %arg4[%get3A_406, %get3A_407, %get3A_408] : memref<12x1x40xi32, #tpu.memory_space<smem>>
    %get3A_410 = arith.constant 0 : index
    %get3A_411 = arith.index_cast %get3A_409 : i32 to index
    %get3A_412 = arith.constant 0 : index
    %get3A_413 = vector.load %arg1[%get3A_410, %get3A_411, %get3A_412] : memref<1x2048x64xf32, #tpu.memory_space<vmem>>, vector<1x1x64xf32>
    %get3A_414 = vector.shape_cast %get3A_413 : vector<1x1x64xf32> to vector<1x64xf32>
    %swap3A_415 = arith.constant 34 : index
    %swap3A_416 = arith.constant 0 : index
    %swap3A_417 = vector.load %arg9[%swap3A_415, %swap3A_416] : memref<40x64xf32, #tpu.memory_space<vmem>>, vector<1x64xf32>
    tpu.vector_store %arg9[%swap3A_415, %swap3A_416], %get3A_414 {strides = array<i32>} : memref<40x64xf32, #tpu.memory_space<vmem>>, vector<1x64xf32>,
    %get3A_418 = arith.index_cast %arg0 : i32 to index
    %get3A_419 = arith.constant 0 : index
    %get3A_420 = arith.constant 35 : index
    %get3A_421 = memref.load %arg4[%get3A_418, %get3A_419, %get3A_420] : memref<12x1x40xi32, #tpu.memory_space<smem>>
    %get3A_422 = arith.constant 0 : index
    %get3A_423 = arith.index_cast %get3A_421 : i32 to index
    %get3A_424 = arith.constant 0 : index
    %get3A_425 = vector.load %arg1[%get3A_422, %get3A_423, %get3A_424] : memref<1x2048x64xf32, #tpu.memory_space<vmem>>, vector<1x1x64xf32>
    %get3A_426 = vector.shape_cast %get3A_425 : vector<1x1x64xf32> to vector<1x64xf32>
    %swap3A_427 = arith.constant 35 : index
    %swap3A_428 = arith.constant 0 : index
    %swap3A_429 = vector.load %arg9[%swap3A_427, %swap3A_428] : memref<40x64xf32, #tpu.memory_space<vmem>>, vector<1x64xf32>
    tpu.vector_store %arg9[%swap3A_427, %swap3A_428], %get3A_426 {strides = array<i32>} : memref<40x64xf32, #tpu.memory_space<vmem>>, vector<1x64xf32>,
    %get3A_430 = arith.index_cast %arg0 : i32 to index
    %get3A_431 = arith.constant 0 : index
    %get3A_432 = arith.constant 36 : index
    %get3A_433 = memref.load %arg4[%get3A_430, %get3A_431, %get3A_432] : memref<12x1x40xi32, #tpu.memory_space<smem>>
    %get3A_434 = arith.constant 0 : index
    %get3A_435 = arith.index_cast %get3A_433 : i32 to index
    %get3A_436 = arith.constant 0 : index
    %get3A_437 = vector.load %arg1[%get3A_434, %get3A_435, %get3A_436] : memref<1x2048x64xf32, #tpu.memory_space<vmem>>, vector<1x1x64xf32>
    %get3A_438 = vector.shape_cast %get3A_437 : vector<1x1x64xf32> to vector<1x64xf32>
    %swap3A_439 = arith.constant 36 : index
    %swap3A_440 = arith.constant 0 : index
    %swap3A_441 = vector.load %arg9[%swap3A_439, %swap3A_440] : memref<40x64xf32, #tpu.memory_space<vmem>>, vector<1x64xf32>
    tpu.vector_store %arg9[%swap3A_439, %swap3A_440], %get3A_438 {strides = array<i32>} : memref<40x64xf32, #tpu.memory_space<vmem>>, vector<1x64xf32>,
    %get3A_442 = arith.index_cast %arg0 : i32 to index
    %get3A_443 = arith.constant 0 : index
    %get3A_444 = arith.constant 37 : index
    %get3A_445 = memref.load %arg4[%get3A_442, %get3A_443, %get3A_444] : memref<12x1x40xi32, #tpu.memory_space<smem>>
    %get3A_446 = arith.constant 0 : index
    %get3A_447 = arith.index_cast %get3A_445 : i32 to index
    %get3A_448 = arith.constant 0 : index
    %get3A_449 = vector.load %arg1[%get3A_446, %get3A_447, %get3A_448] : memref<1x2048x64xf32, #tpu.memory_space<vmem>>, vector<1x1x64xf32>
    %get3A_450 = vector.shape_cast %get3A_449 : vector<1x1x64xf32> to vector<1x64xf32>
    %swap3A_451 = arith.constant 37 : index
    %swap3A_452 = arith.constant 0 : index
    %swap3A_453 = vector.load %arg9[%swap3A_451, %swap3A_452] : memref<40x64xf32, #tpu.memory_space<vmem>>, vector<1x64xf32>
    tpu.vector_store %arg9[%swap3A_451, %swap3A_452], %get3A_450 {strides = array<i32>} : memref<40x64xf32, #tpu.memory_space<vmem>>, vector<1x64xf32>,
    %get3A_454 = arith.index_cast %arg0 : i32 to index
    %get3A_455 = arith.constant 0 : index
    %get3A_456 = arith.constant 38 : index
    %get3A_457 = memref.load %arg4[%get3A_454, %get3A_455, %get3A_456] : memref<12x1x40xi32, #tpu.memory_space<smem>>
    %get3A_458 = arith.constant 0 : index
    %get3A_459 = arith.index_cast %get3A_457 : i32 to index
    %get3A_460 = arith.constant 0 : index
    %get3A_461 = vector.load %arg1[%get3A_458, %get3A_459, %get3A_460] : memref<1x2048x64xf32, #tpu.memory_space<vmem>>, vector<1x1x64xf32>
    %get3A_462 = vector.shape_cast %get3A_461 : vector<1x1x64xf32> to vector<1x64xf32>
    %swap3A_463 = arith.constant 38 : index
    %swap3A_464 = arith.constant 0 : index
    %swap3A_465 = vector.load %arg9[%swap3A_463, %swap3A_464] : memref<40x64xf32, #tpu.memory_space<vmem>>, vector<1x64xf32>
    tpu.vector_store %arg9[%swap3A_463, %swap3A_464], %get3A_462 {strides = array<i32>} : memref<40x64xf32, #tpu.memory_space<vmem>>, vector<1x64xf32>,
    %get3A_466 = arith.index_cast %arg0 : i32 to index
    %get3A_467 = arith.constant 0 : index
    %get3A_468 = arith.constant 39 : index
    %get3A_469 = memref.load %arg4[%get3A_466, %get3A_467, %get3A_468] : memref<12x1x40xi32, #tpu.memory_space<smem>>
    %get3A_470 = arith.constant 0 : index
    %get3A_471 = arith.index_cast %get3A_469 : i32 to index
    %get3A_472 = arith.constant 0 : index
    %get3A_473 = vector.load %arg1[%get3A_470, %get3A_471, %get3A_472] : memref<1x2048x64xf32, #tpu.memory_space<vmem>>, vector<1x1x64xf32>
    %get3A_474 = vector.shape_cast %get3A_473 : vector<1x1x64xf32> to vector<1x64xf32>
    %swap3A_475 = arith.constant 39 : index
    %swap3A_476 = arith.constant 0 : index
    %swap3A_477 = vector.load %arg9[%swap3A_475, %swap3A_476] : memref<40x64xf32, #tpu.memory_space<vmem>>, vector<1x64xf32>
    tpu.vector_store %arg9[%swap3A_475, %swap3A_476], %get3A_474 {strides = array<i32>} : memref<40x64xf32, #tpu.memory_space<vmem>>, vector<1x64xf32>,
    %get3A_478 = arith.constant 0 : index
    %get3A_479 = arith.constant 0 : index
    %get3A_480 = vector.load %arg9[%get3A_478, %get3A_479] : memref<40x64xf32, #tpu.memory_space<vmem>>, vector<40x64xf32>
    %get3A_481 = arith.constant 0 : index
    %get3A_482 = arith.constant 0 : index
    %get3A_483 = arith.constant 0 : index
    %get3A_484 = vector.load %arg2[%get3A_481, %get3A_482, %get3A_483] : memref<1x2048x64xf32, #tpu.memory_space<vmem>>, vector<1x2048x64xf32>
    %get3A_485 = vector.shape_cast %get3A_484 : vector<1x2048x64xf32> to vector<2048x64xf32>
    %dot_general3A = arith.constant dense<0.000000e+00> : vector<40x2048xf32>
    %dot_general3A_486 = tpu.matmul %get3A_480, %get3A_485, %dot_general3A {dimension_numbers = #tpu.dot_dimension_numbers<[1], [1], [0], [0], [0, 0, 1, 0], [], []>, transpose_lhs_hint = false} : vector<40x64xf32>, vector<2048x64xf32>, vector<40x2048xf32> -> vector<40x2048xf32>
    %mul3A = arith.constant 1.250000e-01 : f32
    %mul3A_487 = vector.broadcast %mul3A : f32 to vector<40x2048xf32>
    %mul3A_488 = arith.mulf %dot_general3A_486, %mul3A_487 : vector<40x2048xf32>
    %reduce_max3A = arith.constant dense<0xFF800000> : vector<40xf32>
    %reduce_max3A_489 = vector.multi_reduction <maximumf>, %mul3A_488, %reduce_max3A [1] : vector<40x2048xf32> to vector<40xf32>
    %broadcast_in_dim3A = vector.shape_cast %reduce_max3A_489 : vector<40xf32> to vector<40x1xf32>
    %sub3A = vector.broadcast %broadcast_in_dim3A : vector<40x1xf32> to vector<40x2048xf32>
    %sub3A_490 = arith.subf %mul3A_488, %sub3A : vector<40x2048xf32>
    %exp3A = math.exp %sub3A_490 : vector<40x2048xf32>
    %reduce_sum3A = arith.constant dense<0.000000e+00> : vector<40xf32>
    %reduce_sum3A_491 = vector.multi_reduction <add>, %exp3A, %reduce_sum3A [1] : vector<40x2048xf32> to vector<40xf32>
    %broadcast_in_dim3A_492 = vector.shape_cast %reduce_sum3A_491 : vector<40xf32> to vector<40x1xf32>
    %div3A = vector.broadcast %broadcast_in_dim3A_492 : vector<40x1xf32> to vector<40x2048xf32>
    %div3A_493 = arith.divf %exp3A, %div3A : vector<40x2048xf32>
    %get3A_494 = arith.constant 0 : index
    %get3A_495 = arith.constant 0 : index
    %get3A_496 = arith.constant 0 : index
    %get3A_497 = vector.load %arg3[%get3A_494, %get3A_495, %get3A_496] : memref<1x2048x64xf32, #tpu.memory_space<vmem>>, vector<1x2048x64xf32>
    %get3A_498 = vector.shape_cast %get3A_497 : vector<1x2048x64xf32> to vector<2048x64xf32>
    %dot_general3A_499 = arith.constant dense<0.000000e+00> : vector<40x64xf32>
    %dot_general3A_500 = tpu.matmul %div3A_493, %get3A_498, %dot_general3A_499 {dimension_numbers = #tpu.dot_dimension_numbers<[1], [0], [0], [1], [0, 0, 1, 1], [], []>, transpose_lhs_hint = false} : vector<40x2048xf32>, vector<2048x64xf32>, vector<40x64xf32> -> vector<40x64xf32>
    %get3A_501 = arith.constant 0 : index
    %get3A_502 = arith.constant 0 : index
    %get3A_503 = arith.constant 0 : index
    %get3A_504 = vector.load %arg3[%get3A_501, %get3A_502, %get3A_503] : memref<1x2048x64xf32, #tpu.memory_space<vmem>>, vector<1x2048x64xf32>
    %get3A_505 = vector.shape_cast %get3A_504 : vector<1x2048x64xf32> to vector<2048x64xf32>
    %reduce_sum3A_506 = arith.constant dense<0.000000e+00> : vector<64xf32>
    %reduce_sum3A_507 = vector.multi_reduction <add>, %get3A_505, %reduce_sum3A_506 [0] : vector<2048x64xf32> to vector<64xf32>
    %div3A_508 = arith.constant 2.048000e+03 : f32
    %div3A_509 = vector.broadcast %div3A_508 : f32 to vector<64xf32>
    %div3A_510 = arith.divf %reduce_sum3A_507, %div3A_509 : vector<64xf32>
    %broadcast_in_dim3A_511 = vector.shape_cast %div3A_510 : vector<64xf32> to vector<1x64xf32>
    %sub3A_512 = vector.broadcast %broadcast_in_dim3A_511 : vector<1x64xf32> to vector<40x64xf32>
    %sub3A_513 = arith.subf %dot_general3A_500, %sub3A_512 : vector<40x64xf32>
    %get3A_514 = arith.constant 0 : index
    %get3A_515 = arith.constant 0 : index
    %get3A_516 = arith.constant 0 : index
    %get3A_517 = vector.load %arg5[%get3A_514, %get3A_515, %get3A_516] : memref<1x768x64xf32, #tpu.memory_space<vmem>>, vector<1x768x64xf32>
    %get3A_518 = vector.shape_cast %get3A_517 : vector<1x768x64xf32> to vector<768x64xf32>
    %dot_general3A_519 = arith.constant dense<0.000000e+00> : vector<40x768xf32>
    %dot_general3A_520 = tpu.matmul %sub3A_513, %get3A_518, %dot_general3A_519 {dimension_numbers = #tpu.dot_dimension_numbers<[1], [1], [0], [0], [0, 0, 1, 0], [], []>, transpose_lhs_hint = false} : vector<40x64xf32>, vector<768x64xf32>, vector<40x768xf32> -> vector<40x768xf32>
    %swap3A_521 = arith.constant 0 : index
    %swap3A_522 = arith.constant 0 : index
    %swap3A_523 = arith.constant 0 : index
    %swap3A_524 = vector.load %arg7[%swap3A_521, %swap3A_522, %swap3A_523] : memref<1x40x768xf32, #tpu.memory_space<vmem>>, vector<1x40x768xf32>
    %swap3A_525 = vector.shape_cast %swap3A_524 : vector<1x40x768xf32> to vector<40x768xf32>
    %swap3A_526 = vector.shape_cast %dot_general3A_520 : vector<40x768xf32> to vector<1x40x768xf32>
    tpu.vector_store %arg7[%swap3A_521, %swap3A_522, %swap3A_523], %swap3A_526 {strides = array<i32>} : memref<1x40x768xf32, #tpu.memory_space<vmem>>, vector<1x40x768xf32>,
    %broadcast_in_dim3A_527 = vector.shape_cast %div3A_510 : vector<64xf32> to vector<1x64xf32>
    %get3A_528 = arith.constant 0 : index
    %get3A_529 = arith.constant 0 : index
    %get3A_530 = arith.constant 0 : index
    %get3A_531 = vector.load %arg5[%get3A_528, %get3A_529, %get3A_530] : memref<1x768x64xf32, #tpu.memory_space<vmem>>, vector<1x768x64xf32>
    %get3A_532 = vector.shape_cast %get3A_531 : vector<1x768x64xf32> to vector<768x64xf32>
    %dot_general3A_533 = arith.constant dense<0.000000e+00> : vector<1x768xf32>
    %dot_general3A_534 = tpu.matmul %broadcast_in_dim3A_527, %get3A_532, %dot_general3A_533 {dimension_numbers = #tpu.dot_dimension_numbers<[1], [1], [0], [0], [0, 0, 1, 0], [], []>, transpose_lhs_hint = false} : vector<1x64xf32>, vector<768x64xf32>, vector<1x768xf32> -> vector<1x768xf32>
    %eq3A = arith.constant 0 : i32
    %eq3A_535 = arith.cmpi eq, %arg0, %eq3A : i32
    %convert_element_type3A = arith.extui %eq3A_535 : i1 to i32
    %cond3A = arith.constant 0 : i32
    %cond3A_536 = arith.cmpi ne, %convert_element_type3A, %cond3A : i32
    scf.if %cond3A_536 {
      %get3A_541 = arith.constant 0 : index
      %get3A_542 = vector.load %arg6[%get3A_541] : memref<768xf32, #tpu.memory_space<vmem>>, vector<768xf32>
      %broadcast_in_dim3A_543 = vector.shape_cast %get3A_542 : vector<768xf32> to vector<1x768xf32>
      %add3A = arith.addf %broadcast_in_dim3A_543, %dot_general3A_534 : vector<1x768xf32>
      %swap3A_544 = arith.constant 0 : index
      %swap3A_545 = arith.constant 0 : index
      %swap3A_546 = vector.load %arg8[%swap3A_544, %swap3A_545] : memref<1x768xf32, #tpu.memory_space<vmem>>, vector<1x768xf32>
      tpu.vector_store %arg8[%swap3A_544, %swap3A_545], %add3A {strides = array<i32>} : memref<1x768xf32, #tpu.memory_space<vmem>>, vector<1x768xf32>,
    } else {
    }
    %ne3A = arith.constant 0 : i32
    %ne3A_537 = arith.cmpi ne, %arg0, %ne3A : i32
    %convert_element_type3A_538 = arith.extui %ne3A_537 : i1 to i32
    %cond3A_539 = arith.constant 0 : i32
    %cond3A_540 = arith.cmpi ne, %convert_element_type3A_538, %cond3A_539 : i32
    scf.if %cond3A_540 {
      %get3A_541 = arith.constant 0 : index
      %get3A_542 = arith.constant 0 : index
      %get3A_543 = vector.load %arg8[%get3A_541, %get3A_542] : memref<1x768xf32, #tpu.memory_space<vmem>>, vector<1x768xf32>
      %add3A = arith.addf %get3A_543, %dot_general3A_534 : vector<1x768xf32>
      %swap3A_544 = arith.constant 0 : index
      %swap3A_545 = arith.constant 0 : index
      %swap3A_546 = vector.load %arg8[%swap3A_544, %swap3A_545] : memref<1x768xf32, #tpu.memory_space<vmem>>, vector<1x768xf32>
      tpu.vector_store %arg8[%swap3A_544, %swap3A_545], %add3A {strides = array<i32>} : memref<1x768xf32, #tpu.memory_space<vmem>>, vector<1x768xf32>,
    } else {
    }
    return
  }
  func.func @transform_0(%arg0: i32) -> (i32, i32, i32) {
    %c0_i32 = arith.constant 0 : i32
    %c0_i32_0 = arith.constant 0 : i32
    %c0_i32_1 = arith.constant 0 : i32
    return %arg0, %c0_i32, %c0_i32_0 : i32, i32, i32
  }
  func.func @transform_1(%arg0: i32) -> (i32, i32, i32) {
    %c0_i32 = arith.constant 0 : i32
    %c0_i32_0 = arith.constant 0 : i32
    %c0_i32_1 = arith.constant 0 : i32
    return %arg0, %c0_i32, %c0_i32_0 : i32, i32, i32
  }
  func.func @transform_2(%arg0: i32) -> (i32, i32, i32) {
    %c0_i32 = arith.constant 0 : i32
    %c0_i32_0 = arith.constant 0 : i32
    %c0_i32_1 = arith.constant 0 : i32
    return %arg0, %c0_i32, %c0_i32_0 : i32, i32, i32
  }
  func.func @transform_3(%arg0: i32) -> (i32, i32, i32) {
    %c0_i32 = arith.constant 0 : i32
    %c0_i32_0 = arith.constant 0 : i32
    %c0_i32_1 = arith.constant 0 : i32
    %c0_i32_2 = arith.constant 0 : i32
    return %c0_i32, %c0_i32_0, %c0_i32_1 : i32, i32, i32
  }
  func.func @transform_4(%arg0: i32) -> (i32, i32, i32) {
    %c0_i32 = arith.constant 0 : i32
    %c0_i32_0 = arith.constant 0 : i32
    %c0_i32_1 = arith.constant 0 : i32
    return %arg0, %c0_i32, %c0_i32_0 : i32, i32, i32
  }
  func.func @transform_5(%arg0: i32) -> i32 {
    %c0_i32 = arith.constant 0 : i32
    %c0_i32_0 = arith.constant 0 : i32
    return %c0_i32 : i32
  }
  func.func @transform_6(%arg0: i32) -> (i32, i32, i32) {
    %c0_i32 = arith.constant 0 : i32
    %c0_i32_0 = arith.constant 0 : i32
    %c0_i32_1 = arith.constant 0 : i32
    return %arg0, %c0_i32, %c0_i32_0 : i32, i32, i32
  }
  func.func @transform_7(%arg0: i32) -> (i32, i32) {
    %c0_i32 = arith.constant 0 : i32
    %c0_i32_0 = arith.constant 0 : i32
    %c0_i32_1 = arith.constant 0 : i32
    return %c0_i32, %c0_i32_0 : i32, i32
  }
}

</mosaic_0001>

<sc_bundles>
// kernel: kernel.8.cloned.1.call-start
scs
__scs_entry_jumppad:
0x0: {  	(pc) =	sbr.rel $0x88, $3  }
0x1: {  	(tag) =	ssettag $0x0;
	lr =	simm.s32 $0x1  }
0x2: {  	[smem:$0x3F98] =	sst lr;
	_ =	strace $0xD0000000  }
0x3: {  	_ = 	snop  }
0x4: {  	_ = 	snop  }
0x5: {  	_ = 	snop  }
0x6: {  	_ = 	snop  }
0x7: {  	_ = 	snop  }
__scs_overlays_trampoline_lowered:
0x8: {  	[smem:$0x3FA7] =	sst s0  }
0x9: {  	[smem:$0x3FA8] =	sst s1  }
0xa: {  	[smem:$0x3FA9] =	sst s2  }
0xb: {  	[smem:$0x3FAA] =	sst s3  }
0xc: {  	[smem:$0x3FAB] =	sst s4  }
0xd: {  	[smem:$0x3FAC] =	sst s5  }
0xe: {  	[smem:$0x3FAD] =	sst s6  }
0xf: {  	[smem:$0x3FAE] =	sst s7  }
0x10: {  	[smem:$0x3FAF] =	sst s8  }
0x11: {  	[smem:$0x3FB0] =	sst s9;
	s0 =	simm.s32 @!p0 $0x0  }
0x12: {  	s1 =	sld [smem:$0x3F96];
	s0 =	simm.s32 @p0 $0x1  }
0x13: {  	[smem:$0x3FB1] =	sst s0;
	s0 =	simm.s32 @!p1 $0x0  }
0x14: {  	s2 =	sld [smem:$0x3F95];
	s0 =	simm.s32 @p1 $0x1  }
0x15: {  	[smem:$0x3FB2] =	sst s0;
	s0 =	simm.s32 @!p2 $0x0  }
0x16: {  	s3 =	sld [smem:$0x3FDB];
	s0 =	simm.s32 @p2 $0x1  }
0x17: {  	s4 =	simm.s32 $0x1BF5;
	[smem:$0x3FB4] =	sst s0  }
0x18: {  	s0 =	sld [smem:$0x3F97];
	_ =	swait.ge [sflag:s4], $0x0  }
0x19: {  	s7 =	sld [smem:$0x3F98]  }
0x1a: {  	s8 =	sadd.s32 $0xFFFFE003, lr  }
0x1b: {  	s9 =	sadd.s32 $0xFFFFFEF7, lr;
	s5 =	simm.s32 $0xFFFFFFFF;
	p2 =	slt.u32 s8, $0xFFFFF086  }
0x1c: {  	p1 =	slt.u32 s9, $0xF7A;
	s5 =	simm.s32 @!p2 $0x0  }
0x1d: {  	s5 =	simm.s32 @p1 $0x1;
	p0 =	seq.s32 s7, s2  }
0x1e: {  	s7 =	smul.u32 @!p0 $0xF7A, s2;
	p2 =	seq.s32 @!p0 s5, $0x0  }
0x1f: {  	s9 =	smul.u32 $0xF7A, s1;
	s8 =	simm.s32 @!p0 $0x1BF5;
	p2 =	por !p2, p0  }
0x20: {  	[sflag:s8] =	ssyncset.s32 @!p0 $0xFFFFF086;
	s6 =	sadd.s32 @!p0 s3, s7;
	s7 =	simm.s32 @!p0 $0x108  }
0x21: {  	s3 =	sadd.s32 s3, s9;
	s6 =	sadd.s32 @!p0 $0x88, s6;
	s7 =	simm.s32 @p2 $0x1082  }
0x22: {  	[simem:s7], [sflag:s8] =	dma.local @!p0 [hbm:s6], $0xF7A  }
0x23: {  	s9 =	sor.u32 $0xD0000000, s2;
	s6 =	simm.s32 $0x108;
	_ =	swait.ge @!p0 [sflag:s8], $0x0  }
0x24: {  	s3 =	sadd.s32 $0x88, s3;
	s6 =	simm.s32 @!p1 $0x1082;
	[sflag:s4] =	ssyncset.s32 $0xFFFFF086  }
0x25: {  	[simem:s6], [sflag:s4] =	dma.local [hbm:s3], $0xF7A  }
0x26: {  	[smem:$0x3F98] =	sst s1;
	(tag) =	ssettag s2;
	_ =	strace s9  }
0x27: {  	s1 =	sld [smem:$0x3FA8]  }
0x28: {  	s2 =	sld [smem:$0x3FA9]  }
0x29: {  	s4 =	sld [smem:$0x3FAB]  }
0x2a: {  	p0 =	seq.s32 s5, $0x0;
	s5 =	sld [smem:$0x3FAC]  }
0x2b: {  	s6 =	sld [smem:$0x3FAD]  }
0x2c: {  	s7 =	sld [smem:$0x3FAE]  }
0x2d: {  	s3 =	simm.s32 $0x108;
	s8 =	sld [smem:$0x3FAF]  }
0x2e: {  	s3 =	simm.s32 @!p0 $0x1082;
	s9 =	sld [smem:$0x3FB0]  }
0x2f: {  	lr =	sadd.s32 s0, s3;
	s0 =	sld [smem:$0x3FA7]  }
0x30: {  	s3 =	sld [smem:$0x3FAA]  }
0x31: {  	[smem:$0x3FB3] =	sst s10  }
0x32: {  	s10 =	sld [smem:$0x3FB1];
	_ =	sdelay $0x3  }
0x33: {  	p0 =	seq.s32 s10, $0x1;
	s10 =	sld [smem:$0x3FB3];
	_ =	sdelay $0x3  }
0x34: {  	[smem:$0x3FB3] =	sst s10  }
0x35: {  	s10 =	sld [smem:$0x3FB2];
	_ =	sdelay $0x3  }
0x36: {  	p1 =	seq.s32 s10, $0x1;
	s10 =	sld [smem:$0x3FB3];
	_ =	sdelay $0x3  }
0x37: {  	[smem:$0x3FB3] =	sst s10  }
0x38: {  	s10 =	sld [smem:$0x3FB4]  }
0x39: {  	_ = 	snop;
	(pc) =	sbr.ind lr, $3  }
0x3a: {  	_ = 	snop  }
0x3b: {  	_ = 	snop  }
0x3c: {  	p2 =	seq.s32 s10, $0x1;
	s10 =	sld [smem:$0x3FB3]  }
0x3d: {  	_ =	shalt  }
0x3e: {  	_ =	shalt  }
0x3f: {  	_ =	shalt  }
0x40: {  	_ =	shalt  }
0x41: {  	_ =	shalt  }
0x42: {  	_ =	shalt  }
0x43: {  	_ =	shalt  }
0x44: {  	_ =	shalt  }
0x45: {  	_ =	shalt  }
0x46: {  	_ =	shalt  }
0x47: {  	_ =	shalt  }
0x48: {  	_ =	shalt  }
0x49: {  	_ =	shalt  }
0x4a: {  	_ =	shalt  }
0x4b: {  	_ =	shalt  }
0x4c: {  	_ =	shalt  }
0x4d: {  	_ =	shalt  }
0x4e: {  	_ =	shalt  }
0x4f: {  	_ =	shalt  }
0x50: {  	_ =	shalt  }
0x51: {  	_ =	shalt  }
0x52: {  	_ =	shalt  }
0x53: {  	_ =	shalt  }
0x54: {  	_ =	shalt  }
0x55: {  	_ =	shalt  }
0x56: {  	_ =	shalt  }
0x57: {  	_ =	shalt  }
0x58: {  	_ =	shalt  }
0x59: {  	_ =	shalt  }
0x5a: {  	_ =	shalt  }
0x5b: {  	_ =	shalt  }
0x5c: {  	_ =	shalt  }
0x5d: {  	_ =	shalt  }
0x5e: {  	_ =	shalt  }
0x5f: {  	_ =	shalt  }
0x60: {  	_ =	shalt  }
0x61: {  	_ =	shalt  }
0x62: {  	_ =	shalt  }
0x63: {  	_ =	shalt  }
0x64: {  	_ =	shalt  }
0x65: {  	_ =	shalt  }
0x66: {  	_ =	shalt  }
0x67: {  	_ =	shalt  }
0x68: {  	_ =	shalt  }
0x69: {  	_ =	shalt  }
0x6a: {  	_ =	shalt  }
0x6b: {  	_ =	shalt  }
0x6c: {  	_ =	shalt  }
0x6d: {  	_ =	shalt  }
0x6e: {  	_ =	shalt  }
0x6f: {  	_ =	shalt  }
0x70: {  	_ =	shalt  }
0x71: {  	_ =	shalt  }
0x72: {  	_ =	shalt  }
0x73: {  	_ =	shalt  }
0x74: {  	_ =	shalt  }
0x75: {  	_ =	shalt  }
0x76: {  	_ =	shalt  }
0x77: {  	_ =	shalt  }
0x78: {  	_ =	shalt  }
0x79: {  	_ =	shalt  }
0x7a: {  	_ =	shalt  }
0x7b: {  	_ =	shalt  }
0x7c: {  	_ =	shalt  }
0x7d: {  	_ =	shalt  }
0x7e: {  	_ =	shalt  }
0x7f: {  	_ =	shalt  }
0x80: {  	_ =	shalt  }
0x81: {  	_ =	shalt  }
0x82: {  	_ =	shalt  }
0x83: {  	_ =	shalt  }
0x84: {  	_ =	shalt  }
0x85: {  	_ =	shalt  }
0x86: {  	_ =	shalt  }
0x87: {  	_ =	shalt  }
.Lfunc_end0:
.L_simem_size_0:
called_computation_lowered:
.L_overlay_start_0:
0x88: {  	s2 =	sld [smem:$0x3FD9]  }
0x89: {  	s3 =	sld [smem:$0x3FFE];
	_ =	sdelay $0x1  }
0x8a: {  	s1 =	srdreg.scid  }
0x8b: {  	s0 =	sand.u32 $0x1, s1  }
0x8c: {  	s17 =	sshll.u32 s0, $0xA;
	s2 =	sadd.s32 s3, s2  }
0x8d: {  	s2 =	sadd.s32 s2, s17  }
0x8e: {  	[smem:$0x3FBF] =	sst s2  }
0x8f: {  	_ = 	snop  }
0x90: {  	s2 =	sld [smem:$0x3FD0];
	(tm) =	ssettm $0x1  }
0x91: {  	s18 =	sld [smem:$0x3FFB];
	_ =	sdelay $0x3  }
0x92: {  	_ =	strace s18  }
0x93: {  	s3 =	sld [smem:$0x3FFC];
	_ =	sdelay $0x3  }
0x94: {  	_ =	strace s3  }
0x95: {  	s3 =	sld [smem:$0x3FFD];
	_ =	sdelay $0x3  }
0x96: {  	_ =	strace s3  }
0x97: {  	_ =	strace $0x8FFFFFFF  }
0x98: {  	s19 =	sld [smem:$0x3FDB];
	_ =	sdelay $0x1  }
0x99: {  	s4 =	simm.s32 $_scs_section_size  }
0x9a: {  	s5 =	simm.s32 $_size__tile_overlayer_lowered;
	s6 =	simm.s32 $_tile_overlayer_lowered  }
0x9b: {  	s22 =	simm.s32 $0x1BFF;
	s21 =	sshll.u32 s6, $0x1;
	s3 =	sadd.s32 s4, s19  }
0x9c: {  	s7 =	simm.s32 $0x0;
	s20 =	sshll.u32 s5, $0x1;
	s5 =	sadd.s32 s21, s3  }
0x9d: {  	[timem:s7], [sflag:s22] =	dma.local [hbm:s5], s20  }
0x9e: {  	_ =	swait.ge [sflag:s22], s20  }
0x9f: {  	s4 =	ssub.s32 $0x0, s20;
	[sflag:s22] =	ssyncset.done $0x0  }
0xa0: {  	[sflag:s22] =	ssyncadd.s32 s4;
	_ =	sdelay $0x1  }
0xa1: {  	s23 =	simm.s32 $0x1B8B  }
0xa2: {  	_ =	swait.ge [sflag:s23], $0x1  }
0xa3: {  	[sflag:s23] =	ssyncset.done $0x0  }
0xa4: {  	s25 =	simm.s32 $0x1B8E;
	s24 =	sld [smem:$0x3FFE];
	[sflag:s23] =	ssyncadd.s32 $0xFFFFFFFF  }
0xa5: {  	s26 =	simm.s32 $execute0_lowered;
	[smem:$0x3FD2] =	sst s25  }
0xa6: {  	s5 =	sshll.u32 s26, $0x1;
	_ =	strace $0x80000046;
	[dreg:$0x1] =	wrdreg $0xFFFFFFFF  }
0xa7: {  	s28 =	simm.s32 $_size_execute0_lowered;
	s3 =	sadd.s32 s3, s5;
	[dreg:$0x0] =	wrdreg $0x0  }
0xa8: {  	s5 =	sshll.u32 s28, $0x1;
	[dreg:$0x2] =	wrdreg s3  }
0xa9: {  	[dreg:$0x3] =	wrdreg s5  }
0xaa: {  	[dreg:$0x4] =	wrdreg $0xC0  }
0xab: {  	_ =	task [dreg:s7], $0x5FFFF  }
0xac: {  	[dreg:$0x1] =	wrdreg $0xFFFFFFFF  }
0xad: {  	[dreg:$0x0] =	wrdreg $0x60  }
0xae: {  	[dreg:$0x2] =	wrdreg s24  }
0xaf: {  	[dreg:$0x3] =	wrdreg s2  }
0xb0: {  	[dreg:$0x4] =	wrdreg $0x9  }
0xb1: {  	_ =	task.clear_ibuf [dreg:s7], $0x5FFFF;
	_ =	strace $0x90000046  }
0xb2: {  	s29 =	simm.s32 $0x9;
	_ =	strace $0x80000048  }
0xb3: {  	_ =	swait.ge [sflag:s29], $0x1  }
0xb4: {  	[sflag:s29] =	ssyncadd.s32 $0xFFFFFFFF  }
0xb5: {  	_ =	strace $0x90000048  }
0xb6: {  	_ =	sfence  }
0xb7: {  	s30 =	sld [smem:$0x0];
	_ =	sdelay $0x2  }
0xb8: {  	s31 =	sshll.u32 s1, $0xD;
	s1 =	sshrl.u32 s1, $0x2  }
0xb9: {  	s3 =	sand.u32 $0x4000, s31;
	s1 =	sadd.s32 s1, s30  }
0xba: {  	s0 =	sor.u32 s3, s0;
	s1 =	sshll.u32 s1, $0x11  }
0xbb: {  	s0 =	sor.u32 s1, s0  }
0xbc: {  	s0 =	sadd.s32 $0x8F2B, s0  }
0xbd: {  	[sflag:s0] =	ssyncadd.remote.s32 $0x1  }
0xbe: {  	_ =	sfence.sel $0xFFFF  }
0xbf: {  	[dreg:$0x0] =	wrdreg $0xFFFFFFFF;
	(pc) =	sbr.abs _section_cstart, $3  }
0xc0: {  	[dreg:$0x1] =	wrdreg $0xFFFFFFFF  }
0xc1: {  	_ =	task.clear_ibuf [dreg:s7], $0x2FFFF;
	_ =	strace $0x9FFFFFFF  }
0xc2: {  	(tm) =	ssettm $0x7FFFFFFF  }
0xc3: {  	_ =	shalt  }
tec
execute0_lowered:
.L_overlay_start_1:
0x0: {  	(tag) =	ssettag $0x1  }
0x1: {  	s1 =	srdreg.scid  }
0x2: {  	s1 =	sand.u32 $0x1, s1  }
0x3: {  	p0 =	seq.s32 s1, $0x1  }
.Ltmp0:
0x4: {  	_ = 	snop;
	(pc) =	sbr.rel @p0 .LBB2_2-.Ltmp0, $4  }
0x5: {  	s4 =	rddreg [dreg:$0x0]  }
0x6: {  	s3 =	rddreg [dreg:$0x1];
	s2 =	simm.s32 $0x0  }
0x7: {  	[smem:$0x7FF] =	sst s2  }
0x8: {  	s0 =	rddreg [dreg:$0x2];
	_ =	strace $0x80000047;
	s1 =	stileid.u32  }
0x9: {  	s5 =	smul.u32 $0xC00, s1  }
0xa: {  	s6 =	sadd.s32 $0x1600, s4  }
0xb: {  	s26 =	simm.s32 $0x2;
	s5 =	sadd.s32 s6, s5  }
0xc: {  	[tilespmem:s2], [sflag:$0x2] =	stream.linear.gather [hbm4b:s5+s2], $0x6000, $0x38;
	[tilespmem:$0x6080] =	vst v63  }
0xd: {  	_ =	swait.ge [sflag:s26], $0x6000  }
0xe: {  	s28 =	sadd.s32 $0x121600, s4;
	s7 =	sshll.u32 s1, $0x4;
	[sflag:s26] =	ssyncset.done $0x0  }
0xf: {  	s29 =	simm.s32 $0x6000;
	s6 =	sadd.s32 s28, s7;
	[sflag:s26] =	ssyncadd.s32 $0xFFFFA000  }
0x10: {  	[tilespmem:s29], [sflag:$0x2] =	stream.linear.gather [hbm4b:s6+s2], $0x80, $0x38;
	[tilespmem:$0x6080] =	vst v63  }
0x11: {  	s30 =	smul.u32 $0x3000, s1;
	_ =	swait.ge [sflag:s26], $0x80  }
0x12: {  	s31 =	sadd.s32 $0xD600, s4;
	s8 =	sshll.u32 s1, $0x6;
	[sflag:s26] =	ssyncset.done $0x0  }
0x13: {  	s7 =	sor.u32 $0x1C02, s8;
	s6 =	sadd.s32 s3, s30;
	[sflag:s26] =	ssyncadd.s32 $0xFFFFFF80  }
0x14: {  	[hbm:s6], [sflag:s7] =	dma.local [hbm:s31], $0x3000  }
0x15: {  	_ =	swait.ge [sflag:s26], $0x3000  }
0x16: {  	[sflag:s26] =	ssyncset.done $0x0  }
0x17: {  	[sflag:s26] =	ssyncadd.s32 $0xFFFFD000  }
0x18: {  	[bflag:$0x0] =	sbarrier.arrive $0xFFFF  }
0x19: {  	v1 =	vld [tilespmem:$0x6000];
	_ =	sdelay $0x4  }
0x1a: {  	(v2sf) =	vpush v1, $0x0;
	_ =	sdelay $0xe  }
0x1b: {  	s9 =	spop (v2sf)  }
0x1c: {  	(v2sf) =	vpush v1, $0x1;
	s10 =	sshrl.u32 s9, $0x3  }
0x1d: {  	s4 =	sshll.u32 s9, $0x7;
	s5 =	smul.u32 $0x1800, s10  }
0x1e: {  	s4 =	sand.u32 $0x380, s4  }
0x1f: {  	s4 =	sor.u32 s4, s5  }
0x20: {  	s4 =	sshrl.u32 s4, $0x3  }
0x21: {  	s4 =	sadd.s32 s3, s4  }
0x22: {  	v0 =	vld [tilespmem:$0x6010];
	[hbm4b:s4+s2] =	stream.linear.scatter [tilespmem:s2], [sflag:$0x1], $0x80, $0x38  }
0x23: {  	s12 =	simm.s32 $0x400;
	s11 =	sadd.s32 $0x80, s4  }
0x24: {  	[hbm4b:s11+s2] =	stream.linear.scatter [tilespmem:s12], [sflag:$0x1], $0x80, $0x38;
	[tilespmem:$0x6080] =	vst v63  }
0x25: {  	s14 =	simm.s32 $0x800;
	s13 =	sadd.s32 $0x100, s4  }
0x26: {  	[hbm4b:s13+s2] =	stream.linear.scatter [tilespmem:s14], [sflag:$0x1], $0x80, $0x38;
	[tilespmem:$0x6080] =	vst v63  }
0x27: {  	s16 =	simm.s32 $0xC00;
	s15 =	sadd.s32 $0x180, s4  }
0x28: {  	[hbm4b:s15+s2] =	stream.linear.scatter [tilespmem:s16], [sflag:$0x1], $0x80, $0x38;
	[tilespmem:$0x6080] =	vst v63  }
0x29: {  	s18 =	simm.s32 $0x1000;
	s17 =	sadd.s32 $0x200, s4  }
0x2a: {  	[hbm4b:s17+s2] =	stream.linear.scatter [tilespmem:s18], [sflag:$0x1], $0x80, $0x38;
	[tilespmem:$0x6080] =	vst v63  }
0x2b: {  	s20 =	spop (v2sf)  }
0x2c: {  	s19 =	simm.s32 $0x1400;
	s4 =	sadd.s32 $0x280, s4;
	s21 =	sshrl.u32 s20, $0x3  }
0x2d: {  	(v2sf) =	vpush v1, $0x2;
	[hbm4b:s4+s2] =	stream.linear.scatter [tilespmem:s19], [sflag:$0x1], $0x80, $0x38;
	[tilespmem:$0x6080] =	vst v63  }
0x2e: {  	s5 =	smul.u32 $0x1800, s21;
	s4 =	sshll.u32 s20, $0x7  }
0x2f: {  	s4 =	sand.u32 $0x380, s4  }
0x30: {  	s4 =	sor.u32 s4, s5  }
0x31: {  	s4 =	sshrl.u32 s4, $0x3  }
0x32: {  	s22 =	simm.s32 $0x80;
	s4 =	sadd.s32 s3, s4  }
0x33: {  	[hbm4b:s4+s2] =	stream.linear.scatter [tilespmem:s22], [sflag:$0x1], $0x80, $0x38;
	[tilespmem:$0x6080] =	vst v63  }
0x34: {  	s24 =	simm.s32 $0x480;
	s23 =	sadd.s32 $0x80, s4  }
0x35: {  	[hbm4b:s23+s2] =	stream.linear.scatter [tilespmem:s24], [sflag:$0x1], $0x80, $0x38;
	[tilespmem:$0x6080] =	vst v63  }
0x36: {  	s26 =	simm.s32 $0x880;
	s25 =	sadd.s32 $0x100, s4  }
0x37: {  	[hbm4b:s25+s2] =	stream.linear.scatter [tilespmem:s26], [sflag:$0x1], $0x80, $0x38;
	[tilespmem:$0x6080] =	vst v63  }
0x38: {  	s29 =	simm.s32 $0xC80;
	s28 =	sadd.s32 $0x180, s4  }
0x39: {  	[hbm4b:s28+s2] =	stream.linear.scatter [tilespmem:s29], [sflag:$0x1], $0x80, $0x38;
	[tilespmem:$0x6080] =	vst v63  }
0x3a: {  	s31 =	simm.s32 $0x1080;
	s30 =	sadd.s32 $0x200, s4  }
0x3b: {  	[hbm4b:s30+s2] =	stream.linear.scatter [tilespmem:s31], [sflag:$0x1], $0x80, $0x38;
	[tilespmem:$0x6080] =	vst v63  }
0x3c: {  	s8 =	spop (v2sf)  }
0x3d: {  	s7 =	simm.s32 $0x1480;
	s4 =	sadd.s32 $0x280, s4;
	s9 =	sshrl.u32 s8, $0x3  }
0x3e: {  	(v2sf) =	vpush v1, $0x3;
	[hbm4b:s4+s2] =	stream.linear.scatter [tilespmem:s7], [sflag:$0x1], $0x80, $0x38;
	[tilespmem:$0x6080] =	vst v63  }
0x3f: {  	s5 =	smul.u32 $0x1800, s9;
	s4 =	sshll.u32 s8, $0x7  }
0x40: {  	s4 =	sand.u32 $0x380, s4  }
0x41: {  	s4 =	sor.u32 s4, s5  }
0x42: {  	s4 =	sshrl.u32 s4, $0x3  }
0x43: {  	s10 =	simm.s32 $0x100;
	s4 =	sadd.s32 s3, s4  }
0x44: {  	[hbm4b:s4+s2] =	stream.linear.scatter [tilespmem:s10], [sflag:$0x1], $0x80, $0x38;
	[tilespmem:$0x6080] =	vst v63  }
0x45: {  	s12 =	simm.s32 $0x500;
	s11 =	sadd.s32 $0x80, s4  }
0x46: {  	[hbm4b:s11+s2] =	stream.linear.scatter [tilespmem:s12], [sflag:$0x1], $0x80, $0x38;
	[tilespmem:$0x6080] =	vst v63  }
0x47: {  	s14 =	simm.s32 $0x900;
	s13 =	sadd.s32 $0x100, s4  }
0x48: {  	[hbm4b:s13+s2] =	stream.linear.scatter [tilespmem:s14], [sflag:$0x1], $0x80, $0x38;
	[tilespmem:$0x6080] =	vst v63  }
0x49: {  	s16 =	simm.s32 $0xD00;
	s15 =	sadd.s32 $0x180, s4  }
0x4a: {  	[hbm4b:s15+s2] =	stream.linear.scatter [tilespmem:s16], [sflag:$0x1], $0x80, $0x38;
	[tilespmem:$0x6080] =	vst v63  }
0x4b: {  	s18 =	simm.s32 $0x1100;
	s17 =	sadd.s32 $0x200, s4  }
0x4c: {  	[hbm4b:s17+s2] =	stream.linear.scatter [tilespmem:s18], [sflag:$0x1], $0x80, $0x38;
	[tilespmem:$0x6080] =	vst v63  }
0x4d: {  	s20 =	spop (v2sf)  }
0x4e: {  	s19 =	simm.s32 $0x1500;
	s4 =	sadd.s32 $0x280, s4;
	s21 =	sshrl.u32 s20, $0x3  }
0x4f: {  	(v2sf) =	vpush v1, $0x4;
	[hbm4b:s4+s2] =	stream.linear.scatter [tilespmem:s19], [sflag:$0x1], $0x80, $0x38;
	[tilespmem:$0x6080] =	vst v63  }
0x50: {  	s5 =	smul.u32 $0x1800, s21;
	s4 =	sshll.u32 s20, $0x7  }
0x51: {  	s4 =	sand.u32 $0x380, s4  }
0x52: {  	s4 =	sor.u32 s4, s5  }
0x53: {  	s4 =	sshrl.u32 s4, $0x3  }
0x54: {  	s22 =	simm.s32 $0x180;
	s4 =	sadd.s32 s3, s4  }
0x55: {  	[hbm4b:s4+s2] =	stream.linear.scatter [tilespmem:s22], [sflag:$0x1], $0x80, $0x38;
	[tilespmem:$0x6080] =	vst v63  }
0x56: {  	s24 =	simm.s32 $0x580;
	s23 =	sadd.s32 $0x80, s4  }
0x57: {  	[hbm4b:s23+s2] =	stream.linear.scatter [tilespmem:s24], [sflag:$0x1], $0x80, $0x38;
	[tilespmem:$0x6080] =	vst v63  }
0x58: {  	s26 =	simm.s32 $0x980;
	s25 =	sadd.s32 $0x100, s4  }
0x59: {  	[hbm4b:s25+s2] =	stream.linear.scatter [tilespmem:s26], [sflag:$0x1], $0x80, $0x38;
	[tilespmem:$0x6080] =	vst v63  }
0x5a: {  	s29 =	simm.s32 $0xD80;
	s28 =	sadd.s32 $0x180, s4  }
0x5b: {  	[hbm4b:s28+s2] =	stream.linear.scatter [tilespmem:s29], [sflag:$0x1], $0x80, $0x38;
	[tilespmem:$0x6080] =	vst v63  }
0x5c: {  	s31 =	simm.s32 $0x1180;
	s30 =	sadd.s32 $0x200, s4  }
0x5d: {  	[hbm4b:s30+s2] =	stream.linear.scatter [tilespmem:s31], [sflag:$0x1], $0x80, $0x38;
	[tilespmem:$0x6080] =	vst v63  }
0x5e: {  	s8 =	spop (v2sf)  }
0x5f: {  	s7 =	simm.s32 $0x1580;
	s4 =	sadd.s32 $0x280, s4;
	s9 =	sshrl.u32 s8, $0x3  }
0x60: {  	(v2sf) =	vpush v1, $0x5;
	[hbm4b:s4+s2] =	stream.linear.scatter [tilespmem:s7], [sflag:$0x1], $0x80, $0x38;
	[tilespmem:$0x6080] =	vst v63  }
0x61: {  	s5 =	smul.u32 $0x1800, s9;
	s4 =	sshll.u32 s8, $0x7  }
0x62: {  	s4 =	sand.u32 $0x380, s4  }
0x63: {  	s4 =	sor.u32 s4, s5  }
0x64: {  	s4 =	sshrl.u32 s4, $0x3  }
0x65: {  	s10 =	simm.s32 $0x200;
	s4 =	sadd.s32 s3, s4  }
0x66: {  	[hbm4b:s4+s2] =	stream.linear.scatter [tilespmem:s10], [sflag:$0x1], $0x80, $0x38;
	[tilespmem:$0x6080] =	vst v63  }
0x67: {  	s12 =	simm.s32 $0x600;
	s11 =	sadd.s32 $0x80, s4  }
0x68: {  	[hbm4b:s11+s2] =	stream.linear.scatter [tilespmem:s12], [sflag:$0x1], $0x80, $0x38;
	[tilespmem:$0x6080] =	vst v63  }
0x69: {  	s14 =	simm.s32 $0xA00;
	s13 =	sadd.s32 $0x100, s4  }
0x6a: {  	[hbm4b:s13+s2] =	stream.linear.scatter [tilespmem:s14], [sflag:$0x1], $0x80, $0x38;
	[tilespmem:$0x6080] =	vst v63  }
0x6b: {  	s16 =	simm.s32 $0xE00;
	s15 =	sadd.s32 $0x180, s4  }
0x6c: {  	[hbm4b:s15+s2] =	stream.linear.scatter [tilespmem:s16], [sflag:$0x1], $0x80, $0x38;
	[tilespmem:$0x6080] =	vst v63  }
0x6d: {  	s18 =	simm.s32 $0x1200;
	s17 =	sadd.s32 $0x200, s4  }
0x6e: {  	[hbm4b:s17+s2] =	stream.linear.scatter [tilespmem:s18], [sflag:$0x1], $0x80, $0x38;
	[tilespmem:$0x6080] =	vst v63  }
0x6f: {  	s20 =	spop (v2sf)  }
0x70: {  	s19 =	simm.s32 $0x1600;
	s4 =	sadd.s32 $0x280, s4;
	s21 =	sshrl.u32 s20, $0x3  }
0x71: {  	(v2sf) =	vpush v1, $0x6;
	[hbm4b:s4+s2] =	stream.linear.scatter [tilespmem:s19], [sflag:$0x1], $0x80, $0x38;
	[tilespmem:$0x6080] =	vst v63  }
0x72: {  	s5 =	smul.u32 $0x1800, s21;
	s4 =	sshll.u32 s20, $0x7  }
0x73: {  	s4 =	sand.u32 $0x380, s4  }
0x74: {  	s4 =	sor.u32 s4, s5  }
0x75: {  	s4 =	sshrl.u32 s4, $0x3  }
0x76: {  	s22 =	simm.s32 $0x280;
	s4 =	sadd.s32 s3, s4  }
0x77: {  	[hbm4b:s4+s2] =	stream.linear.scatter [tilespmem:s22], [sflag:$0x1], $0x80, $0x38;
	[tilespmem:$0x6080] =	vst v63  }
0x78: {  	s24 =	simm.s32 $0x680;
	s23 =	sadd.s32 $0x80, s4  }
0x79: {  	[hbm4b:s23+s2] =	stream.linear.scatter [tilespmem:s24], [sflag:$0x1], $0x80, $0x38;
	[tilespmem:$0x6080] =	vst v63  }
0x7a: {  	s26 =	simm.s32 $0xA80;
	s25 =	sadd.s32 $0x100, s4  }
0x7b: {  	[hbm4b:s25+s2] =	stream.linear.scatter [tilespmem:s26], [sflag:$0x1], $0x80, $0x38;
	[tilespmem:$0x6080] =	vst v63  }
0x7c: {  	s29 =	simm.s32 $0xE80;
	s28 =	sadd.s32 $0x180, s4  }
0x7d: {  	[hbm4b:s28+s2] =	stream.linear.scatter [tilespmem:s29], [sflag:$0x1], $0x80, $0x38;
	[tilespmem:$0x6080] =	vst v63  }
0x7e: {  	s31 =	simm.s32 $0x1280;
	s30 =	sadd.s32 $0x200, s4  }
0x7f: {  	[hbm4b:s30+s2] =	stream.linear.scatter [tilespmem:s31], [sflag:$0x1], $0x80, $0x38;
	[tilespmem:$0x6080] =	vst v63  }
0x80: {  	s8 =	spop (v2sf)  }
0x81: {  	s7 =	simm.s32 $0x1680;
	s4 =	sadd.s32 $0x280, s4;
	s9 =	sshrl.u32 s8, $0x3  }
0x82: {  	(v2sf) =	vpush v1, $0x7;
	[hbm4b:s4+s2] =	stream.linear.scatter [tilespmem:s7], [sflag:$0x1], $0x80, $0x38;
	[tilespmem:$0x6080] =	vst v63  }
0x83: {  	s5 =	smul.u32 $0x1800, s9;
	s4 =	sshll.u32 s8, $0x7  }
0x84: {  	s4 =	sand.u32 $0x380, s4  }
0x85: {  	s4 =	sor.u32 s4, s5  }
0x86: {  	s4 =	sshrl.u32 s4, $0x3  }
0x87: {  	s10 =	simm.s32 $0x300;
	s4 =	sadd.s32 s3, s4  }
0x88: {  	[hbm4b:s4+s2] =	stream.linear.scatter [tilespmem:s10], [sflag:$0x1], $0x80, $0x38;
	[tilespmem:$0x6080] =	vst v63  }
0x89: {  	s12 =	simm.s32 $0x700;
	s11 =	sadd.s32 $0x80, s4  }
0x8a: {  	[hbm4b:s11+s2] =	stream.linear.scatter [tilespmem:s12], [sflag:$0x1], $0x80, $0x38;
	[tilespmem:$0x6080] =	vst v63  }
0x8b: {  	s14 =	simm.s32 $0xB00;
	s13 =	sadd.s32 $0x100, s4  }
0x8c: {  	[hbm4b:s13+s2] =	stream.linear.scatter [tilespmem:s14], [sflag:$0x1], $0x80, $0x38;
	[tilespmem:$0x6080] =	vst v63  }
0x8d: {  	s16 =	simm.s32 $0xF00;
	s15 =	sadd.s32 $0x180, s4  }
0x8e: {  	[hbm4b:s15+s2] =	stream.linear.scatter [tilespmem:s16], [sflag:$0x1], $0x80, $0x38;
	[tilespmem:$0x6080] =	vst v63  }
0x8f: {  	s18 =	simm.s32 $0x1300;
	s17 =	sadd.s32 $0x200, s4  }
0x90: {  	[hbm4b:s17+s2] =	stream.linear.scatter [tilespmem:s18], [sflag:$0x1], $0x80, $0x38;
	[tilespmem:$0x6080] =	vst v63  }
0x91: {  	s20 =	spop (v2sf)  }
0x92: {  	s19 =	simm.s32 $0x1700;
	s4 =	sadd.s32 $0x280, s4;
	s21 =	sshrl.u32 s20, $0x3  }
0x93: {  	(v2sf) =	vpush v1, $0x8;
	[hbm4b:s4+s2] =	stream.linear.scatter [tilespmem:s19], [sflag:$0x1], $0x80, $0x38;
	[tilespmem:$0x6080] =	vst v63  }
0x94: {  	s5 =	smul.u32 $0x1800, s21;
	s4 =	sshll.u32 s20, $0x7  }
0x95: {  	s4 =	sand.u32 $0x380, s4  }
0x96: {  	s4 =	sor.u32 s4, s5  }
0x97: {  	s4 =	sshrl.u32 s4, $0x3  }
0x98: {  	s22 =	simm.s32 $0x380;
	s4 =	sadd.s32 s3, s4  }
0x99: {  	[hbm4b:s4+s2] =	stream.linear.scatter [tilespmem:s22], [sflag:$0x1], $0x80, $0x38;
	[tilespmem:$0x6080] =	vst v63  }
0x9a: {  	s24 =	simm.s32 $0x780;
	s23 =	sadd.s32 $0x80, s4  }
0x9b: {  	[hbm4b:s23+s2] =	stream.linear.scatter [tilespmem:s24], [sflag:$0x1], $0x80, $0x38;
	[tilespmem:$0x6080] =	vst v63  }
0x9c: {  	s26 =	simm.s32 $0xB80;
	s25 =	sadd.s32 $0x100, s4  }
0x9d: {  	[hbm4b:s25+s2] =	stream.linear.scatter [tilespmem:s26], [sflag:$0x1], $0x80, $0x38;
	[tilespmem:$0x6080] =	vst v63  }
0x9e: {  	s29 =	simm.s32 $0xF80;
	s28 =	sadd.s32 $0x180, s4  }
0x9f: {  	[hbm4b:s28+s2] =	stream.linear.scatter [tilespmem:s29], [sflag:$0x1], $0x80, $0x38;
	[tilespmem:$0x6080] =	vst v63  }
0xa0: {  	s31 =	simm.s32 $0x1380;
	s30 =	sadd.s32 $0x200, s4  }
0xa1: {  	[hbm4b:s30+s2] =	stream.linear.scatter [tilespmem:s31], [sflag:$0x1], $0x80, $0x38;
	[tilespmem:$0x6080] =	vst v63  }
0xa2: {  	s8 =	spop (v2sf)  }
0xa3: {  	s7 =	simm.s32 $0x1780;
	s4 =	sadd.s32 $0x280, s4;
	s9 =	sshrl.u32 s8, $0x3  }
0xa4: {  	(v2sf) =	vpush v1, $0x9;
	[hbm4b:s4+s2] =	stream.linear.scatter [tilespmem:s7], [sflag:$0x1], $0x80, $0x38;
	[tilespmem:$0x6080] =	vst v63  }
0xa5: {  	s5 =	smul.u32 $0x1800, s9;
	s4 =	sshll.u32 s8, $0x7  }
0xa6: {  	s4 =	sand.u32 $0x380, s4  }
0xa7: {  	s4 =	sor.u32 s4, s5  }
0xa8: {  	s4 =	sshrl.u32 s4, $0x3  }
0xa9: {  	s10 =	simm.s32 $0x1800;
	s4 =	sadd.s32 s3, s4  }
0xaa: {  	[hbm4b:s4+s2] =	stream.linear.scatter [tilespmem:s10], [sflag:$0x1], $0x80, $0x38;
	[tilespmem:$0x6080] =	vst v63  }
0xab: {  	s12 =	simm.s32 $0x1C00;
	s11 =	sadd.s32 $0x80, s4  }
0xac: {  	[hbm4b:s11+s2] =	stream.linear.scatter [tilespmem:s12], [sflag:$0x1], $0x80, $0x38;
	[tilespmem:$0x6080] =	vst v63  }
0xad: {  	s14 =	simm.s32 $0x2000;
	s13 =	sadd.s32 $0x100, s4  }
0xae: {  	[hbm4b:s13+s2] =	stream.linear.scatter [tilespmem:s14], [sflag:$0x1], $0x80, $0x38;
	[tilespmem:$0x6080] =	vst v63  }
0xaf: {  	s16 =	simm.s32 $0x2400;
	s15 =	sadd.s32 $0x180, s4  }
0xb0: {  	[hbm4b:s15+s2] =	stream.linear.scatter [tilespmem:s16], [sflag:$0x1], $0x80, $0x38;
	[tilespmem:$0x6080] =	vst v63  }
0xb1: {  	s18 =	simm.s32 $0x2800;
	s17 =	sadd.s32 $0x200, s4  }
0xb2: {  	[hbm4b:s17+s2] =	stream.linear.scatter [tilespmem:s18], [sflag:$0x1], $0x80, $0x38;
	[tilespmem:$0x6080] =	vst v63  }
0xb3: {  	s20 =	spop (v2sf)  }
0xb4: {  	s19 =	simm.s32 $0x2C00;
	s4 =	sadd.s32 $0x280, s4;
	s21 =	sshrl.u32 s20, $0x3  }
0xb5: {  	(v2sf) =	vpush v1, $0xA;
	[hbm4b:s4+s2] =	stream.linear.scatter [tilespmem:s19], [sflag:$0x1], $0x80, $0x38;
	[tilespmem:$0x6080] =	vst v63  }
0xb6: {  	s5 =	smul.u32 $0x1800, s21;
	s4 =	sshll.u32 s20, $0x7  }
0xb7: {  	s4 =	sand.u32 $0x380, s4  }
0xb8: {  	s4 =	sor.u32 s4, s5  }
0xb9: {  	s4 =	sshrl.u32 s4, $0x3  }
0xba: {  	s22 =	simm.s32 $0x1880;
	s4 =	sadd.s32 s3, s4  }
0xbb: {  	[hbm4b:s4+s2] =	stream.linear.scatter [tilespmem:s22], [sflag:$0x1], $0x80, $0x38;
	[tilespmem:$0x6080] =	vst v63  }
0xbc: {  	s24 =	simm.s32 $0x1C80;
	s23 =	sadd.s32 $0x80, s4  }
0xbd: {  	[hbm4b:s23+s2] =	stream.linear.scatter [tilespmem:s24], [sflag:$0x1], $0x80, $0x38;
	[tilespmem:$0x6080] =	vst v63  }
0xbe: {  	s26 =	simm.s32 $0x2080;
	s25 =	sadd.s32 $0x100, s4  }
0xbf: {  	[hbm4b:s25+s2] =	stream.linear.scatter [tilespmem:s26], [sflag:$0x1], $0x80, $0x38;
	[tilespmem:$0x6080] =	vst v63  }
0xc0: {  	s29 =	simm.s32 $0x2480;
	s28 =	sadd.s32 $0x180, s4  }
0xc1: {  	[hbm4b:s28+s2] =	stream.linear.scatter [tilespmem:s29], [sflag:$0x1], $0x80, $0x38;
	[tilespmem:$0x6080] =	vst v63  }
0xc2: {  	s31 =	simm.s32 $0x2880;
	s30 =	sadd.s32 $0x200, s4  }
0xc3: {  	[hbm4b:s30+s2] =	stream.linear.scatter [tilespmem:s31], [sflag:$0x1], $0x80, $0x38;
	[tilespmem:$0x6080] =	vst v63  }
0xc4: {  	s8 =	spop (v2sf)  }
0xc5: {  	s7 =	simm.s32 $0x2C80;
	s4 =	sadd.s32 $0x280, s4;
	s9 =	sshrl.u32 s8, $0x3  }
0xc6: {  	(v2sf) =	vpush v1, $0xB;
	[hbm4b:s4+s2] =	stream.linear.scatter [tilespmem:s7], [sflag:$0x1], $0x80, $0x38;
	[tilespmem:$0x6080] =	vst v63  }
0xc7: {  	s5 =	smul.u32 $0x1800, s9;
	s4 =	sshll.u32 s8, $0x7  }
0xc8: {  	s4 =	sand.u32 $0x380, s4  }
0xc9: {  	s4 =	sor.u32 s4, s5  }
0xca: {  	s4 =	sshrl.u32 s4, $0x3  }
0xcb: {  	s10 =	simm.s32 $0x1900;
	s4 =	sadd.s32 s3, s4  }
0xcc: {  	[hbm4b:s4+s2] =	stream.linear.scatter [tilespmem:s10], [sflag:$0x1], $0x80, $0x38;
	[tilespmem:$0x6080] =	vst v63  }
0xcd: {  	s12 =	simm.s32 $0x1D00;
	s11 =	sadd.s32 $0x80, s4  }
0xce: {  	[hbm4b:s11+s2] =	stream.linear.scatter [tilespmem:s12], [sflag:$0x1], $0x80, $0x38;
	[tilespmem:$0x6080] =	vst v63  }
0xcf: {  	s14 =	simm.s32 $0x2100;
	s13 =	sadd.s32 $0x100, s4  }
0xd0: {  	[hbm4b:s13+s2] =	stream.linear.scatter [tilespmem:s14], [sflag:$0x1], $0x80, $0x38;
	[tilespmem:$0x6080] =	vst v63  }
0xd1: {  	s16 =	simm.s32 $0x2500;
	s15 =	sadd.s32 $0x180, s4  }
0xd2: {  	[hbm4b:s15+s2] =	stream.linear.scatter [tilespmem:s16], [sflag:$0x1], $0x80, $0x38;
	[tilespmem:$0x6080] =	vst v63  }
0xd3: {  	s18 =	simm.s32 $0x2900;
	s17 =	sadd.s32 $0x200, s4  }
0xd4: {  	[hbm4b:s17+s2] =	stream.linear.scatter [tilespmem:s18], [sflag:$0x1], $0x80, $0x38;
	[tilespmem:$0x6080] =	vst v63  }
0xd5: {  	s20 =	spop (v2sf)  }
0xd6: {  	s19 =	simm.s32 $0x2D00;
	s4 =	sadd.s32 $0x280, s4;
	s21 =	sshrl.u32 s20, $0x3  }
0xd7: {  	(v2sf) =	vpush v1, $0xC;
	[hbm4b:s4+s2] =	stream.linear.scatter [tilespmem:s19], [sflag:$0x1], $0x80, $0x38;
	[tilespmem:$0x6080] =	vst v63  }
0xd8: {  	s5 =	smul.u32 $0x1800, s21;
	s4 =	sshll.u32 s20, $0x7  }
0xd9: {  	s4 =	sand.u32 $0x380, s4  }
0xda: {  	s4 =	sor.u32 s4, s5  }
0xdb: {  	s4 =	sshrl.u32 s4, $0x3  }
0xdc: {  	s22 =	simm.s32 $0x1980;
	s4 =	sadd.s32 s3, s4  }
0xdd: {  	[hbm4b:s4+s2] =	stream.linear.scatter [tilespmem:s22], [sflag:$0x1], $0x80, $0x38;
	[tilespmem:$0x6080] =	vst v63  }
0xde: {  	s24 =	simm.s32 $0x1D80;
	s23 =	sadd.s32 $0x80, s4  }
0xdf: {  	[hbm4b:s23+s2] =	stream.linear.scatter [tilespmem:s24], [sflag:$0x1], $0x80, $0x38;
	[tilespmem:$0x6080] =	vst v63  }
0xe0: {  	s26 =	simm.s32 $0x2180;
	s25 =	sadd.s32 $0x100, s4  }
0xe1: {  	[hbm4b:s25+s2] =	stream.linear.scatter [tilespmem:s26], [sflag:$0x1], $0x80, $0x38;
	[tilespmem:$0x6080] =	vst v63  }
0xe2: {  	s29 =	simm.s32 $0x2580;
	s28 =	sadd.s32 $0x180, s4  }
0xe3: {  	[hbm4b:s28+s2] =	stream.linear.scatter [tilespmem:s29], [sflag:$0x1], $0x80, $0x38;
	[tilespmem:$0x6080] =	vst v63  }
0xe4: {  	s31 =	simm.s32 $0x2980;
	s30 =	sadd.s32 $0x200, s4  }
0xe5: {  	[hbm4b:s30+s2] =	stream.linear.scatter [tilespmem:s31], [sflag:$0x1], $0x80, $0x38;
	[tilespmem:$0x6080] =	vst v63  }
0xe6: {  	s8 =	spop (v2sf)  }
0xe7: {  	s7 =	simm.s32 $0x2D80;
	s4 =	sadd.s32 $0x280, s4;
	s9 =	sshrl.u32 s8, $0x3  }
0xe8: {  	(v2sf) =	vpush v1, $0xD;
	[hbm4b:s4+s2] =	stream.linear.scatter [tilespmem:s7], [sflag:$0x1], $0x80, $0x38;
	[tilespmem:$0x6080] =	vst v63  }
0xe9: {  	s5 =	smul.u32 $0x1800, s9;
	s4 =	sshll.u32 s8, $0x7  }
0xea: {  	s4 =	sand.u32 $0x380, s4  }
0xeb: {  	s4 =	sor.u32 s4, s5  }
0xec: {  	s4 =	sshrl.u32 s4, $0x3  }
0xed: {  	s10 =	simm.s32 $0x1A00;
	s4 =	sadd.s32 s3, s4  }
0xee: {  	[hbm4b:s4+s2] =	stream.linear.scatter [tilespmem:s10], [sflag:$0x1], $0x80, $0x38;
	[tilespmem:$0x6080] =	vst v63  }
0xef: {  	s12 =	simm.s32 $0x1E00;
	s11 =	sadd.s32 $0x80, s4  }
0xf0: {  	[hbm4b:s11+s2] =	stream.linear.scatter [tilespmem:s12], [sflag:$0x1], $0x80, $0x38;
	[tilespmem:$0x6080] =	vst v63  }
0xf1: {  	s14 =	simm.s32 $0x2200;
	s13 =	sadd.s32 $0x100, s4  }
0xf2: {  	[hbm4b:s13+s2] =	stream.linear.scatter [tilespmem:s14], [sflag:$0x1], $0x80, $0x38;
	[tilespmem:$0x6080] =	vst v63  }
0xf3: {  	s16 =	simm.s32 $0x2600;
	s15 =	sadd.s32 $0x180, s4  }
0xf4: {  	[hbm4b:s15+s2] =	stream.linear.scatter [tilespmem:s16], [sflag:$0x1], $0x80, $0x38;
	[tilespmem:$0x6080] =	vst v63  }
0xf5: {  	s18 =	simm.s32 $0x2A00;
	s17 =	sadd.s32 $0x200, s4  }
0xf6: {  	[hbm4b:s17+s2] =	stream.linear.scatter [tilespmem:s18], [sflag:$0x1], $0x80, $0x38;
	[tilespmem:$0x6080] =	vst v63  }
0xf7: {  	s20 =	spop (v2sf)  }
0xf8: {  	s19 =	simm.s32 $0x2E00;
	s4 =	sadd.s32 $0x280, s4;
	s21 =	sshrl.u32 s20, $0x3  }
0xf9: {  	(v2sf) =	vpush v1, $0xE;
	[hbm4b:s4+s2] =	stream.linear.scatter [tilespmem:s19], [sflag:$0x1], $0x80, $0x38;
	[tilespmem:$0x6080] =	vst v63  }
0xfa: {  	s5 =	smul.u32 $0x1800, s21;
	s4 =	sshll.u32 s20, $0x7  }
0xfb: {  	s4 =	sand.u32 $0x380, s4  }
0xfc: {  	s4 =	sor.u32 s4, s5  }
0xfd: {  	s4 =	sshrl.u32 s4, $0x3  }
0xfe: {  	s22 =	simm.s32 $0x1A80;
	s4 =	sadd.s32 s3, s4  }
0xff: {  	[hbm4b:s4+s2] =	stream.linear.scatter [tilespmem:s22], [sflag:$0x1], $0x80, $0x38;
	[tilespmem:$0x6080] =	vst v63  }
0x100: {  	s24 =	simm.s32 $0x1E80;
	s23 =	sadd.s32 $0x80, s4  }
0x101: {  	[hbm4b:s23+s2] =	stream.linear.scatter [tilespmem:s24], [sflag:$0x1], $0x80, $0x38;
	[tilespmem:$0x6080] =	vst v63  }
0x102: {  	s26 =	simm.s32 $0x2280;
	s25 =	sadd.s32 $0x100, s4  }
0x103: {  	[hbm4b:s25+s2] =	stream.linear.scatter [tilespmem:s26], [sflag:$0x1], $0x80, $0x38;
	[tilespmem:$0x6080] =	vst v63  }
0x104: {  	s29 =	simm.s32 $0x2680;
	s28 =	sadd.s32 $0x180, s4  }
0x105: {  	[hbm4b:s28+s2] =	stream.linear.scatter [tilespmem:s29], [sflag:$0x1], $0x80, $0x38;
	[tilespmem:$0x6080] =	vst v63  }
0x106: {  	s31 =	simm.s32 $0x2A80;
	s30 =	sadd.s32 $0x200, s4  }
0x107: {  	[hbm4b:s30+s2] =	stream.linear.scatter [tilespmem:s31], [sflag:$0x1], $0x80, $0x38;
	[tilespmem:$0x6080] =	vst v63  }
0x108: {  	s8 =	spop (v2sf)  }
0x109: {  	s7 =	simm.s32 $0x2E80;
	s4 =	sadd.s32 $0x280, s4;
	s9 =	sshrl.u32 s8, $0x3  }
0x10a: {  	(v2sf) =	vpush v1, $0xF;
	[hbm4b:s4+s2] =	stream.linear.scatter [tilespmem:s7], [sflag:$0x1], $0x80, $0x38;
	[tilespmem:$0x6080] =	vst v63  }
0x10b: {  	s5 =	smul.u32 $0x1800, s9;
	s4 =	sshll.u32 s8, $0x7  }
0x10c: {  	s4 =	sand.u32 $0x380, s4  }
0x10d: {  	s4 =	sor.u32 s4, s5  }
0x10e: {  	s4 =	sshrl.u32 s4, $0x3  }
0x10f: {  	s10 =	simm.s32 $0x1B00;
	s4 =	sadd.s32 s3, s4  }
0x110: {  	[hbm4b:s4+s2] =	stream.linear.scatter [tilespmem:s10], [sflag:$0x1], $0x80, $0x38;
	[tilespmem:$0x6080] =	vst v63  }
0x111: {  	s12 =	simm.s32 $0x1F00;
	s11 =	sadd.s32 $0x80, s4  }
0x112: {  	[hbm4b:s11+s2] =	stream.linear.scatter [tilespmem:s12], [sflag:$0x1], $0x80, $0x38;
	[tilespmem:$0x6080] =	vst v63  }
0x113: {  	s14 =	simm.s32 $0x2300;
	s13 =	sadd.s32 $0x100, s4  }
0x114: {  	[hbm4b:s13+s2] =	stream.linear.scatter [tilespmem:s14], [sflag:$0x1], $0x80, $0x38;
	[tilespmem:$0x6080] =	vst v63  }
0x115: {  	s16 =	simm.s32 $0x2700;
	s15 =	sadd.s32 $0x180, s4  }
0x116: {  	[hbm4b:s15+s2] =	stream.linear.scatter [tilespmem:s16], [sflag:$0x1], $0x80, $0x38;
	[tilespmem:$0x6080] =	vst v63  }
0x117: {  	s18 =	simm.s32 $0x2B00;
	s17 =	sadd.s32 $0x200, s4  }
0x118: {  	[hbm4b:s17+s2] =	stream.linear.scatter [tilespmem:s18], [sflag:$0x1], $0x80, $0x38;
	[tilespmem:$0x6080] =	vst v63  }
0x119: {  	s20 =	spop (v2sf)  }
0x11a: {  	s19 =	simm.s32 $0x2F00;
	s4 =	sadd.s32 $0x280, s4;
	s21 =	sshrl.u32 s20, $0x3  }
0x11b: {  	(v2sf) =	vpush v0, $0x0;
	[hbm4b:s4+s2] =	stream.linear.scatter [tilespmem:s19], [sflag:$0x1], $0x80, $0x38;
	[tilespmem:$0x6080] =	vst v63  }
0x11c: {  	s5 =	smul.u32 $0x1800, s21;
	s4 =	sshll.u32 s20, $0x7  }
0x11d: {  	s4 =	sand.u32 $0x380, s4  }
0x11e: {  	s4 =	sor.u32 s4, s5  }
0x11f: {  	s4 =	sshrl.u32 s4, $0x3  }
0x120: {  	s22 =	simm.s32 $0x1B80;
	s4 =	sadd.s32 s3, s4  }
0x121: {  	[hbm4b:s4+s2] =	stream.linear.scatter [tilespmem:s22], [sflag:$0x1], $0x80, $0x38;
	[tilespmem:$0x6080] =	vst v63  }
0x122: {  	s24 =	simm.s32 $0x1F80;
	s23 =	sadd.s32 $0x80, s4  }
0x123: {  	[hbm4b:s23+s2] =	stream.linear.scatter [tilespmem:s24], [sflag:$0x1], $0x80, $0x38;
	[tilespmem:$0x6080] =	vst v63  }
0x124: {  	s26 =	simm.s32 $0x2380;
	s25 =	sadd.s32 $0x100, s4  }
0x125: {  	[hbm4b:s25+s2] =	stream.linear.scatter [tilespmem:s26], [sflag:$0x1], $0x80, $0x38;
	[tilespmem:$0x6080] =	vst v63  }
0x126: {  	s29 =	simm.s32 $0x2780;
	s28 =	sadd.s32 $0x180, s4  }
0x127: {  	[hbm4b:s28+s2] =	stream.linear.scatter [tilespmem:s29], [sflag:$0x1], $0x80, $0x38;
	[tilespmem:$0x6080] =	vst v63  }
0x128: {  	s31 =	simm.s32 $0x2B80;
	s30 =	sadd.s32 $0x200, s4  }
0x129: {  	[hbm4b:s30+s2] =	stream.linear.scatter [tilespmem:s31], [sflag:$0x1], $0x80, $0x38;
	[tilespmem:$0x6080] =	vst v63  }
0x12a: {  	s8 =	spop (v2sf)  }
0x12b: {  	s7 =	simm.s32 $0x2F80;
	s4 =	sadd.s32 $0x280, s4;
	s9 =	sshrl.u32 s8, $0x3  }
0x12c: {  	(v2sf) =	vpush v0, $0x1;
	[hbm4b:s4+s2] =	stream.linear.scatter [tilespmem:s7], [sflag:$0x1], $0x80, $0x38;
	[tilespmem:$0x6080] =	vst v63  }
0x12d: {  	s5 =	smul.u32 $0x1800, s9;
	s4 =	sshll.u32 s8, $0x7  }
0x12e: {  	s4 =	sand.u32 $0x380, s4  }
0x12f: {  	s4 =	sor.u32 s4, s5  }
0x130: {  	s4 =	sshrl.u32 s4, $0x3  }
0x131: {  	s10 =	simm.s32 $0x3000;
	s4 =	sadd.s32 s3, s4  }
0x132: {  	[hbm4b:s4+s2] =	stream.linear.scatter [tilespmem:s10], [sflag:$0x1], $0x80, $0x38;
	[tilespmem:$0x6080] =	vst v63  }
0x133: {  	s12 =	simm.s32 $0x3400;
	s11 =	sadd.s32 $0x80, s4  }
0x134: {  	[hbm4b:s11+s2] =	stream.linear.scatter [tilespmem:s12], [sflag:$0x1], $0x80, $0x38;
	[tilespmem:$0x6080] =	vst v63  }
0x135: {  	s14 =	simm.s32 $0x3800;
	s13 =	sadd.s32 $0x100, s4  }
0x136: {  	[hbm4b:s13+s2] =	stream.linear.scatter [tilespmem:s14], [sflag:$0x1], $0x80, $0x38;
	[tilespmem:$0x6080] =	vst v63  }
0x137: {  	s16 =	simm.s32 $0x3C00;
	s15 =	sadd.s32 $0x180, s4  }
0x138: {  	[hbm4b:s15+s2] =	stream.linear.scatter [tilespmem:s16], [sflag:$0x1], $0x80, $0x38;
	[tilespmem:$0x6080] =	vst v63  }
0x139: {  	s18 =	simm.s32 $0x4000;
	s17 =	sadd.s32 $0x200, s4  }
0x13a: {  	[hbm4b:s17+s2] =	stream.linear.scatter [tilespmem:s18], [sflag:$0x1], $0x80, $0x38;
	[tilespmem:$0x6080] =	vst v63  }
0x13b: {  	s20 =	spop (v2sf)  }
0x13c: {  	s19 =	simm.s32 $0x4400;
	s4 =	sadd.s32 $0x280, s4;
	s21 =	sshrl.u32 s20, $0x3  }
0x13d: {  	(v2sf) =	vpush v0, $0x2;
	[hbm4b:s4+s2] =	stream.linear.scatter [tilespmem:s19], [sflag:$0x1], $0x80, $0x38;
	[tilespmem:$0x6080] =	vst v63  }
0x13e: {  	s5 =	smul.u32 $0x1800, s21;
	s4 =	sshll.u32 s20, $0x7  }
0x13f: {  	s4 =	sand.u32 $0x380, s4  }
0x140: {  	s4 =	sor.u32 s4, s5  }
0x141: {  	s4 =	sshrl.u32 s4, $0x3  }
0x142: {  	s22 =	simm.s32 $0x3080;
	s4 =	sadd.s32 s3, s4  }
0x143: {  	[hbm4b:s4+s2] =	stream.linear.scatter [tilespmem:s22], [sflag:$0x1], $0x80, $0x38;
	[tilespmem:$0x6080] =	vst v63  }
0x144: {  	s24 =	simm.s32 $0x3480;
	s23 =	sadd.s32 $0x80, s4  }
0x145: {  	[hbm4b:s23+s2] =	stream.linear.scatter [tilespmem:s24], [sflag:$0x1], $0x80, $0x38;
	[tilespmem:$0x6080] =	vst v63  }
0x146: {  	s26 =	simm.s32 $0x3880;
	s25 =	sadd.s32 $0x100, s4  }
0x147: {  	[hbm4b:s25+s2] =	stream.linear.scatter [tilespmem:s26], [sflag:$0x1], $0x80, $0x38;
	[tilespmem:$0x6080] =	vst v63  }
0x148: {  	s29 =	simm.s32 $0x3C80;
	s28 =	sadd.s32 $0x180, s4  }
0x149: {  	[hbm4b:s28+s2] =	stream.linear.scatter [tilespmem:s29], [sflag:$0x1], $0x80, $0x38;
	[tilespmem:$0x6080] =	vst v63  }
0x14a: {  	s31 =	simm.s32 $0x4080;
	s30 =	sadd.s32 $0x200, s4  }
0x14b: {  	[hbm4b:s30+s2] =	stream.linear.scatter [tilespmem:s31], [sflag:$0x1], $0x80, $0x38;
	[tilespmem:$0x6080] =	vst v63  }
0x14c: {  	s8 =	spop (v2sf)  }
0x14d: {  	s7 =	simm.s32 $0x4480;
	s4 =	sadd.s32 $0x280, s4;
	s9 =	sshrl.u32 s8, $0x3  }
0x14e: {  	(v2sf) =	vpush v0, $0x3;
	[hbm4b:s4+s2] =	stream.linear.scatter [tilespmem:s7], [sflag:$0x1], $0x80, $0x38;
	[tilespmem:$0x6080] =	vst v63  }
0x14f: {  	s5 =	smul.u32 $0x1800, s9;
	s4 =	sshll.u32 s8, $0x7  }
0x150: {  	s4 =	sand.u32 $0x380, s4  }
0x151: {  	s4 =	sor.u32 s4, s5  }
0x152: {  	s4 =	sshrl.u32 s4, $0x3  }
0x153: {  	s10 =	simm.s32 $0x3100;
	s4 =	sadd.s32 s3, s4  }
0x154: {  	[hbm4b:s4+s2] =	stream.linear.scatter [tilespmem:s10], [sflag:$0x1], $0x80, $0x38;
	[tilespmem:$0x6080] =	vst v63  }
0x155: {  	s12 =	simm.s32 $0x3500;
	s11 =	sadd.s32 $0x80, s4  }
0x156: {  	[hbm4b:s11+s2] =	stream.linear.scatter [tilespmem:s12], [sflag:$0x1], $0x80, $0x38;
	[tilespmem:$0x6080] =	vst v63  }
0x157: {  	s14 =	simm.s32 $0x3900;
	s13 =	sadd.s32 $0x100, s4  }
0x158: {  	[hbm4b:s13+s2] =	stream.linear.scatter [tilespmem:s14], [sflag:$0x1], $0x80, $0x38;
	[tilespmem:$0x6080] =	vst v63  }
0x159: {  	s16 =	simm.s32 $0x3D00;
	s15 =	sadd.s32 $0x180, s4  }
0x15a: {  	[hbm4b:s15+s2] =	stream.linear.scatter [tilespmem:s16], [sflag:$0x1], $0x80, $0x38;
	[tilespmem:$0x6080] =	vst v63  }
0x15b: {  	s18 =	simm.s32 $0x4100;
	s17 =	sadd.s32 $0x200, s4  }
0x15c: {  	[hbm4b:s17+s2] =	stream.linear.scatter [tilespmem:s18], [sflag:$0x1], $0x80, $0x38;
	[tilespmem:$0x6080] =	vst v63  }
0x15d: {  	s20 =	spop (v2sf)  }
0x15e: {  	s19 =	simm.s32 $0x4500;
	s4 =	sadd.s32 $0x280, s4;
	s21 =	sshrl.u32 s20, $0x3  }
0x15f: {  	(v2sf) =	vpush v0, $0x4;
	[hbm4b:s4+s2] =	stream.linear.scatter [tilespmem:s19], [sflag:$0x1], $0x80, $0x38;
	[tilespmem:$0x6080] =	vst v63  }
0x160: {  	s5 =	smul.u32 $0x1800, s21;
	s4 =	sshll.u32 s20, $0x7  }
0x161: {  	s4 =	sand.u32 $0x380, s4  }
0x162: {  	s4 =	sor.u32 s4, s5  }
0x163: {  	s4 =	sshrl.u32 s4, $0x3  }
0x164: {  	s22 =	simm.s32 $0x3180;
	s4 =	sadd.s32 s3, s4  }
0x165: {  	[hbm4b:s4+s2] =	stream.linear.scatter [tilespmem:s22], [sflag:$0x1], $0x80, $0x38;
	[tilespmem:$0x6080] =	vst v63  }
0x166: {  	s24 =	simm.s32 $0x3580;
	s23 =	sadd.s32 $0x80, s4  }
0x167: {  	[hbm4b:s23+s2] =	stream.linear.scatter [tilespmem:s24], [sflag:$0x1], $0x80, $0x38;
	[tilespmem:$0x6080] =	vst v63  }
0x168: {  	s26 =	simm.s32 $0x3980;
	s25 =	sadd.s32 $0x100, s4  }
0x169: {  	[hbm4b:s25+s2] =	stream.linear.scatter [tilespmem:s26], [sflag:$0x1], $0x80, $0x38;
	[tilespmem:$0x6080] =	vst v63  }
0x16a: {  	s29 =	simm.s32 $0x3D80;
	s28 =	sadd.s32 $0x180, s4  }
0x16b: {  	[hbm4b:s28+s2] =	stream.linear.scatter [tilespmem:s29], [sflag:$0x1], $0x80, $0x38;
	[tilespmem:$0x6080] =	vst v63  }
0x16c: {  	s31 =	simm.s32 $0x4180;
	s30 =	sadd.s32 $0x200, s4  }
0x16d: {  	[hbm4b:s30+s2] =	stream.linear.scatter [tilespmem:s31], [sflag:$0x1], $0x80, $0x38;
	[tilespmem:$0x6080] =	vst v63  }
0x16e: {  	s8 =	spop (v2sf)  }
0x16f: {  	s7 =	simm.s32 $0x4580;
	s4 =	sadd.s32 $0x280, s4;
	s9 =	sshrl.u32 s8, $0x3  }
0x170: {  	(v2sf) =	vpush v0, $0x5;
	[hbm4b:s4+s2] =	stream.linear.scatter [tilespmem:s7], [sflag:$0x1], $0x80, $0x38;
	[tilespmem:$0x6080] =	vst v63  }
0x171: {  	s5 =	smul.u32 $0x1800, s9;
	s4 =	sshll.u32 s8, $0x7  }
0x172: {  	s4 =	sand.u32 $0x380, s4  }
0x173: {  	s4 =	sor.u32 s4, s5  }
0x174: {  	s4 =	sshrl.u32 s4, $0x3  }
0x175: {  	s10 =	simm.s32 $0x3200;
	s4 =	sadd.s32 s3, s4  }
0x176: {  	[hbm4b:s4+s2] =	stream.linear.scatter [tilespmem:s10], [sflag:$0x1], $0x80, $0x38;
	[tilespmem:$0x6080] =	vst v63  }
0x177: {  	s12 =	simm.s32 $0x3600;
	s11 =	sadd.s32 $0x80, s4  }
0x178: {  	[hbm4b:s11+s2] =	stream.linear.scatter [tilespmem:s12], [sflag:$0x1], $0x80, $0x38;
	[tilespmem:$0x6080] =	vst v63  }
0x179: {  	s14 =	simm.s32 $0x3A00;
	s13 =	sadd.s32 $0x100, s4  }
0x17a: {  	[hbm4b:s13+s2] =	stream.linear.scatter [tilespmem:s14], [sflag:$0x1], $0x80, $0x38;
	[tilespmem:$0x6080] =	vst v63  }
0x17b: {  	s16 =	simm.s32 $0x3E00;
	s15 =	sadd.s32 $0x180, s4  }
0x17c: {  	[hbm4b:s15+s2] =	stream.linear.scatter [tilespmem:s16], [sflag:$0x1], $0x80, $0x38;
	[tilespmem:$0x6080] =	vst v63  }
0x17d: {  	s18 =	simm.s32 $0x4200;
	s17 =	sadd.s32 $0x200, s4  }
0x17e: {  	[hbm4b:s17+s2] =	stream.linear.scatter [tilespmem:s18], [sflag:$0x1], $0x80, $0x38;
	[tilespmem:$0x6080] =	vst v63  }
0x17f: {  	s20 =	spop (v2sf)  }
0x180: {  	s19 =	simm.s32 $0x4600;
	s4 =	sadd.s32 $0x280, s4;
	s21 =	sshrl.u32 s20, $0x3  }
0x181: {  	(v2sf) =	vpush v0, $0x6;
	[hbm4b:s4+s2] =	stream.linear.scatter [tilespmem:s19], [sflag:$0x1], $0x80, $0x38;
	[tilespmem:$0x6080] =	vst v63  }
0x182: {  	s5 =	smul.u32 $0x1800, s21;
	s4 =	sshll.u32 s20, $0x7  }
0x183: {  	s4 =	sand.u32 $0x380, s4  }
0x184: {  	s4 =	sor.u32 s4, s5  }
0x185: {  	s4 =	sshrl.u32 s4, $0x3  }
0x186: {  	s22 =	simm.s32 $0x3280;
	s4 =	sadd.s32 s3, s4  }
0x187: {  	[hbm4b:s4+s2] =	stream.linear.scatter [tilespmem:s22], [sflag:$0x1], $0x80, $0x38;
	[tilespmem:$0x6080] =	vst v63  }
0x188: {  	s24 =	simm.s32 $0x3680;
	s23 =	sadd.s32 $0x80, s4  }
0x189: {  	[hbm4b:s23+s2] =	stream.linear.scatter [tilespmem:s24], [sflag:$0x1], $0x80, $0x38;
	[tilespmem:$0x6080] =	vst v63  }
0x18a: {  	s26 =	simm.s32 $0x3A80;
	s25 =	sadd.s32 $0x100, s4  }
0x18b: {  	[hbm4b:s25+s2] =	stream.linear.scatter [tilespmem:s26], [sflag:$0x1], $0x80, $0x38;
	[tilespmem:$0x6080] =	vst v63  }
0x18c: {  	s29 =	simm.s32 $0x3E80;
	s28 =	sadd.s32 $0x180, s4  }
0x18d: {  	[hbm4b:s28+s2] =	stream.linear.scatter [tilespmem:s29], [sflag:$0x1], $0x80, $0x38;
	[tilespmem:$0x6080] =	vst v63  }
0x18e: {  	s31 =	simm.s32 $0x4280;
	s30 =	sadd.s32 $0x200, s4  }
0x18f: {  	[hbm4b:s30+s2] =	stream.linear.scatter [tilespmem:s31], [sflag:$0x1], $0x80, $0x38;
	[tilespmem:$0x6080] =	vst v63  }
0x190: {  	s8 =	spop (v2sf)  }
0x191: {  	s7 =	simm.s32 $0x4680;
	s4 =	sadd.s32 $0x280, s4;
	s9 =	sshrl.u32 s8, $0x3  }
0x192: {  	(v2sf) =	vpush v0, $0x7;
	[hbm4b:s4+s2] =	stream.linear.scatter [tilespmem:s7], [sflag:$0x1], $0x80, $0x38;
	[tilespmem:$0x6080] =	vst v63  }
0x193: {  	s5 =	smul.u32 $0x1800, s9;
	s4 =	sshll.u32 s8, $0x7  }
0x194: {  	s4 =	sand.u32 $0x380, s4  }
0x195: {  	s4 =	sor.u32 s4, s5  }
0x196: {  	s4 =	sshrl.u32 s4, $0x3  }
0x197: {  	s10 =	simm.s32 $0x3300;
	s4 =	sadd.s32 s3, s4  }
0x198: {  	[hbm4b:s4+s2] =	stream.linear.scatter [tilespmem:s10], [sflag:$0x1], $0x80, $0x38;
	[tilespmem:$0x6080] =	vst v63  }
0x199: {  	s12 =	simm.s32 $0x3700;
	s11 =	sadd.s32 $0x80, s4  }
0x19a: {  	[hbm4b:s11+s2] =	stream.linear.scatter [tilespmem:s12], [sflag:$0x1], $0x80, $0x38;
	[tilespmem:$0x6080] =	vst v63  }
0x19b: {  	s14 =	simm.s32 $0x3B00;
	s13 =	sadd.s32 $0x100, s4  }
0x19c: {  	[hbm4b:s13+s2] =	stream.linear.scatter [tilespmem:s14], [sflag:$0x1], $0x80, $0x38;
	[tilespmem:$0x6080] =	vst v63  }
0x19d: {  	s16 =	simm.s32 $0x3F00;
	s15 =	sadd.s32 $0x180, s4  }
0x19e: {  	[hbm4b:s15+s2] =	stream.linear.scatter [tilespmem:s16], [sflag:$0x1], $0x80, $0x38;
	[tilespmem:$0x6080] =	vst v63  }
0x19f: {  	s18 =	simm.s32 $0x4300;
	s17 =	sadd.s32 $0x200, s4  }
0x1a0: {  	[hbm4b:s17+s2] =	stream.linear.scatter [tilespmem:s18], [sflag:$0x1], $0x80, $0x38;
	[tilespmem:$0x6080] =	vst v63  }
0x1a1: {  	s20 =	spop (v2sf)  }
0x1a2: {  	s19 =	simm.s32 $0x4700;
	s4 =	sadd.s32 $0x280, s4;
	s21 =	sshrl.u32 s20, $0x3  }
0x1a3: {  	(v2sf) =	vpush v0, $0x8;
	[hbm4b:s4+s2] =	stream.linear.scatter [tilespmem:s19], [sflag:$0x1], $0x80, $0x38;
	[tilespmem:$0x6080] =	vst v63  }
0x1a4: {  	s5 =	smul.u32 $0x1800, s21;
	s4 =	sshll.u32 s20, $0x7  }
0x1a5: {  	s4 =	sand.u32 $0x380, s4  }
0x1a6: {  	s4 =	sor.u32 s4, s5  }
0x1a7: {  	s4 =	sshrl.u32 s4, $0x3  }
0x1a8: {  	s22 =	simm.s32 $0x3380;
	s4 =	sadd.s32 s3, s4  }
0x1a9: {  	[hbm4b:s4+s2] =	stream.linear.scatter [tilespmem:s22], [sflag:$0x1], $0x80, $0x38;
	[tilespmem:$0x6080] =	vst v63  }
0x1aa: {  	s24 =	simm.s32 $0x3780;
	s23 =	sadd.s32 $0x80, s4  }
0x1ab: {  	[hbm4b:s23+s2] =	stream.linear.scatter [tilespmem:s24], [sflag:$0x1], $0x80, $0x38;
	[tilespmem:$0x6080] =	vst v63  }
0x1ac: {  	s26 =	simm.s32 $0x3B80;
	s25 =	sadd.s32 $0x100, s4  }
0x1ad: {  	[hbm4b:s25+s2] =	stream.linear.scatter [tilespmem:s26], [sflag:$0x1], $0x80, $0x38;
	[tilespmem:$0x6080] =	vst v63  }
0x1ae: {  	s29 =	simm.s32 $0x3F80;
	s28 =	sadd.s32 $0x180, s4  }
0x1af: {  	[hbm4b:s28+s2] =	stream.linear.scatter [tilespmem:s29], [sflag:$0x1], $0x80, $0x38;
	[tilespmem:$0x6080] =	vst v63  }
0x1b0: {  	s31 =	simm.s32 $0x4380;
	s30 =	sadd.s32 $0x200, s4  }
0x1b1: {  	[hbm4b:s30+s2] =	stream.linear.scatter [tilespmem:s31], [sflag:$0x1], $0x80, $0x38;
	[tilespmem:$0x6080] =	vst v63  }
0x1b2: {  	s8 =	spop (v2sf)  }
0x1b3: {  	s7 =	simm.s32 $0x4780;
	s4 =	sadd.s32 $0x280, s4;
	s9 =	sshrl.u32 s8, $0x3  }
0x1b4: {  	(v2sf) =	vpush v0, $0x9;
	[hbm4b:s4+s2] =	stream.linear.scatter [tilespmem:s7], [sflag:$0x1], $0x80, $0x38;
	[tilespmem:$0x6080] =	vst v63  }
0x1b5: {  	s5 =	smul.u32 $0x1800, s9;
	s4 =	sshll.u32 s8, $0x7  }
0x1b6: {  	s4 =	sand.u32 $0x380, s4  }
0x1b7: {  	s4 =	sor.u32 s4, s5  }
0x1b8: {  	s4 =	sshrl.u32 s4, $0x3  }
0x1b9: {  	s10 =	simm.s32 $0x4800;
	s4 =	sadd.s32 s3, s4  }
0x1ba: {  	[hbm4b:s4+s2] =	stream.linear.scatter [tilespmem:s10], [sflag:$0x1], $0x80, $0x38;
	[tilespmem:$0x6080] =	vst v63  }
0x1bb: {  	s12 =	simm.s32 $0x4C00;
	s11 =	sadd.s32 $0x80, s4  }
0x1bc: {  	[hbm4b:s11+s2] =	stream.linear.scatter [tilespmem:s12], [sflag:$0x1], $0x80, $0x38;
	[tilespmem:$0x6080] =	vst v63  }
0x1bd: {  	s14 =	simm.s32 $0x5000;
	s13 =	sadd.s32 $0x100, s4  }
0x1be: {  	[hbm4b:s13+s2] =	stream.linear.scatter [tilespmem:s14], [sflag:$0x1], $0x80, $0x38;
	[tilespmem:$0x6080] =	vst v63  }
0x1bf: {  	s16 =	simm.s32 $0x5400;
	s15 =	sadd.s32 $0x180, s4  }
0x1c0: {  	[hbm4b:s15+s2] =	stream.linear.scatter [tilespmem:s16], [sflag:$0x1], $0x80, $0x38;
	[tilespmem:$0x6080] =	vst v63  }
0x1c1: {  	s18 =	simm.s32 $0x5800;
	s17 =	sadd.s32 $0x200, s4  }
0x1c2: {  	[hbm4b:s17+s2] =	stream.linear.scatter [tilespmem:s18], [sflag:$0x1], $0x80, $0x38;
	[tilespmem:$0x6080] =	vst v63  }
0x1c3: {  	s20 =	spop (v2sf)  }
0x1c4: {  	s19 =	simm.s32 $0x5C00;
	s4 =	sadd.s32 $0x280, s4;
	s21 =	sshrl.u32 s20, $0x3  }
0x1c5: {  	(v2sf) =	vpush v0, $0xA;
	[hbm4b:s4+s2] =	stream.linear.scatter [tilespmem:s19], [sflag:$0x1], $0x80, $0x38;
	[tilespmem:$0x6080] =	vst v63  }
0x1c6: {  	s5 =	smul.u32 $0x1800, s21;
	s4 =	sshll.u32 s20, $0x7  }
0x1c7: {  	s4 =	sand.u32 $0x380, s4  }
0x1c8: {  	s4 =	sor.u32 s4, s5  }
0x1c9: {  	s4 =	sshrl.u32 s4, $0x3  }
0x1ca: {  	s22 =	simm.s32 $0x4880;
	s4 =	sadd.s32 s3, s4  }
0x1cb: {  	[hbm4b:s4+s2] =	stream.linear.scatter [tilespmem:s22], [sflag:$0x1], $0x80, $0x38;
	[tilespmem:$0x6080] =	vst v63  }
0x1cc: {  	s24 =	simm.s32 $0x4C80;
	s23 =	sadd.s32 $0x80, s4  }
0x1cd: {  	[hbm4b:s23+s2] =	stream.linear.scatter [tilespmem:s24], [sflag:$0x1], $0x80, $0x38;
	[tilespmem:$0x6080] =	vst v63  }
0x1ce: {  	s26 =	simm.s32 $0x5080;
	s25 =	sadd.s32 $0x100, s4  }
0x1cf: {  	[hbm4b:s25+s2] =	stream.linear.scatter [tilespmem:s26], [sflag:$0x1], $0x80, $0x38;
	[tilespmem:$0x6080] =	vst v63  }
0x1d0: {  	s29 =	simm.s32 $0x5480;
	s28 =	sadd.s32 $0x180, s4  }
0x1d1: {  	[hbm4b:s28+s2] =	stream.linear.scatter [tilespmem:s29], [sflag:$0x1], $0x80, $0x38;
	[tilespmem:$0x6080] =	vst v63  }
0x1d2: {  	s31 =	simm.s32 $0x5880;
	s30 =	sadd.s32 $0x200, s4  }
0x1d3: {  	[hbm4b:s30+s2] =	stream.linear.scatter [tilespmem:s31], [sflag:$0x1], $0x80, $0x38;
	[tilespmem:$0x6080] =	vst v63  }
0x1d4: {  	s7 =	spop (v2sf)  }
0x1d5: {  	s6 =	simm.s32 $0x5C80;
	s4 =	sadd.s32 $0x280, s4;
	s8 =	sshrl.u32 s7, $0x3  }
0x1d6: {  	(v2sf) =	vpush v0, $0xB;
	[hbm4b:s4+s2] =	stream.linear.scatter [tilespmem:s6], [sflag:$0x1], $0x80, $0x38;
	[tilespmem:$0x6080] =	vst v63  }
0x1d7: {  	s5 =	smul.u32 $0x1800, s8;
	s4 =	sshll.u32 s7, $0x7  }
0x1d8: {  	s4 =	sand.u32 $0x380, s4  }
0x1d9: {  	s4 =	sor.u32 s4, s5  }
0x1da: {  	s4 =	sshrl.u32 s4, $0x3  }
0x1db: {  	s9 =	simm.s32 $0x4900;
	s4 =	sadd.s32 s3, s4  }
0x1dc: {  	[hbm4b:s4+s2] =	stream.linear.scatter [tilespmem:s9], [sflag:$0x1], $0x80, $0x38;
	[tilespmem:$0x6080] =	vst v63  }
0x1dd: {  	s11 =	simm.s32 $0x4D00;
	s10 =	sadd.s32 $0x80, s4  }
0x1de: {  	[hbm4b:s10+s2] =	stream.linear.scatter [tilespmem:s11], [sflag:$0x1], $0x80, $0x38;
	[tilespmem:$0x6080] =	vst v63  }
0x1df: {  	s13 =	simm.s32 $0x5100;
	s12 =	sadd.s32 $0x100, s4  }
0x1e0: {  	[hbm4b:s12+s2] =	stream.linear.scatter [tilespmem:s13], [sflag:$0x1], $0x80, $0x38;
	[tilespmem:$0x6080] =	vst v63  }
0x1e1: {  	s15 =	simm.s32 $0x5500;
	s14 =	sadd.s32 $0x180, s4  }
0x1e2: {  	[hbm4b:s14+s2] =	stream.linear.scatter [tilespmem:s15], [sflag:$0x1], $0x80, $0x38;
	[tilespmem:$0x6080] =	vst v63  }
0x1e3: {  	s17 =	simm.s32 $0x5900;
	s16 =	sadd.s32 $0x200, s4  }
0x1e4: {  	[hbm4b:s16+s2] =	stream.linear.scatter [tilespmem:s17], [sflag:$0x1], $0x80, $0x38;
	[tilespmem:$0x6080] =	vst v63  }
0x1e5: {  	s19 =	spop (v2sf)  }
0x1e6: {  	s18 =	simm.s32 $0x5D00;
	s4 =	sadd.s32 $0x280, s4;
	s20 =	sshrl.u32 s19, $0x3  }
0x1e7: {  	(v2sf) =	vpush v0, $0xC;
	[hbm4b:s4+s2] =	stream.linear.scatter [tilespmem:s18], [sflag:$0x1], $0x80, $0x38;
	[tilespmem:$0x6080] =	vst v63  }
0x1e8: {  	s5 =	smul.u32 $0x1800, s20;
	s4 =	sshll.u32 s19, $0x7  }
0x1e9: {  	s4 =	sand.u32 $0x380, s4  }
0x1ea: {  	s4 =	sor.u32 s4, s5  }
0x1eb: {  	s4 =	sshrl.u32 s4, $0x3  }
0x1ec: {  	s21 =	simm.s32 $0x4980;
	s4 =	sadd.s32 s3, s4  }
0x1ed: {  	[hbm4b:s4+s2] =	stream.linear.scatter [tilespmem:s21], [sflag:$0x1], $0x80, $0x38;
	[tilespmem:$0x6080] =	vst v63  }
0x1ee: {  	s23 =	simm.s32 $0x4D80;
	s22 =	sadd.s32 $0x80, s4  }
0x1ef: {  	[hbm4b:s22+s2] =	stream.linear.scatter [tilespmem:s23], [sflag:$0x1], $0x80, $0x38;
	[tilespmem:$0x6080] =	vst v63  }
0x1f0: {  	s25 =	simm.s32 $0x5180;
	s24 =	sadd.s32 $0x100, s4  }
0x1f1: {  	[hbm4b:s24+s2] =	stream.linear.scatter [tilespmem:s25], [sflag:$0x1], $0x80, $0x38;
	[tilespmem:$0x6080] =	vst v63  }
0x1f2: {  	s28 =	simm.s32 $0x5580;
	s26 =	sadd.s32 $0x180, s4  }
0x1f3: {  	[hbm4b:s26+s2] =	stream.linear.scatter [tilespmem:s28], [sflag:$0x1], $0x80, $0x38;
	[tilespmem:$0x6080] =	vst v63  }
0x1f4: {  	s30 =	simm.s32 $0x5980;
	s29 =	sadd.s32 $0x200, s4  }
0x1f5: {  	[hbm4b:s29+s2] =	stream.linear.scatter [tilespmem:s30], [sflag:$0x1], $0x80, $0x38;
	[tilespmem:$0x6080] =	vst v63  }
0x1f6: {  	s6 =	spop (v2sf)  }
0x1f7: {  	s31 =	simm.s32 $0x5D80;
	s4 =	sadd.s32 $0x280, s4;
	s7 =	sshrl.u32 s6, $0x3  }
0x1f8: {  	(v2sf) =	vpush v0, $0xD;
	[hbm4b:s4+s2] =	stream.linear.scatter [tilespmem:s31], [sflag:$0x1], $0x80, $0x38;
	[tilespmem:$0x6080] =	vst v63  }
0x1f9: {  	s5 =	smul.u32 $0x1800, s7;
	s4 =	sshll.u32 s6, $0x7  }
0x1fa: {  	s4 =	sand.u32 $0x380, s4  }
0x1fb: {  	s4 =	sor.u32 s4, s5  }
0x1fc: {  	s4 =	sshrl.u32 s4, $0x3  }
0x1fd: {  	s8 =	simm.s32 $0x4A00;
	s4 =	sadd.s32 s3, s4  }
0x1fe: {  	[hbm4b:s4+s2] =	stream.linear.scatter [tilespmem:s8], [sflag:$0x1], $0x80, $0x38;
	[tilespmem:$0x6080] =	vst v63  }
0x1ff: {  	s10 =	simm.s32 $0x4E00;
	s9 =	sadd.s32 $0x80, s4  }
0x200: {  	[hbm4b:s9+s2] =	stream.linear.scatter [tilespmem:s10], [sflag:$0x1], $0x80, $0x38;
	[tilespmem:$0x6080] =	vst v63  }
0x201: {  	s12 =	simm.s32 $0x5200;
	s11 =	sadd.s32 $0x100, s4  }
0x202: {  	[hbm4b:s11+s2] =	stream.linear.scatter [tilespmem:s12], [sflag:$0x1], $0x80, $0x38;
	[tilespmem:$0x6080] =	vst v63  }
0x203: {  	s14 =	simm.s32 $0x5600;
	s13 =	sadd.s32 $0x180, s4  }
0x204: {  	[hbm4b:s13+s2] =	stream.linear.scatter [tilespmem:s14], [sflag:$0x1], $0x80, $0x38;
	[tilespmem:$0x6080] =	vst v63  }
0x205: {  	s16 =	simm.s32 $0x5A00;
	s15 =	sadd.s32 $0x200, s4  }
0x206: {  	[hbm4b:s15+s2] =	stream.linear.scatter [tilespmem:s16], [sflag:$0x1], $0x80, $0x38;
	[tilespmem:$0x6080] =	vst v63  }
0x207: {  	s18 =	spop (v2sf)  }
0x208: {  	s17 =	simm.s32 $0x5E00;
	s4 =	sadd.s32 $0x280, s4;
	s19 =	sshrl.u32 s18, $0x3  }
0x209: {  	(v2sf) =	vpush v0, $0xE;
	[hbm4b:s4+s2] =	stream.linear.scatter [tilespmem:s17], [sflag:$0x1], $0x80, $0x38;
	[tilespmem:$0x6080] =	vst v63  }
0x20a: {  	s5 =	smul.u32 $0x1800, s19;
	s4 =	sshll.u32 s18, $0x7  }
0x20b: {  	s4 =	sand.u32 $0x380, s4  }
0x20c: {  	s4 =	sor.u32 s4, s5  }
0x20d: {  	s4 =	sshrl.u32 s4, $0x3  }
0x20e: {  	s20 =	simm.s32 $0x4A80;
	s4 =	sadd.s32 s3, s4  }
0x20f: {  	[hbm4b:s4+s2] =	stream.linear.scatter [tilespmem:s20], [sflag:$0x1], $0x80, $0x38;
	[tilespmem:$0x6080] =	vst v63  }
0x210: {  	s22 =	simm.s32 $0x4E80;
	s21 =	sadd.s32 $0x80, s4  }
0x211: {  	[hbm4b:s21+s2] =	stream.linear.scatter [tilespmem:s22], [sflag:$0x1], $0x80, $0x38;
	[tilespmem:$0x6080] =	vst v63  }
0x212: {  	s24 =	simm.s32 $0x5280;
	s23 =	sadd.s32 $0x100, s4  }
0x213: {  	[hbm4b:s23+s2] =	stream.linear.scatter [tilespmem:s24], [sflag:$0x1], $0x80, $0x38;
	[tilespmem:$0x6080] =	vst v63  }
0x214: {  	s26 =	simm.s32 $0x5680;
	s25 =	sadd.s32 $0x180, s4  }
0x215: {  	[hbm4b:s25+s2] =	stream.linear.scatter [tilespmem:s26], [sflag:$0x1], $0x80, $0x38;
	[tilespmem:$0x6080] =	vst v63  }
0x216: {  	s29 =	simm.s32 $0x5A80;
	s28 =	sadd.s32 $0x200, s4  }
0x217: {  	[hbm4b:s28+s2] =	stream.linear.scatter [tilespmem:s29], [sflag:$0x1], $0x80, $0x38;
	[tilespmem:$0x6080] =	vst v63  }
0x218: {  	s31 =	spop (v2sf)  }
0x219: {  	s30 =	simm.s32 $0x5E80;
	s4 =	sadd.s32 $0x280, s4;
	s6 =	sshrl.u32 s31, $0x3  }
0x21a: {  	(v2sf) =	vpush v0, $0xF;
	[hbm4b:s4+s2] =	stream.linear.scatter [tilespmem:s30], [sflag:$0x1], $0x80, $0x38;
	[tilespmem:$0x6080] =	vst v63  }
0x21b: {  	s5 =	smul.u32 $0x1800, s6;
	s4 =	sshll.u32 s31, $0x7  }
0x21c: {  	s4 =	sand.u32 $0x380, s4  }
0x21d: {  	s4 =	sor.u32 s4, s5  }
0x21e: {  	s4 =	sshrl.u32 s4, $0x3  }
0x21f: {  	s7 =	simm.s32 $0x4B00;
	s4 =	sadd.s32 s3, s4  }
0x220: {  	[hbm4b:s4+s2] =	stream.linear.scatter [tilespmem:s7], [sflag:$0x1], $0x80, $0x38;
	[tilespmem:$0x6080] =	vst v63  }
0x221: {  	s9 =	simm.s32 $0x4F00;
	s8 =	sadd.s32 $0x80, s4  }
0x222: {  	[hbm4b:s8+s2] =	stream.linear.scatter [tilespmem:s9], [sflag:$0x1], $0x80, $0x38;
	[tilespmem:$0x6080] =	vst v63  }
0x223: {  	s11 =	simm.s32 $0x5300;
	s10 =	sadd.s32 $0x100, s4  }
0x224: {  	[hbm4b:s10+s2] =	stream.linear.scatter [tilespmem:s11], [sflag:$0x1], $0x80, $0x38;
	[tilespmem:$0x6080] =	vst v63  }
0x225: {  	s13 =	simm.s32 $0x5700;
	s12 =	sadd.s32 $0x180, s4  }
0x226: {  	[hbm4b:s12+s2] =	stream.linear.scatter [tilespmem:s13], [sflag:$0x1], $0x80, $0x38;
	[tilespmem:$0x6080] =	vst v63  }
0x227: {  	s15 =	simm.s32 $0x5B00;
	s14 =	sadd.s32 $0x200, s4  }
0x228: {  	[hbm4b:s14+s2] =	stream.linear.scatter [tilespmem:s15], [sflag:$0x1], $0x80, $0x38;
	[tilespmem:$0x6080] =	vst v63  }
0x229: {  	s17 =	spop (v2sf)  }
0x22a: {  	s16 =	simm.s32 $0x5F00;
	s4 =	sadd.s32 $0x280, s4;
	s18 =	sshrl.u32 s17, $0x3  }
0x22b: {  	[hbm4b:s4+s2] =	stream.linear.scatter [tilespmem:s16], [sflag:$0x1], $0x80, $0x38;
	[tilespmem:$0x6080] =	vst v63  }
0x22c: {  	s5 =	smul.u32 $0x1800, s18;
	s4 =	sshll.u32 s17, $0x7  }
0x22d: {  	s4 =	sand.u32 $0x380, s4  }
0x22e: {  	s4 =	sor.u32 s4, s5  }
0x22f: {  	s4 =	sshrl.u32 s4, $0x3  }
0x230: {  	s20 =	simm.s32 $0x4B80;
	s19 =	sadd.s32 s3, s4  }
0x231: {  	[hbm4b:s19+s2] =	stream.linear.scatter [tilespmem:s20], [sflag:$0x1], $0x80, $0x38;
	[tilespmem:$0x6080] =	vst v63  }
0x232: {  	s22 =	simm.s32 $0x4F80;
	s21 =	sadd.s32 $0x80, s19  }
0x233: {  	[hbm4b:s21+s2] =	stream.linear.scatter [tilespmem:s22], [sflag:$0x1], $0x80, $0x38;
	[tilespmem:$0x6080] =	vst v63  }
0x234: {  	s24 =	simm.s32 $0x5380;
	s23 =	sadd.s32 $0x100, s19  }
0x235: {  	[hbm4b:s23+s2] =	stream.linear.scatter [tilespmem:s24], [sflag:$0x1], $0x80, $0x38;
	[tilespmem:$0x6080] =	vst v63  }
0x236: {  	s26 =	simm.s32 $0x5780;
	s25 =	sadd.s32 $0x180, s19  }
0x237: {  	[hbm4b:s25+s2] =	stream.linear.scatter [tilespmem:s26], [sflag:$0x1], $0x80, $0x38;
	[tilespmem:$0x6080] =	vst v63  }
0x238: {  	s29 =	simm.s32 $0x5B80;
	s28 =	sadd.s32 $0x200, s19  }
0x239: {  	[hbm4b:s28+s2] =	stream.linear.scatter [tilespmem:s29], [sflag:$0x1], $0x80, $0x38;
	[tilespmem:$0x6080] =	vst v63  }
0x23a: {  	s30 =	simm.s32 $0x5F80;
	s31 =	simm.s32 $0x1;
	s3 =	sadd.s32 $0x280, s19  }
0x23b: {  	[hbm4b:s3+s2] =	stream.linear.scatter [tilespmem:s30], [sflag:$0x1], $0x80, $0x38;
	[tilespmem:$0x6080] =	vst v63  }
0x23c: {  	_ =	swait.ge [sflag:s31], $0x300  }
0x23d: {  	[sflag:s31] =	ssyncset.done $0x0  }
0x23e: {  	[sflag:s31] =	ssyncadd.s32 $0xFFFFFD00  }
0x23f: {  	_ =	swait.ge [sflag:s31], $0x300  }
0x240: {  	[sflag:s31] =	ssyncset.done $0x0  }
0x241: {  	[sflag:s31] =	ssyncadd.s32 $0xFFFFFD00  }
0x242: {  	_ =	swait.ge [sflag:s31], $0x300  }
0x243: {  	[sflag:s31] =	ssyncset.done $0x0  }
0x244: {  	[sflag:s31] =	ssyncadd.s32 $0xFFFFFD00  }
0x245: {  	_ =	swait.ge [sflag:s31], $0x300  }
0x246: {  	[sflag:s31] =	ssyncset.done $0x0  }
0x247: {  	[sflag:s31] =	ssyncadd.s32 $0xFFFFFD00  }
0x248: {  	_ =	swait.ge [sflag:s31], $0x300  }
0x249: {  	[sflag:s31] =	ssyncset.done $0x0  }
0x24a: {  	[sflag:s31] =	ssyncadd.s32 $0xFFFFFD00  }
0x24b: {  	_ =	swait.ge [sflag:s31], $0x300  }
0x24c: {  	[sflag:s31] =	ssyncset.done $0x0  }
0x24d: {  	[sflag:s31] =	ssyncadd.s32 $0xFFFFFD00  }
0x24e: {  	_ =	swait.ge [sflag:s31], $0x300  }
0x24f: {  	[sflag:s31] =	ssyncset.done $0x0  }
0x250: {  	[sflag:s31] =	ssyncadd.s32 $0xFFFFFD00  }
0x251: {  	_ =	swait.ge [sflag:s31], $0x300  }
0x252: {  	[sflag:s31] =	ssyncset.done $0x0  }
0x253: {  	[sflag:s31] =	ssyncadd.s32 $0xFFFFFD00  }
0x254: {  	_ =	swait.ge [sflag:s31], $0x300  }
0x255: {  	[sflag:s31] =	ssyncset.done $0x0  }
0x256: {  	[sflag:s31] =	ssyncadd.s32 $0xFFFFFD00  }
0x257: {  	_ =	swait.ge [sflag:s31], $0x300  }
0x258: {  	[sflag:s31] =	ssyncset.done $0x0  }
0x259: {  	[sflag:s31] =	ssyncadd.s32 $0xFFFFFD00  }
0x25a: {  	_ =	swait.ge [sflag:s31], $0x300  }
0x25b: {  	[sflag:s31] =	ssyncset.done $0x0  }
0x25c: {  	[sflag:s31] =	ssyncadd.s32 $0xFFFFFD00  }
0x25d: {  	_ =	swait.ge [sflag:s31], $0x300  }
0x25e: {  	[sflag:s31] =	ssyncset.done $0x0  }
0x25f: {  	[sflag:s31] =	ssyncadd.s32 $0xFFFFFD00  }
0x260: {  	_ =	swait.ge [sflag:s31], $0x300  }
0x261: {  	[sflag:s31] =	ssyncset.done $0x0  }
0x262: {  	[sflag:s31] =	ssyncadd.s32 $0xFFFFFD00  }
0x263: {  	_ =	swait.ge [sflag:s31], $0x300  }
0x264: {  	[sflag:s31] =	ssyncset.done $0x0  }
0x265: {  	[sflag:s31] =	ssyncadd.s32 $0xFFFFFD00  }
0x266: {  	_ =	swait.ge [sflag:s31], $0x300  }
0x267: {  	[sflag:s31] =	ssyncset.done $0x0  }
0x268: {  	[sflag:s31] =	ssyncadd.s32 $0xFFFFFD00  }
0x269: {  	_ =	swait.ge [sflag:s31], $0x300  }
0x26a: {  	[sflag:s31] =	ssyncset.done $0x0  }
0x26b: {  	[sflag:s31] =	ssyncadd.s32 $0xFFFFFD00  }
0x26c: {  	_ =	swait.ge [sflag:s31], $0x300  }
0x26d: {  	[sflag:s31] =	ssyncset.done $0x0  }
0x26e: {  	[sflag:s31] =	ssyncadd.s32 $0xFFFFFD00  }
0x26f: {  	_ =	swait.ge [sflag:s31], $0x300  }
0x270: {  	[sflag:s31] =	ssyncset.done $0x0  }
0x271: {  	[sflag:s31] =	ssyncadd.s32 $0xFFFFFD00  }
0x272: {  	_ =	swait.ge [sflag:s31], $0x300  }
0x273: {  	[sflag:s31] =	ssyncset.done $0x0  }
0x274: {  	[sflag:s31] =	ssyncadd.s32 $0xFFFFFD00  }
0x275: {  	_ =	swait.ge [sflag:s31], $0x300  }
0x276: {  	[sflag:s31] =	ssyncset.done $0x0  }
0x277: {  	[sflag:s31] =	ssyncadd.s32 $0xFFFFFD00  }
0x278: {  	_ =	swait.ge [sflag:s31], $0x300  }
0x279: {  	[sflag:s31] =	ssyncset.done $0x0  }
0x27a: {  	[sflag:s31] =	ssyncadd.s32 $0xFFFFFD00  }
0x27b: {  	_ =	swait.ge [sflag:s31], $0x300  }
0x27c: {  	[sflag:s31] =	ssyncset.done $0x0  }
0x27d: {  	[sflag:s31] =	ssyncadd.s32 $0xFFFFFD00  }
0x27e: {  	_ =	swait.ge [sflag:s31], $0x300  }
0x27f: {  	[sflag:s31] =	ssyncset.done $0x0  }
0x280: {  	[sflag:s31] =	ssyncadd.s32 $0xFFFFFD00  }
0x281: {  	_ =	swait.ge [sflag:s31], $0x300  }
0x282: {  	[sflag:s31] =	ssyncset.done $0x0  }
0x283: {  	[sflag:s31] =	ssyncadd.s32 $0xFFFFFD00  }
0x284: {  	_ =	swait.ge [sflag:s31], $0x300  }
0x285: {  	[sflag:s31] =	ssyncset.done $0x0  }
0x286: {  	[sflag:s31] =	ssyncadd.s32 $0xFFFFFD00  }
0x287: {  	_ =	swait.ge [sflag:s31], $0x300  }
0x288: {  	[sflag:s31] =	ssyncset.done $0x0  }
0x289: {  	[sflag:s31] =	ssyncadd.s32 $0xFFFFFD00  }
0x28a: {  	_ =	swait.ge [sflag:s31], $0x300  }
0x28b: {  	[sflag:s31] =	ssyncset.done $0x0  }
0x28c: {  	[sflag:s31] =	ssyncadd.s32 $0xFFFFFD00  }
0x28d: {  	_ =	swait.ge [sflag:s31], $0x300  }
0x28e: {  	[sflag:s31] =	ssyncset.done $0x0  }
0x28f: {  	[sflag:s31] =	ssyncadd.s32 $0xFFFFFD00  }
0x290: {  	_ =	swait.ge [sflag:s31], $0x300  }
0x291: {  	[sflag:s31] =	ssyncset.done $0x0  }
0x292: {  	[sflag:s31] =	ssyncadd.s32 $0xFFFFFD00  }
0x293: {  	_ =	swait.ge [sflag:s31], $0x300  }
0x294: {  	[sflag:s31] =	ssyncset.done $0x0  }
0x295: {  	[sflag:s31] =	ssyncadd.s32 $0xFFFFFD00  }
0x296: {  	_ =	swait.ge [sflag:s31], $0x300  }
0x297: {  	[sflag:s31] =	ssyncset.done $0x0  }
0x298: {  	[sflag:s31] =	ssyncadd.s32 $0xFFFFFD00  }
0x299: {  	_ =	swait.ge [sflag:s31], $0x300  }
0x29a: {  	[sflag:s31] =	ssyncset.done $0x0  }
0x29b: {  	[sflag:s31] =	ssyncadd.s32 $0xFFFFFD00  }
.LBB2_2:
0x29c: {  	_ =	sfence.sel $0x180000  }
0x29d: {  	[bflag:$0x0] =	sbarrier.arrive $0xFFFF  }
0x29e: {  	p0 =	sne.s32 s1, $0x0;
	_ =	strace $0x90000047  }
0x29f: {  	s0 =	sadd.s32 @!p0 $0x100000, s0;
	[bflag:$0x2] =	sbarrier.arrive $0xFFFF  }
0x2a0: {  	[sflag:s0] =	ssyncadd.tile.s32 @!p0 $0x1;
	_ =	shalt  }
.Lfunc_end2:
_tile_overlayer_lowered:
.L_overlay_start_2:
0x2a1: {  	(tag) =	ssettag $0x2  }
0x2a2: {  	s0 =	rddreg [dreg:$0x0];
	s2 =	stileid.u32  }
0x2a3: {  	s1 =	rddreg [dreg:$0x1];
	p0 =	sne.s32 s2, $0x0  }
0x2a4: {  	s3 =	rddreg [dreg:$0x2];
	[bflag:$0x3] =	sbarrier.arrive $0xFFFF;
	s2 =	simm.s32 @!p0 $0x1C02  }
0x2a5: {  	[timem:s3], [sflag:s2] =	dma.local @!p0 [hbm:s0], s1  }
0x2a6: {  	s0 =	simm.s32 @!p0 $0x2  }
0x2a7: {  	_ =	swait.ge @!p0 [sflag:s0], s1  }
0x2a8: {  	s1 =	ssub.s32 @!p0 $0x0, s1;
	[sflag:s0] =	ssyncset.done @!p0 $0x0  }
0x2a9: {  	[sflag:s0] =	ssyncadd.s32 @!p0 s1  }
0x2aa: {  	[bflag:$0x3] =	sbarrier.arrive $0xFFFF  }
0x2ab: {  	_ =	shalt  }

</sc_bundles>
